<compile_context>
chip_gen: v7x
topology: tpu7x:2x2x1
jax: 0.10.2.dev20260603
libtpu: 0.0.44.dev20260713+nightly
codegen_flags: <defaults>
</compile_context>

<pallas_src>
import functools

import jax
import jax.numpy as jnp
from jax import lax
from jax.experimental import pallas as pl
from jax.experimental.pallas import tpu as pltpu
from jax.experimental.pallas import tpu_sc as plsc

NUM_NODES = 1000000
EMBED_DIM = 32
BATCH = 16384

NC = 2
NS = 16
NW = NC * NS
B_PER_W = BATCH // NW
DEPTH = 16
GROUPS = B_PER_W // DEPTH

_mesh = plsc.VectorSubcoreMesh(
    core_axis_name="c", subcore_axis_name="s", num_cores=NC, num_subcores=NS
)


@functools.partial(
    pl.kernel,
    mesh=_mesh,
    out_type=jax.ShapeDtypeStruct((EMBED_DIM, BATCH), jnp.float32),
    scratch_types=[
        pltpu.VMEM((B_PER_W,), jnp.int32),
        pltpu.VMEM((DEPTH, EMBED_DIM, 128), jnp.float32),
        pltpu.VMEM((EMBED_DIM, B_PER_W), jnp.float32),
        pltpu.SemaphoreType.DMA((DEPTH,)),
    ],
    compiler_params=pltpu.CompilerParams(needs_layout_passes=False),
)
def _gather_kernel(tbl_hbm, idx_hbm, out_hbm, idx_v, buf_v, out_v, sems):
    wid = lax.axis_index("s") * NC + lax.axis_index("c")
    base = wid * B_PER_W
    pltpu.sync_copy(idx_hbm.at[pl.ds(base, B_PER_W)], idx_v)

    rows_lo = lax.iota(jnp.int32, 16)
    rows_hi = rows_lo + 16

    def col_slice(i):
        return pl.ds(pl.multiple_of((i >> 7) * 128, 128), 128)

    def fire(i, r):
        pltpu.async_copy(
            tbl_hbm.at[:, col_slice(i)], buf_v.at[r], sems.at[r]
        )

    first = idx_v[pl.ds(0, DEPTH)]
    for r in range(DEPTH):
        fire(first[r], r)

    def group(g, _):
        cur = idx_v[pl.ds(g * DEPTH, DEPTH)]
        nxt_start = jnp.minimum((g + 1) * DEPTH, B_PER_W - DEPTH)
        nxt = idx_v[pl.ds(nxt_start, DEPTH)]
        not_last = g < GROUPS - 1
        for r in range(DEPTH):
            j = g * DEPTH + r
            i = cur[r]
            lane_v = jnp.full((16,), i & 127, jnp.int32)
            pltpu.make_async_copy(
                tbl_hbm.at[:, col_slice(i)], buf_v.at[r], sems.at[r]
            ).wait()
            v_lo = plsc.load_gather(buf_v.at[r], [rows_lo, lane_v])
            v_hi = plsc.load_gather(buf_v.at[r], [rows_hi, lane_v])

            @pl.when(not_last)
            def _():
                fire(nxt[r], r)

            col_v = jnp.full((16,), j, jnp.int32)
            plsc.store_scatter(out_v, [rows_lo, col_v], v_lo)
            plsc.store_scatter(out_v, [rows_hi, col_v], v_hi)
        return ()

    lax.fori_loop(0, GROUPS, group, (), unroll=False)
    pltpu.sync_copy(out_v, out_hbm.at[:, pl.ds(base, B_PER_W)])


def kernel(table, batch):
    out_t = _gather_kernel(table.T, batch)
    return out_t.T

# --- scband reference (transcript-rebuilt; emitter-appended) ---
"""Pipeline reference for scband-line-w1-9517647528482 (READ-ONLY COPY).

The authoritative reference and input builder live on the scoring server;
editing this copy changes nothing except your own understanding.
"""

import jax, jax.numpy as jnp
import numpy as np

NUM_NODES = 1000000
EMBED_DIM = 32
BATCH = 16384

def setup_inputs(seed: int = 0) -> dict:
    key = jax.random.key(seed)
    k_table, k_batch = jax.random.split(key)
    # Embedding.reset_parameters initializes with N(0, 1)
    table = jax.random.normal(k_table, (NUM_NODES, EMBED_DIM), dtype=jnp.float32)
    batch = jax.random.randint(k_batch, (BATCH,), 0, NUM_NODES, dtype=jnp.int64 if jax.config.jax_enable_x64 else jnp.int32)
    return {"table": table, "batch": batch}

def reference(table, batch):
    # forward(batch) -> self.embedding.weight[batch]
    return jnp.take(table, batch, axis=0)

if __name__ == "__main__":
    import jax
    _d = setup_inputs()
    print(jax.jit(kernel)(*tuple(_d.values())))

</pallas_src>

<mosaic_0001>
#map = affine_map<(d0, d1) -> (0, 0)>
#map1 = affine_map<(d0, d1) -> (0)>
module attributes {stable_mosaic.version = 14 : i64} {
  func.func @_gather_kernel(%arg0: i32, %arg1: i32, %arg2: memref<32x1000000xf32, #tpu.memory_space<hbm>>, %arg3: memref<16384xi32, #tpu.memory_space<hbm>>, %arg4: memref<32x16384xf32, #tpu.memory_space<hbm>>, %arg5: memref<512xi32, #tpu.memory_space<vmem>>, %arg6: memref<16x32x128xf32, #tpu.memory_space<vmem>>, %arg7: memref<32x512xf32, #tpu.memory_space<vmem>>, %arg8: memref<16x!tpu.dma_semaphore, #tpu.memory_space<semaphore_mem>>) attributes {dimension_semantics = [#tpu.dimension_semantics<core_parallel>, #tpu.dimension_semantics<subcore_parallel>], iteration_bounds = array<i64: 2, 16>, scalar_prefetch = 0 : i64, scratch_operands = 4 : i64, tpu.core_type = #tpu.core_type<sc_vector_subcore>, window_params = [{transform_indices = #map}, {transform_indices = #map1}, {transform_indices = #map}]} {
    %mul3A = arith.constant 2 : i32
    %mul3A_0 = arith.muli %arg1, %mul3A : i32
    %add3A = arith.addi %mul3A_0, %arg0 : i32
    %mul3A_1 = arith.constant 512 : i32
    %mul3A_2 = arith.muli %add3A, %mul3A_1 : i32
    "tpu.region"() ({
      %run_scoped3A = tpu.sem_alloc : memref<!tpu.dma_semaphore, #tpu.memory_space<semaphore_mem>>
      %dma_start3A_374 = tpu.memref_slice %arg3[%mul3A_2] : memref<16384xi32, #tpu.memory_space<hbm>> -> memref<512xi32, #tpu.memory_space<hbm>>
      %dma_start3A_375 = tpu.memref_slice %arg3[%mul3A_2] : memref<16384xi32, #tpu.memory_space<hbm>> -> memref<512xi32, #tpu.memory_space<hbm>>
      tpu.enqueue_dma source(%dma_start3A_375 : memref<512xi32, #tpu.memory_space<hbm>>) target(%arg5 : memref<512xi32, #tpu.memory_space<vmem>>) target_semaphore(%run_scoped3A : memref<!tpu.dma_semaphore, #tpu.memory_space<semaphore_mem>>)
      %dma_wait3A = tpu.memref_slice %arg3[%mul3A_2] : memref<16384xi32, #tpu.memory_space<hbm>> -> memref<512xi32, #tpu.memory_space<hbm>>
      %dma_wait3A_376 = tpu.memref_slice %arg3[%mul3A_2] : memref<16384xi32, #tpu.memory_space<hbm>> -> memref<512xi32, #tpu.memory_space<hbm>>
      tpu.wait_dma2 semaphore(%run_scoped3A : memref<!tpu.dma_semaphore, #tpu.memory_space<semaphore_mem>>) src(%dma_wait3A_376 : memref<512xi32, #tpu.memory_space<hbm>>) dst(%arg5 : memref<512xi32, #tpu.memory_space<vmem>>)
      tpu.yield
    }) : () -> ()
    %iota3A = tpu.iota {dimensions = array<i32: 0>} : vector<16xi32>
    %add3A_3 = arith.constant 16 : i32
    %add3A_4 = vector.broadcast %add3A_3 : i32 to vector<16xi32>
    %add3A_5 = arith.addi %iota3A, %add3A_4 : vector<16xi32>
    %get3A = arith.constant 0 : index
    %get3A_6 = tpu.vector_load %arg5[%get3A] {strides = array<i32>} : memref<512xi32, #tpu.memory_space<vmem>>, vector<16xi32>,
    %slice3A = vector.extract_strided_slice %get3A_6 {offsets = [0], sizes = [1], strides = [1]} : vector<16xi32> to vector<1xi32>
    %squeeze3A = vector.extract %slice3A[0] : i32 from vector<1xi32>
    %shift_right_arithmetic3A = arith.constant 7 : i32
    %shift_right_arithmetic3A_7 = arith.shrsi %squeeze3A, %shift_right_arithmetic3A : i32
    %mul3A_8 = arith.constant 128 : i32
    %mul3A_9 = arith.muli %shift_right_arithmetic3A_7, %mul3A_8 : i32
    %multiple_of3A = tpu.assume_multiple %mul3A_9, 128 : i32
    %dma_start3A = arith.constant 0 : i32
    %dma_start3A_10 = arith.constant 0 : i32
    %dma_start3A_11 = arith.constant 0 : i32
    %dma_start3A_12 = arith.constant 0 : i32
    %dma_start3A_13 = tpu.memref_slice %arg6[%dma_start3A, %dma_start3A_11, %dma_start3A_12] : memref<16x32x128xf32, #tpu.memory_space<vmem>> -> memref<1x32x128xf32, #tpu.memory_space<vmem>>
    %dma_start3A_14 = tpu.memref_squeeze %dma_start3A_13 : memref<1x32x128xf32, #tpu.memory_space<vmem>> -> memref<32x128xf32, #tpu.memory_space<vmem>>
    %dma_start3A_15 = arith.constant 0 : i32
    %dma_start3A_16 = tpu.memref_slice %arg2[%dma_start3A_15, %multiple_of3A] : memref<32x1000000xf32, #tpu.memory_space<hbm>> -> memref<32x128xf32, #tpu.memory_space<hbm>>
    %dma_start3A_17 = tpu.memref_slice %arg8[%dma_start3A_10] : memref<16x!tpu.dma_semaphore, #tpu.memory_space<semaphore_mem>> -> memref<1x!tpu.dma_semaphore, #tpu.memory_space<semaphore_mem>>
    %dma_start3A_18 = tpu.memref_squeeze %dma_start3A_17 : memref<1x!tpu.dma_semaphore, #tpu.memory_space<semaphore_mem>> -> memref<!tpu.dma_semaphore, #tpu.memory_space<semaphore_mem>>
    %dma_start3A_19 = arith.constant 0 : i32
    %dma_start3A_20 = arith.constant 0 : i32
    %dma_start3A_21 = tpu.memref_slice %arg6[%dma_start3A, %dma_start3A_19, %dma_start3A_20] : memref<16x32x128xf32, #tpu.memory_space<vmem>> -> memref<1x32x128xf32, #tpu.memory_space<vmem>>
    %dma_start3A_22 = tpu.memref_squeeze %dma_start3A_21 : memref<1x32x128xf32, #tpu.memory_space<vmem>> -> memref<32x128xf32, #tpu.memory_space<vmem>>
    %dma_start3A_23 = arith.constant 0 : i32
    %dma_start3A_24 = tpu.memref_slice %arg2[%dma_start3A_23, %multiple_of3A] : memref<32x1000000xf32, #tpu.memory_space<hbm>> -> memref<32x128xf32, #tpu.memory_space<hbm>>
    tpu.enqueue_dma source(%dma_start3A_24 : memref<32x128xf32, #tpu.memory_space<hbm>>) target(%dma_start3A_22 : memref<32x128xf32, #tpu.memory_space<vmem>>) target_semaphore(%dma_start3A_18 : memref<!tpu.dma_semaphore, #tpu.memory_space<semaphore_mem>>)
    %slice3A_25 = vector.extract_strided_slice %get3A_6 {offsets = [1], sizes = [1], strides = [1]} : vector<16xi32> to vector<1xi32>
    %squeeze3A_26 = vector.extract %slice3A_25[0] : i32 from vector<1xi32>
    %shift_right_arithmetic3A_27 = arith.constant 7 : i32
    %shift_right_arithmetic3A_28 = arith.shrsi %squeeze3A_26, %shift_right_arithmetic3A_27 : i32
    %mul3A_29 = arith.constant 128 : i32
    %mul3A_30 = arith.muli %shift_right_arithmetic3A_28, %mul3A_29 : i32
    %multiple_of3A_31 = tpu.assume_multiple %mul3A_30, 128 : i32
    %dma_start3A_32 = arith.constant 1 : i32
    %dma_start3A_33 = arith.constant 1 : i32
    %dma_start3A_34 = arith.constant 0 : i32
    %dma_start3A_35 = arith.constant 0 : i32
    %dma_start3A_36 = tpu.memref_slice %arg6[%dma_start3A_32, %dma_start3A_34, %dma_start3A_35] : memref<16x32x128xf32, #tpu.memory_space<vmem>> -> memref<1x32x128xf32, #tpu.memory_space<vmem>>
    %dma_start3A_37 = tpu.memref_squeeze %dma_start3A_36 : memref<1x32x128xf32, #tpu.memory_space<vmem>> -> memref<32x128xf32, #tpu.memory_space<vmem>>
    %dma_start3A_38 = arith.constant 0 : i32
    %dma_start3A_39 = tpu.memref_slice %arg2[%dma_start3A_38, %multiple_of3A_31] : memref<32x1000000xf32, #tpu.memory_space<hbm>> -> memref<32x128xf32, #tpu.memory_space<hbm>>
    %dma_start3A_40 = tpu.memref_slice %arg8[%dma_start3A_33] : memref<16x!tpu.dma_semaphore, #tpu.memory_space<semaphore_mem>> -> memref<1x!tpu.dma_semaphore, #tpu.memory_space<semaphore_mem>>
    %dma_start3A_41 = tpu.memref_squeeze %dma_start3A_40 : memref<1x!tpu.dma_semaphore, #tpu.memory_space<semaphore_mem>> -> memref<!tpu.dma_semaphore, #tpu.memory_space<semaphore_mem>>
    %dma_start3A_42 = arith.constant 0 : i32
    %dma_start3A_43 = arith.constant 0 : i32
    %dma_start3A_44 = tpu.memref_slice %arg6[%dma_start3A_32, %dma_start3A_42, %dma_start3A_43] : memref<16x32x128xf32, #tpu.memory_space<vmem>> -> memref<1x32x128xf32, #tpu.memory_space<vmem>>
    %dma_start3A_45 = tpu.memref_squeeze %dma_start3A_44 : memref<1x32x128xf32, #tpu.memory_space<vmem>> -> memref<32x128xf32, #tpu.memory_space<vmem>>
    %dma_start3A_46 = arith.constant 0 : i32
    %dma_start3A_47 = tpu.memref_slice %arg2[%dma_start3A_46, %multiple_of3A_31] : memref<32x1000000xf32, #tpu.memory_space<hbm>> -> memref<32x128xf32, #tpu.memory_space<hbm>>
    tpu.enqueue_dma source(%dma_start3A_47 : memref<32x128xf32, #tpu.memory_space<hbm>>) target(%dma_start3A_45 : memref<32x128xf32, #tpu.memory_space<vmem>>) target_semaphore(%dma_start3A_41 : memref<!tpu.dma_semaphore, #tpu.memory_space<semaphore_mem>>)
    %slice3A_48 = vector.extract_strided_slice %get3A_6 {offsets = [2], sizes = [1], strides = [1]} : vector<16xi32> to vector<1xi32>
    %squeeze3A_49 = vector.extract %slice3A_48[0] : i32 from vector<1xi32>
    %shift_right_arithmetic3A_50 = arith.constant 7 : i32
    %shift_right_arithmetic3A_51 = arith.shrsi %squeeze3A_49, %shift_right_arithmetic3A_50 : i32
    %mul3A_52 = arith.constant 128 : i32
    %mul3A_53 = arith.muli %shift_right_arithmetic3A_51, %mul3A_52 : i32
    %multiple_of3A_54 = tpu.assume_multiple %mul3A_53, 128 : i32
    %dma_start3A_55 = arith.constant 2 : i32
    %dma_start3A_56 = arith.constant 2 : i32
    %dma_start3A_57 = arith.constant 0 : i32
    %dma_start3A_58 = arith.constant 0 : i32
    %dma_start3A_59 = tpu.memref_slice %arg6[%dma_start3A_55, %dma_start3A_57, %dma_start3A_58] : memref<16x32x128xf32, #tpu.memory_space<vmem>> -> memref<1x32x128xf32, #tpu.memory_space<vmem>>
    %dma_start3A_60 = tpu.memref_squeeze %dma_start3A_59 : memref<1x32x128xf32, #tpu.memory_space<vmem>> -> memref<32x128xf32, #tpu.memory_space<vmem>>
    %dma_start3A_61 = arith.constant 0 : i32
    %dma_start3A_62 = tpu.memref_slice %arg2[%dma_start3A_61, %multiple_of3A_54] : memref<32x1000000xf32, #tpu.memory_space<hbm>> -> memref<32x128xf32, #tpu.memory_space<hbm>>
    %dma_start3A_63 = tpu.memref_slice %arg8[%dma_start3A_56] : memref<16x!tpu.dma_semaphore, #tpu.memory_space<semaphore_mem>> -> memref<1x!tpu.dma_semaphore, #tpu.memory_space<semaphore_mem>>
    %dma_start3A_64 = tpu.memref_squeeze %dma_start3A_63 : memref<1x!tpu.dma_semaphore, #tpu.memory_space<semaphore_mem>> -> memref<!tpu.dma_semaphore, #tpu.memory_space<semaphore_mem>>
    %dma_start3A_65 = arith.constant 0 : i32
    %dma_start3A_66 = arith.constant 0 : i32
    %dma_start3A_67 = tpu.memref_slice %arg6[%dma_start3A_55, %dma_start3A_65, %dma_start3A_66] : memref<16x32x128xf32, #tpu.memory_space<vmem>> -> memref<1x32x128xf32, #tpu.memory_space<vmem>>
    %dma_start3A_68 = tpu.memref_squeeze %dma_start3A_67 : memref<1x32x128xf32, #tpu.memory_space<vmem>> -> memref<32x128xf32, #tpu.memory_space<vmem>>
    %dma_start3A_69 = arith.constant 0 : i32
    %dma_start3A_70 = tpu.memref_slice %arg2[%dma_start3A_69, %multiple_of3A_54] : memref<32x1000000xf32, #tpu.memory_space<hbm>> -> memref<32x128xf32, #tpu.memory_space<hbm>>
    tpu.enqueue_dma source(%dma_start3A_70 : memref<32x128xf32, #tpu.memory_space<hbm>>) target(%dma_start3A_68 : memref<32x128xf32, #tpu.memory_space<vmem>>) target_semaphore(%dma_start3A_64 : memref<!tpu.dma_semaphore, #tpu.memory_space<semaphore_mem>>)
    %slice3A_71 = vector.extract_strided_slice %get3A_6 {offsets = [3], sizes = [1], strides = [1]} : vector<16xi32> to vector<1xi32>
    %squeeze3A_72 = vector.extract %slice3A_71[0] : i32 from vector<1xi32>
    %shift_right_arithmetic3A_73 = arith.constant 7 : i32
    %shift_right_arithmetic3A_74 = arith.shrsi %squeeze3A_72, %shift_right_arithmetic3A_73 : i32
    %mul3A_75 = arith.constant 128 : i32
    %mul3A_76 = arith.muli %shift_right_arithmetic3A_74, %mul3A_75 : i32
    %multiple_of3A_77 = tpu.assume_multiple %mul3A_76, 128 : i32
    %dma_start3A_78 = arith.constant 3 : i32
    %dma_start3A_79 = arith.constant 3 : i32
    %dma_start3A_80 = arith.constant 0 : i32
    %dma_start3A_81 = arith.constant 0 : i32
    %dma_start3A_82 = tpu.memref_slice %arg6[%dma_start3A_78, %dma_start3A_80, %dma_start3A_81] : memref<16x32x128xf32, #tpu.memory_space<vmem>> -> memref<1x32x128xf32, #tpu.memory_space<vmem>>
    %dma_start3A_83 = tpu.memref_squeeze %dma_start3A_82 : memref<1x32x128xf32, #tpu.memory_space<vmem>> -> memref<32x128xf32, #tpu.memory_space<vmem>>
    %dma_start3A_84 = arith.constant 0 : i32
    %dma_start3A_85 = tpu.memref_slice %arg2[%dma_start3A_84, %multiple_of3A_77] : memref<32x1000000xf32, #tpu.memory_space<hbm>> -> memref<32x128xf32, #tpu.memory_space<hbm>>
    %dma_start3A_86 = tpu.memref_slice %arg8[%dma_start3A_79] : memref<16x!tpu.dma_semaphore, #tpu.memory_space<semaphore_mem>> -> memref<1x!tpu.dma_semaphore, #tpu.memory_space<semaphore_mem>>
    %dma_start3A_87 = tpu.memref_squeeze %dma_start3A_86 : memref<1x!tpu.dma_semaphore, #tpu.memory_space<semaphore_mem>> -> memref<!tpu.dma_semaphore, #tpu.memory_space<semaphore_mem>>
    %dma_start3A_88 = arith.constant 0 : i32
    %dma_start3A_89 = arith.constant 0 : i32
    %dma_start3A_90 = tpu.memref_slice %arg6[%dma_start3A_78, %dma_start3A_88, %dma_start3A_89] : memref<16x32x128xf32, #tpu.memory_space<vmem>> -> memref<1x32x128xf32, #tpu.memory_space<vmem>>
    %dma_start3A_91 = tpu.memref_squeeze %dma_start3A_90 : memref<1x32x128xf32, #tpu.memory_space<vmem>> -> memref<32x128xf32, #tpu.memory_space<vmem>>
    %dma_start3A_92 = arith.constant 0 : i32
    %dma_start3A_93 = tpu.memref_slice %arg2[%dma_start3A_92, %multiple_of3A_77] : memref<32x1000000xf32, #tpu.memory_space<hbm>> -> memref<32x128xf32, #tpu.memory_space<hbm>>
    tpu.enqueue_dma source(%dma_start3A_93 : memref<32x128xf32, #tpu.memory_space<hbm>>) target(%dma_start3A_91 : memref<32x128xf32, #tpu.memory_space<vmem>>) target_semaphore(%dma_start3A_87 : memref<!tpu.dma_semaphore, #tpu.memory_space<semaphore_mem>>)
    %slice3A_94 = vector.extract_strided_slice %get3A_6 {offsets = [4], sizes = [1], strides = [1]} : vector<16xi32> to vector<1xi32>
    %squeeze3A_95 = vector.extract %slice3A_94[0] : i32 from vector<1xi32>
    %shift_right_arithmetic3A_96 = arith.constant 7 : i32
    %shift_right_arithmetic3A_97 = arith.shrsi %squeeze3A_95, %shift_right_arithmetic3A_96 : i32
    %mul3A_98 = arith.constant 128 : i32
    %mul3A_99 = arith.muli %shift_right_arithmetic3A_97, %mul3A_98 : i32
    %multiple_of3A_100 = tpu.assume_multiple %mul3A_99, 128 : i32
    %dma_start3A_101 = arith.constant 4 : i32
    %dma_start3A_102 = arith.constant 4 : i32
    %dma_start3A_103 = arith.constant 0 : i32
    %dma_start3A_104 = arith.constant 0 : i32
    %dma_start3A_105 = tpu.memref_slice %arg6[%dma_start3A_101, %dma_start3A_103, %dma_start3A_104] : memref<16x32x128xf32, #tpu.memory_space<vmem>> -> memref<1x32x128xf32, #tpu.memory_space<vmem>>
    %dma_start3A_106 = tpu.memref_squeeze %dma_start3A_105 : memref<1x32x128xf32, #tpu.memory_space<vmem>> -> memref<32x128xf32, #tpu.memory_space<vmem>>
    %dma_start3A_107 = arith.constant 0 : i32
    %dma_start3A_108 = tpu.memref_slice %arg2[%dma_start3A_107, %multiple_of3A_100] : memref<32x1000000xf32, #tpu.memory_space<hbm>> -> memref<32x128xf32, #tpu.memory_space<hbm>>
    %dma_start3A_109 = tpu.memref_slice %arg8[%dma_start3A_102] : memref<16x!tpu.dma_semaphore, #tpu.memory_space<semaphore_mem>> -> memref<1x!tpu.dma_semaphore, #tpu.memory_space<semaphore_mem>>
    %dma_start3A_110 = tpu.memref_squeeze %dma_start3A_109 : memref<1x!tpu.dma_semaphore, #tpu.memory_space<semaphore_mem>> -> memref<!tpu.dma_semaphore, #tpu.memory_space<semaphore_mem>>
    %dma_start3A_111 = arith.constant 0 : i32
    %dma_start3A_112 = arith.constant 0 : i32
    %dma_start3A_113 = tpu.memref_slice %arg6[%dma_start3A_101, %dma_start3A_111, %dma_start3A_112] : memref<16x32x128xf32, #tpu.memory_space<vmem>> -> memref<1x32x128xf32, #tpu.memory_space<vmem>>
    %dma_start3A_114 = tpu.memref_squeeze %dma_start3A_113 : memref<1x32x128xf32, #tpu.memory_space<vmem>> -> memref<32x128xf32, #tpu.memory_space<vmem>>
    %dma_start3A_115 = arith.constant 0 : i32
    %dma_start3A_116 = tpu.memref_slice %arg2[%dma_start3A_115, %multiple_of3A_100] : memref<32x1000000xf32, #tpu.memory_space<hbm>> -> memref<32x128xf32, #tpu.memory_space<hbm>>
    tpu.enqueue_dma source(%dma_start3A_116 : memref<32x128xf32, #tpu.memory_space<hbm>>) target(%dma_start3A_114 : memref<32x128xf32, #tpu.memory_space<vmem>>) target_semaphore(%dma_start3A_110 : memref<!tpu.dma_semaphore, #tpu.memory_space<semaphore_mem>>)
    %slice3A_117 = vector.extract_strided_slice %get3A_6 {offsets = [5], sizes = [1], strides = [1]} : vector<16xi32> to vector<1xi32>
    %squeeze3A_118 = vector.extract %slice3A_117[0] : i32 from vector<1xi32>
    %shift_right_arithmetic3A_119 = arith.constant 7 : i32
    %shift_right_arithmetic3A_120 = arith.shrsi %squeeze3A_118, %shift_right_arithmetic3A_119 : i32
    %mul3A_121 = arith.constant 128 : i32
    %mul3A_122 = arith.muli %shift_right_arithmetic3A_120, %mul3A_121 : i32
    %multiple_of3A_123 = tpu.assume_multiple %mul3A_122, 128 : i32
    %dma_start3A_124 = arith.constant 5 : i32
    %dma_start3A_125 = arith.constant 5 : i32
    %dma_start3A_126 = arith.constant 0 : i32
    %dma_start3A_127 = arith.constant 0 : i32
    %dma_start3A_128 = tpu.memref_slice %arg6[%dma_start3A_124, %dma_start3A_126, %dma_start3A_127] : memref<16x32x128xf32, #tpu.memory_space<vmem>> -> memref<1x32x128xf32, #tpu.memory_space<vmem>>
    %dma_start3A_129 = tpu.memref_squeeze %dma_start3A_128 : memref<1x32x128xf32, #tpu.memory_space<vmem>> -> memref<32x128xf32, #tpu.memory_space<vmem>>
    %dma_start3A_130 = arith.constant 0 : i32
    %dma_start3A_131 = tpu.memref_slice %arg2[%dma_start3A_130, %multiple_of3A_123] : memref<32x1000000xf32, #tpu.memory_space<hbm>> -> memref<32x128xf32, #tpu.memory_space<hbm>>
    %dma_start3A_132 = tpu.memref_slice %arg8[%dma_start3A_125] : memref<16x!tpu.dma_semaphore, #tpu.memory_space<semaphore_mem>> -> memref<1x!tpu.dma_semaphore, #tpu.memory_space<semaphore_mem>>
    %dma_start3A_133 = tpu.memref_squeeze %dma_start3A_132 : memref<1x!tpu.dma_semaphore, #tpu.memory_space<semaphore_mem>> -> memref<!tpu.dma_semaphore, #tpu.memory_space<semaphore_mem>>
    %dma_start3A_134 = arith.constant 0 : i32
    %dma_start3A_135 = arith.constant 0 : i32
    %dma_start3A_136 = tpu.memref_slice %arg6[%dma_start3A_124, %dma_start3A_134, %dma_start3A_135] : memref<16x32x128xf32, #tpu.memory_space<vmem>> -> memref<1x32x128xf32, #tpu.memory_space<vmem>>
    %dma_start3A_137 = tpu.memref_squeeze %dma_start3A_136 : memref<1x32x128xf32, #tpu.memory_space<vmem>> -> memref<32x128xf32, #tpu.memory_space<vmem>>
    %dma_start3A_138 = arith.constant 0 : i32
    %dma_start3A_139 = tpu.memref_slice %arg2[%dma_start3A_138, %multiple_of3A_123] : memref<32x1000000xf32, #tpu.memory_space<hbm>> -> memref<32x128xf32, #tpu.memory_space<hbm>>
    tpu.enqueue_dma source(%dma_start3A_139 : memref<32x128xf32, #tpu.memory_space<hbm>>) target(%dma_start3A_137 : memref<32x128xf32, #tpu.memory_space<vmem>>) target_semaphore(%dma_start3A_133 : memref<!tpu.dma_semaphore, #tpu.memory_space<semaphore_mem>>)
    %slice3A_140 = vector.extract_strided_slice %get3A_6 {offsets = [6], sizes = [1], strides = [1]} : vector<16xi32> to vector<1xi32>
    %squeeze3A_141 = vector.extract %slice3A_140[0] : i32 from vector<1xi32>
    %shift_right_arithmetic3A_142 = arith.constant 7 : i32
    %shift_right_arithmetic3A_143 = arith.shrsi %squeeze3A_141, %shift_right_arithmetic3A_142 : i32
    %mul3A_144 = arith.constant 128 : i32
    %mul3A_145 = arith.muli %shift_right_arithmetic3A_143, %mul3A_144 : i32
    %multiple_of3A_146 = tpu.assume_multiple %mul3A_145, 128 : i32
    %dma_start3A_147 = arith.constant 6 : i32
    %dma_start3A_148 = arith.constant 6 : i32
    %dma_start3A_149 = arith.constant 0 : i32
    %dma_start3A_150 = arith.constant 0 : i32
    %dma_start3A_151 = tpu.memref_slice %arg6[%dma_start3A_147, %dma_start3A_149, %dma_start3A_150] : memref<16x32x128xf32, #tpu.memory_space<vmem>> -> memref<1x32x128xf32, #tpu.memory_space<vmem>>
    %dma_start3A_152 = tpu.memref_squeeze %dma_start3A_151 : memref<1x32x128xf32, #tpu.memory_space<vmem>> -> memref<32x128xf32, #tpu.memory_space<vmem>>
    %dma_start3A_153 = arith.constant 0 : i32
    %dma_start3A_154 = tpu.memref_slice %arg2[%dma_start3A_153, %multiple_of3A_146] : memref<32x1000000xf32, #tpu.memory_space<hbm>> -> memref<32x128xf32, #tpu.memory_space<hbm>>
    %dma_start3A_155 = tpu.memref_slice %arg8[%dma_start3A_148] : memref<16x!tpu.dma_semaphore, #tpu.memory_space<semaphore_mem>> -> memref<1x!tpu.dma_semaphore, #tpu.memory_space<semaphore_mem>>
    %dma_start3A_156 = tpu.memref_squeeze %dma_start3A_155 : memref<1x!tpu.dma_semaphore, #tpu.memory_space<semaphore_mem>> -> memref<!tpu.dma_semaphore, #tpu.memory_space<semaphore_mem>>
    %dma_start3A_157 = arith.constant 0 : i32
    %dma_start3A_158 = arith.constant 0 : i32
    %dma_start3A_159 = tpu.memref_slice %arg6[%dma_start3A_147, %dma_start3A_157, %dma_start3A_158] : memref<16x32x128xf32, #tpu.memory_space<vmem>> -> memref<1x32x128xf32, #tpu.memory_space<vmem>>
    %dma_start3A_160 = tpu.memref_squeeze %dma_start3A_159 : memref<1x32x128xf32, #tpu.memory_space<vmem>> -> memref<32x128xf32, #tpu.memory_space<vmem>>
    %dma_start3A_161 = arith.constant 0 : i32
    %dma_start3A_162 = tpu.memref_slice %arg2[%dma_start3A_161, %multiple_of3A_146] : memref<32x1000000xf32, #tpu.memory_space<hbm>> -> memref<32x128xf32, #tpu.memory_space<hbm>>
    tpu.enqueue_dma source(%dma_start3A_162 : memref<32x128xf32, #tpu.memory_space<hbm>>) target(%dma_start3A_160 : memref<32x128xf32, #tpu.memory_space<vmem>>) target_semaphore(%dma_start3A_156 : memref<!tpu.dma_semaphore, #tpu.memory_space<semaphore_mem>>)
    %slice3A_163 = vector.extract_strided_slice %get3A_6 {offsets = [7], sizes = [1], strides = [1]} : vector<16xi32> to vector<1xi32>
    %squeeze3A_164 = vector.extract %slice3A_163[0] : i32 from vector<1xi32>
    %shift_right_arithmetic3A_165 = arith.constant 7 : i32
    %shift_right_arithmetic3A_166 = arith.shrsi %squeeze3A_164, %shift_right_arithmetic3A_165 : i32
    %mul3A_167 = arith.constant 128 : i32
    %mul3A_168 = arith.muli %shift_right_arithmetic3A_166, %mul3A_167 : i32
    %multiple_of3A_169 = tpu.assume_multiple %mul3A_168, 128 : i32
    %dma_start3A_170 = arith.constant 7 : i32
    %dma_start3A_171 = arith.constant 7 : i32
    %dma_start3A_172 = arith.constant 0 : i32
    %dma_start3A_173 = arith.constant 0 : i32
    %dma_start3A_174 = tpu.memref_slice %arg6[%dma_start3A_170, %dma_start3A_172, %dma_start3A_173] : memref<16x32x128xf32, #tpu.memory_space<vmem>> -> memref<1x32x128xf32, #tpu.memory_space<vmem>>
    %dma_start3A_175 = tpu.memref_squeeze %dma_start3A_174 : memref<1x32x128xf32, #tpu.memory_space<vmem>> -> memref<32x128xf32, #tpu.memory_space<vmem>>
    %dma_start3A_176 = arith.constant 0 : i32
    %dma_start3A_177 = tpu.memref_slice %arg2[%dma_start3A_176, %multiple_of3A_169] : memref<32x1000000xf32, #tpu.memory_space<hbm>> -> memref<32x128xf32, #tpu.memory_space<hbm>>
    %dma_start3A_178 = tpu.memref_slice %arg8[%dma_start3A_171] : memref<16x!tpu.dma_semaphore, #tpu.memory_space<semaphore_mem>> -> memref<1x!tpu.dma_semaphore, #tpu.memory_space<semaphore_mem>>
    %dma_start3A_179 = tpu.memref_squeeze %dma_start3A_178 : memref<1x!tpu.dma_semaphore, #tpu.memory_space<semaphore_mem>> -> memref<!tpu.dma_semaphore, #tpu.memory_space<semaphore_mem>>
    %dma_start3A_180 = arith.constant 0 : i32
    %dma_start3A_181 = arith.constant 0 : i32
    %dma_start3A_182 = tpu.memref_slice %arg6[%dma_start3A_170, %dma_start3A_180, %dma_start3A_181] : memref<16x32x128xf32, #tpu.memory_space<vmem>> -> memref<1x32x128xf32, #tpu.memory_space<vmem>>
    %dma_start3A_183 = tpu.memref_squeeze %dma_start3A_182 : memref<1x32x128xf32, #tpu.memory_space<vmem>> -> memref<32x128xf32, #tpu.memory_space<vmem>>
    %dma_start3A_184 = arith.constant 0 : i32
    %dma_start3A_185 = tpu.memref_slice %arg2[%dma_start3A_184, %multiple_of3A_169] : memref<32x1000000xf32, #tpu.memory_space<hbm>> -> memref<32x128xf32, #tpu.memory_space<hbm>>
    tpu.enqueue_dma source(%dma_start3A_185 : memref<32x128xf32, #tpu.memory_space<hbm>>) target(%dma_start3A_183 : memref<32x128xf32, #tpu.memory_space<vmem>>) target_semaphore(%dma_start3A_179 : memref<!tpu.dma_semaphore, #tpu.memory_space<semaphore_mem>>)
    %slice3A_186 = vector.extract_strided_slice %get3A_6 {offsets = [8], sizes = [1], strides = [1]} : vector<16xi32> to vector<1xi32>
    %squeeze3A_187 = vector.extract %slice3A_186[0] : i32 from vector<1xi32>
    %shift_right_arithmetic3A_188 = arith.constant 7 : i32
    %shift_right_arithmetic3A_189 = arith.shrsi %squeeze3A_187, %shift_right_arithmetic3A_188 : i32
    %mul3A_190 = arith.constant 128 : i32
    %mul3A_191 = arith.muli %shift_right_arithmetic3A_189, %mul3A_190 : i32
    %multiple_of3A_192 = tpu.assume_multiple %mul3A_191, 128 : i32
    %dma_start3A_193 = arith.constant 8 : i32
    %dma_start3A_194 = arith.constant 8 : i32
    %dma_start3A_195 = arith.constant 0 : i32
    %dma_start3A_196 = arith.constant 0 : i32
    %dma_start3A_197 = tpu.memref_slice %arg6[%dma_start3A_193, %dma_start3A_195, %dma_start3A_196] : memref<16x32x128xf32, #tpu.memory_space<vmem>> -> memref<1x32x128xf32, #tpu.memory_space<vmem>>
    %dma_start3A_198 = tpu.memref_squeeze %dma_start3A_197 : memref<1x32x128xf32, #tpu.memory_space<vmem>> -> memref<32x128xf32, #tpu.memory_space<vmem>>
    %dma_start3A_199 = arith.constant 0 : i32
    %dma_start3A_200 = tpu.memref_slice %arg2[%dma_start3A_199, %multiple_of3A_192] : memref<32x1000000xf32, #tpu.memory_space<hbm>> -> memref<32x128xf32, #tpu.memory_space<hbm>>
    %dma_start3A_201 = tpu.memref_slice %arg8[%dma_start3A_194] : memref<16x!tpu.dma_semaphore, #tpu.memory_space<semaphore_mem>> -> memref<1x!tpu.dma_semaphore, #tpu.memory_space<semaphore_mem>>
    %dma_start3A_202 = tpu.memref_squeeze %dma_start3A_201 : memref<1x!tpu.dma_semaphore, #tpu.memory_space<semaphore_mem>> -> memref<!tpu.dma_semaphore, #tpu.memory_space<semaphore_mem>>
    %dma_start3A_203 = arith.constant 0 : i32
    %dma_start3A_204 = arith.constant 0 : i32
    %dma_start3A_205 = tpu.memref_slice %arg6[%dma_start3A_193, %dma_start3A_203, %dma_start3A_204] : memref<16x32x128xf32, #tpu.memory_space<vmem>> -> memref<1x32x128xf32, #tpu.memory_space<vmem>>
    %dma_start3A_206 = tpu.memref_squeeze %dma_start3A_205 : memref<1x32x128xf32, #tpu.memory_space<vmem>> -> memref<32x128xf32, #tpu.memory_space<vmem>>
    %dma_start3A_207 = arith.constant 0 : i32
    %dma_start3A_208 = tpu.memref_slice %arg2[%dma_start3A_207, %multiple_of3A_192] : memref<32x1000000xf32, #tpu.memory_space<hbm>> -> memref<32x128xf32, #tpu.memory_space<hbm>>
    tpu.enqueue_dma source(%dma_start3A_208 : memref<32x128xf32, #tpu.memory_space<hbm>>) target(%dma_start3A_206 : memref<32x128xf32, #tpu.memory_space<vmem>>) target_semaphore(%dma_start3A_202 : memref<!tpu.dma_semaphore, #tpu.memory_space<semaphore_mem>>)
    %slice3A_209 = vector.extract_strided_slice %get3A_6 {offsets = [9], sizes = [1], strides = [1]} : vector<16xi32> to vector<1xi32>
    %squeeze3A_210 = vector.extract %slice3A_209[0] : i32 from vector<1xi32>
    %shift_right_arithmetic3A_211 = arith.constant 7 : i32
    %shift_right_arithmetic3A_212 = arith.shrsi %squeeze3A_210, %shift_right_arithmetic3A_211 : i32
    %mul3A_213 = arith.constant 128 : i32
    %mul3A_214 = arith.muli %shift_right_arithmetic3A_212, %mul3A_213 : i32
    %multiple_of3A_215 = tpu.assume_multiple %mul3A_214, 128 : i32
    %dma_start3A_216 = arith.constant 9 : i32
    %dma_start3A_217 = arith.constant 9 : i32
    %dma_start3A_218 = arith.constant 0 : i32
    %dma_start3A_219 = arith.constant 0 : i32
    %dma_start3A_220 = tpu.memref_slice %arg6[%dma_start3A_216, %dma_start3A_218, %dma_start3A_219] : memref<16x32x128xf32, #tpu.memory_space<vmem>> -> memref<1x32x128xf32, #tpu.memory_space<vmem>>
    %dma_start3A_221 = tpu.memref_squeeze %dma_start3A_220 : memref<1x32x128xf32, #tpu.memory_space<vmem>> -> memref<32x128xf32, #tpu.memory_space<vmem>>
    %dma_start3A_222 = arith.constant 0 : i32
    %dma_start3A_223 = tpu.memref_slice %arg2[%dma_start3A_222, %multiple_of3A_215] : memref<32x1000000xf32, #tpu.memory_space<hbm>> -> memref<32x128xf32, #tpu.memory_space<hbm>>
    %dma_start3A_224 = tpu.memref_slice %arg8[%dma_start3A_217] : memref<16x!tpu.dma_semaphore, #tpu.memory_space<semaphore_mem>> -> memref<1x!tpu.dma_semaphore, #tpu.memory_space<semaphore_mem>>
    %dma_start3A_225 = tpu.memref_squeeze %dma_start3A_224 : memref<1x!tpu.dma_semaphore, #tpu.memory_space<semaphore_mem>> -> memref<!tpu.dma_semaphore, #tpu.memory_space<semaphore_mem>>
    %dma_start3A_226 = arith.constant 0 : i32
    %dma_start3A_227 = arith.constant 0 : i32
    %dma_start3A_228 = tpu.memref_slice %arg6[%dma_start3A_216, %dma_start3A_226, %dma_start3A_227] : memref<16x32x128xf32, #tpu.memory_space<vmem>> -> memref<1x32x128xf32, #tpu.memory_space<vmem>>
    %dma_start3A_229 = tpu.memref_squeeze %dma_start3A_228 : memref<1x32x128xf32, #tpu.memory_space<vmem>> -> memref<32x128xf32, #tpu.memory_space<vmem>>
    %dma_start3A_230 = arith.constant 0 : i32
    %dma_start3A_231 = tpu.memref_slice %arg2[%dma_start3A_230, %multiple_of3A_215] : memref<32x1000000xf32, #tpu.memory_space<hbm>> -> memref<32x128xf32, #tpu.memory_space<hbm>>
    tpu.enqueue_dma source(%dma_start3A_231 : memref<32x128xf32, #tpu.memory_space<hbm>>) target(%dma_start3A_229 : memref<32x128xf32, #tpu.memory_space<vmem>>) target_semaphore(%dma_start3A_225 : memref<!tpu.dma_semaphore, #tpu.memory_space<semaphore_mem>>)
    %slice3A_232 = vector.extract_strided_slice %get3A_6 {offsets = [10], sizes = [1], strides = [1]} : vector<16xi32> to vector<1xi32>
    %squeeze3A_233 = vector.extract %slice3A_232[0] : i32 from vector<1xi32>
    %shift_right_arithmetic3A_234 = arith.constant 7 : i32
    %shift_right_arithmetic3A_235 = arith.shrsi %squeeze3A_233, %shift_right_arithmetic3A_234 : i32
    %mul3A_236 = arith.constant 128 : i32
    %mul3A_237 = arith.muli %shift_right_arithmetic3A_235, %mul3A_236 : i32
    %multiple_of3A_238 = tpu.assume_multiple %mul3A_237, 128 : i32
    %dma_start3A_239 = arith.constant 10 : i32
    %dma_start3A_240 = arith.constant 10 : i32
    %dma_start3A_241 = arith.constant 0 : i32
    %dma_start3A_242 = arith.constant 0 : i32
    %dma_start3A_243 = tpu.memref_slice %arg6[%dma_start3A_239, %dma_start3A_241, %dma_start3A_242] : memref<16x32x128xf32, #tpu.memory_space<vmem>> -> memref<1x32x128xf32, #tpu.memory_space<vmem>>
    %dma_start3A_244 = tpu.memref_squeeze %dma_start3A_243 : memref<1x32x128xf32, #tpu.memory_space<vmem>> -> memref<32x128xf32, #tpu.memory_space<vmem>>
    %dma_start3A_245 = arith.constant 0 : i32
    %dma_start3A_246 = tpu.memref_slice %arg2[%dma_start3A_245, %multiple_of3A_238] : memref<32x1000000xf32, #tpu.memory_space<hbm>> -> memref<32x128xf32, #tpu.memory_space<hbm>>
    %dma_start3A_247 = tpu.memref_slice %arg8[%dma_start3A_240] : memref<16x!tpu.dma_semaphore, #tpu.memory_space<semaphore_mem>> -> memref<1x!tpu.dma_semaphore, #tpu.memory_space<semaphore_mem>>
    %dma_start3A_248 = tpu.memref_squeeze %dma_start3A_247 : memref<1x!tpu.dma_semaphore, #tpu.memory_space<semaphore_mem>> -> memref<!tpu.dma_semaphore, #tpu.memory_space<semaphore_mem>>
    %dma_start3A_249 = arith.constant 0 : i32
    %dma_start3A_250 = arith.constant 0 : i32
    %dma_start3A_251 = tpu.memref_slice %arg6[%dma_start3A_239, %dma_start3A_249, %dma_start3A_250] : memref<16x32x128xf32, #tpu.memory_space<vmem>> -> memref<1x32x128xf32, #tpu.memory_space<vmem>>
    %dma_start3A_252 = tpu.memref_squeeze %dma_start3A_251 : memref<1x32x128xf32, #tpu.memory_space<vmem>> -> memref<32x128xf32, #tpu.memory_space<vmem>>
    %dma_start3A_253 = arith.constant 0 : i32
    %dma_start3A_254 = tpu.memref_slice %arg2[%dma_start3A_253, %multiple_of3A_238] : memref<32x1000000xf32, #tpu.memory_space<hbm>> -> memref<32x128xf32, #tpu.memory_space<hbm>>
    tpu.enqueue_dma source(%dma_start3A_254 : memref<32x128xf32, #tpu.memory_space<hbm>>) target(%dma_start3A_252 : memref<32x128xf32, #tpu.memory_space<vmem>>) target_semaphore(%dma_start3A_248 : memref<!tpu.dma_semaphore, #tpu.memory_space<semaphore_mem>>)
    %slice3A_255 = vector.extract_strided_slice %get3A_6 {offsets = [11], sizes = [1], strides = [1]} : vector<16xi32> to vector<1xi32>
    %squeeze3A_256 = vector.extract %slice3A_255[0] : i32 from vector<1xi32>
    %shift_right_arithmetic3A_257 = arith.constant 7 : i32
    %shift_right_arithmetic3A_258 = arith.shrsi %squeeze3A_256, %shift_right_arithmetic3A_257 : i32
    %mul3A_259 = arith.constant 128 : i32
    %mul3A_260 = arith.muli %shift_right_arithmetic3A_258, %mul3A_259 : i32
    %multiple_of3A_261 = tpu.assume_multiple %mul3A_260, 128 : i32
    %dma_start3A_262 = arith.constant 11 : i32
    %dma_start3A_263 = arith.constant 11 : i32
    %dma_start3A_264 = arith.constant 0 : i32
    %dma_start3A_265 = arith.constant 0 : i32
    %dma_start3A_266 = tpu.memref_slice %arg6[%dma_start3A_262, %dma_start3A_264, %dma_start3A_265] : memref<16x32x128xf32, #tpu.memory_space<vmem>> -> memref<1x32x128xf32, #tpu.memory_space<vmem>>
    %dma_start3A_267 = tpu.memref_squeeze %dma_start3A_266 : memref<1x32x128xf32, #tpu.memory_space<vmem>> -> memref<32x128xf32, #tpu.memory_space<vmem>>
    %dma_start3A_268 = arith.constant 0 : i32
    %dma_start3A_269 = tpu.memref_slice %arg2[%dma_start3A_268, %multiple_of3A_261] : memref<32x1000000xf32, #tpu.memory_space<hbm>> -> memref<32x128xf32, #tpu.memory_space<hbm>>
    %dma_start3A_270 = tpu.memref_slice %arg8[%dma_start3A_263] : memref<16x!tpu.dma_semaphore, #tpu.memory_space<semaphore_mem>> -> memref<1x!tpu.dma_semaphore, #tpu.memory_space<semaphore_mem>>
    %dma_start3A_271 = tpu.memref_squeeze %dma_start3A_270 : memref<1x!tpu.dma_semaphore, #tpu.memory_space<semaphore_mem>> -> memref<!tpu.dma_semaphore, #tpu.memory_space<semaphore_mem>>
    %dma_start3A_272 = arith.constant 0 : i32
    %dma_start3A_273 = arith.constant 0 : i32
    %dma_start3A_274 = tpu.memref_slice %arg6[%dma_start3A_262, %dma_start3A_272, %dma_start3A_273] : memref<16x32x128xf32, #tpu.memory_space<vmem>> -> memref<1x32x128xf32, #tpu.memory_space<vmem>>
    %dma_start3A_275 = tpu.memref_squeeze %dma_start3A_274 : memref<1x32x128xf32, #tpu.memory_space<vmem>> -> memref<32x128xf32, #tpu.memory_space<vmem>>
    %dma_start3A_276 = arith.constant 0 : i32
    %dma_start3A_277 = tpu.memref_slice %arg2[%dma_start3A_276, %multiple_of3A_261] : memref<32x1000000xf32, #tpu.memory_space<hbm>> -> memref<32x128xf32, #tpu.memory_space<hbm>>
    tpu.enqueue_dma source(%dma_start3A_277 : memref<32x128xf32, #tpu.memory_space<hbm>>) target(%dma_start3A_275 : memref<32x128xf32, #tpu.memory_space<vmem>>) target_semaphore(%dma_start3A_271 : memref<!tpu.dma_semaphore, #tpu.memory_space<semaphore_mem>>)
    %slice3A_278 = vector.extract_strided_slice %get3A_6 {offsets = [12], sizes = [1], strides = [1]} : vector<16xi32> to vector<1xi32>
    %squeeze3A_279 = vector.extract %slice3A_278[0] : i32 from vector<1xi32>
    %shift_right_arithmetic3A_280 = arith.constant 7 : i32
    %shift_right_arithmetic3A_281 = arith.shrsi %squeeze3A_279, %shift_right_arithmetic3A_280 : i32
    %mul3A_282 = arith.constant 128 : i32
    %mul3A_283 = arith.muli %shift_right_arithmetic3A_281, %mul3A_282 : i32
    %multiple_of3A_284 = tpu.assume_multiple %mul3A_283, 128 : i32
    %dma_start3A_285 = arith.constant 12 : i32
    %dma_start3A_286 = arith.constant 12 : i32
    %dma_start3A_287 = arith.constant 0 : i32
    %dma_start3A_288 = arith.constant 0 : i32
    %dma_start3A_289 = tpu.memref_slice %arg6[%dma_start3A_285, %dma_start3A_287, %dma_start3A_288] : memref<16x32x128xf32, #tpu.memory_space<vmem>> -> memref<1x32x128xf32, #tpu.memory_space<vmem>>
    %dma_start3A_290 = tpu.memref_squeeze %dma_start3A_289 : memref<1x32x128xf32, #tpu.memory_space<vmem>> -> memref<32x128xf32, #tpu.memory_space<vmem>>
    %dma_start3A_291 = arith.constant 0 : i32
    %dma_start3A_292 = tpu.memref_slice %arg2[%dma_start3A_291, %multiple_of3A_284] : memref<32x1000000xf32, #tpu.memory_space<hbm>> -> memref<32x128xf32, #tpu.memory_space<hbm>>
    %dma_start3A_293 = tpu.memref_slice %arg8[%dma_start3A_286] : memref<16x!tpu.dma_semaphore, #tpu.memory_space<semaphore_mem>> -> memref<1x!tpu.dma_semaphore, #tpu.memory_space<semaphore_mem>>
    %dma_start3A_294 = tpu.memref_squeeze %dma_start3A_293 : memref<1x!tpu.dma_semaphore, #tpu.memory_space<semaphore_mem>> -> memref<!tpu.dma_semaphore, #tpu.memory_space<semaphore_mem>>
    %dma_start3A_295 = arith.constant 0 : i32
    %dma_start3A_296 = arith.constant 0 : i32
    %dma_start3A_297 = tpu.memref_slice %arg6[%dma_start3A_285, %dma_start3A_295, %dma_start3A_296] : memref<16x32x128xf32, #tpu.memory_space<vmem>> -> memref<1x32x128xf32, #tpu.memory_space<vmem>>
    %dma_start3A_298 = tpu.memref_squeeze %dma_start3A_297 : memref<1x32x128xf32, #tpu.memory_space<vmem>> -> memref<32x128xf32, #tpu.memory_space<vmem>>
    %dma_start3A_299 = arith.constant 0 : i32
    %dma_start3A_300 = tpu.memref_slice %arg2[%dma_start3A_299, %multiple_of3A_284] : memref<32x1000000xf32, #tpu.memory_space<hbm>> -> memref<32x128xf32, #tpu.memory_space<hbm>>
    tpu.enqueue_dma source(%dma_start3A_300 : memref<32x128xf32, #tpu.memory_space<hbm>>) target(%dma_start3A_298 : memref<32x128xf32, #tpu.memory_space<vmem>>) target_semaphore(%dma_start3A_294 : memref<!tpu.dma_semaphore, #tpu.memory_space<semaphore_mem>>)
    %slice3A_301 = vector.extract_strided_slice %get3A_6 {offsets = [13], sizes = [1], strides = [1]} : vector<16xi32> to vector<1xi32>
    %squeeze3A_302 = vector.extract %slice3A_301[0] : i32 from vector<1xi32>
    %shift_right_arithmetic3A_303 = arith.constant 7 : i32
    %shift_right_arithmetic3A_304 = arith.shrsi %squeeze3A_302, %shift_right_arithmetic3A_303 : i32
    %mul3A_305 = arith.constant 128 : i32
    %mul3A_306 = arith.muli %shift_right_arithmetic3A_304, %mul3A_305 : i32
    %multiple_of3A_307 = tpu.assume_multiple %mul3A_306, 128 : i32
    %dma_start3A_308 = arith.constant 13 : i32
    %dma_start3A_309 = arith.constant 13 : i32
    %dma_start3A_310 = arith.constant 0 : i32
    %dma_start3A_311 = arith.constant 0 : i32
    %dma_start3A_312 = tpu.memref_slice %arg6[%dma_start3A_308, %dma_start3A_310, %dma_start3A_311] : memref<16x32x128xf32, #tpu.memory_space<vmem>> -> memref<1x32x128xf32, #tpu.memory_space<vmem>>
    %dma_start3A_313 = tpu.memref_squeeze %dma_start3A_312 : memref<1x32x128xf32, #tpu.memory_space<vmem>> -> memref<32x128xf32, #tpu.memory_space<vmem>>
    %dma_start3A_314 = arith.constant 0 : i32
    %dma_start3A_315 = tpu.memref_slice %arg2[%dma_start3A_314, %multiple_of3A_307] : memref<32x1000000xf32, #tpu.memory_space<hbm>> -> memref<32x128xf32, #tpu.memory_space<hbm>>
    %dma_start3A_316 = tpu.memref_slice %arg8[%dma_start3A_309] : memref<16x!tpu.dma_semaphore, #tpu.memory_space<semaphore_mem>> -> memref<1x!tpu.dma_semaphore, #tpu.memory_space<semaphore_mem>>
    %dma_start3A_317 = tpu.memref_squeeze %dma_start3A_316 : memref<1x!tpu.dma_semaphore, #tpu.memory_space<semaphore_mem>> -> memref<!tpu.dma_semaphore, #tpu.memory_space<semaphore_mem>>
    %dma_start3A_318 = arith.constant 0 : i32
    %dma_start3A_319 = arith.constant 0 : i32
    %dma_start3A_320 = tpu.memref_slice %arg6[%dma_start3A_308, %dma_start3A_318, %dma_start3A_319] : memref<16x32x128xf32, #tpu.memory_space<vmem>> -> memref<1x32x128xf32, #tpu.memory_space<vmem>>
    %dma_start3A_321 = tpu.memref_squeeze %dma_start3A_320 : memref<1x32x128xf32, #tpu.memory_space<vmem>> -> memref<32x128xf32, #tpu.memory_space<vmem>>
    %dma_start3A_322 = arith.constant 0 : i32
    %dma_start3A_323 = tpu.memref_slice %arg2[%dma_start3A_322, %multiple_of3A_307] : memref<32x1000000xf32, #tpu.memory_space<hbm>> -> memref<32x128xf32, #tpu.memory_space<hbm>>
    tpu.enqueue_dma source(%dma_start3A_323 : memref<32x128xf32, #tpu.memory_space<hbm>>) target(%dma_start3A_321 : memref<32x128xf32, #tpu.memory_space<vmem>>) target_semaphore(%dma_start3A_317 : memref<!tpu.dma_semaphore, #tpu.memory_space<semaphore_mem>>)
    %slice3A_324 = vector.extract_strided_slice %get3A_6 {offsets = [14], sizes = [1], strides = [1]} : vector<16xi32> to vector<1xi32>
    %squeeze3A_325 = vector.extract %slice3A_324[0] : i32 from vector<1xi32>
    %shift_right_arithmetic3A_326 = arith.constant 7 : i32
    %shift_right_arithmetic3A_327 = arith.shrsi %squeeze3A_325, %shift_right_arithmetic3A_326 : i32
    %mul3A_328 = arith.constant 128 : i32
    %mul3A_329 = arith.muli %shift_right_arithmetic3A_327, %mul3A_328 : i32
    %multiple_of3A_330 = tpu.assume_multiple %mul3A_329, 128 : i32
    %dma_start3A_331 = arith.constant 14 : i32
    %dma_start3A_332 = arith.constant 14 : i32
    %dma_start3A_333 = arith.constant 0 : i32
    %dma_start3A_334 = arith.constant 0 : i32
    %dma_start3A_335 = tpu.memref_slice %arg6[%dma_start3A_331, %dma_start3A_333, %dma_start3A_334] : memref<16x32x128xf32, #tpu.memory_space<vmem>> -> memref<1x32x128xf32, #tpu.memory_space<vmem>>
    %dma_start3A_336 = tpu.memref_squeeze %dma_start3A_335 : memref<1x32x128xf32, #tpu.memory_space<vmem>> -> memref<32x128xf32, #tpu.memory_space<vmem>>
    %dma_start3A_337 = arith.constant 0 : i32
    %dma_start3A_338 = tpu.memref_slice %arg2[%dma_start3A_337, %multiple_of3A_330] : memref<32x1000000xf32, #tpu.memory_space<hbm>> -> memref<32x128xf32, #tpu.memory_space<hbm>>
    %dma_start3A_339 = tpu.memref_slice %arg8[%dma_start3A_332] : memref<16x!tpu.dma_semaphore, #tpu.memory_space<semaphore_mem>> -> memref<1x!tpu.dma_semaphore, #tpu.memory_space<semaphore_mem>>
    %dma_start3A_340 = tpu.memref_squeeze %dma_start3A_339 : memref<1x!tpu.dma_semaphore, #tpu.memory_space<semaphore_mem>> -> memref<!tpu.dma_semaphore, #tpu.memory_space<semaphore_mem>>
    %dma_start3A_341 = arith.constant 0 : i32
    %dma_start3A_342 = arith.constant 0 : i32
    %dma_start3A_343 = tpu.memref_slice %arg6[%dma_start3A_331, %dma_start3A_341, %dma_start3A_342] : memref<16x32x128xf32, #tpu.memory_space<vmem>> -> memref<1x32x128xf32, #tpu.memory_space<vmem>>
    %dma_start3A_344 = tpu.memref_squeeze %dma_start3A_343 : memref<1x32x128xf32, #tpu.memory_space<vmem>> -> memref<32x128xf32, #tpu.memory_space<vmem>>
    %dma_start3A_345 = arith.constant 0 : i32
    %dma_start3A_346 = tpu.memref_slice %arg2[%dma_start3A_345, %multiple_of3A_330] : memref<32x1000000xf32, #tpu.memory_space<hbm>> -> memref<32x128xf32, #tpu.memory_space<hbm>>
    tpu.enqueue_dma source(%dma_start3A_346 : memref<32x128xf32, #tpu.memory_space<hbm>>) target(%dma_start3A_344 : memref<32x128xf32, #tpu.memory_space<vmem>>) target_semaphore(%dma_start3A_340 : memref<!tpu.dma_semaphore, #tpu.memory_space<semaphore_mem>>)
    %slice3A_347 = vector.extract_strided_slice %get3A_6 {offsets = [15], sizes = [1], strides = [1]} : vector<16xi32> to vector<1xi32>
    %squeeze3A_348 = vector.extract %slice3A_347[0] : i32 from vector<1xi32>
    %shift_right_arithmetic3A_349 = arith.constant 7 : i32
    %shift_right_arithmetic3A_350 = arith.shrsi %squeeze3A_348, %shift_right_arithmetic3A_349 : i32
    %mul3A_351 = arith.constant 128 : i32
    %mul3A_352 = arith.muli %shift_right_arithmetic3A_350, %mul3A_351 : i32
    %multiple_of3A_353 = tpu.assume_multiple %mul3A_352, 128 : i32
    %dma_start3A_354 = arith.constant 15 : i32
    %dma_start3A_355 = arith.constant 15 : i32
    %dma_start3A_356 = arith.constant 0 : i32
    %dma_start3A_357 = arith.constant 0 : i32
    %dma_start3A_358 = tpu.memref_slice %arg6[%dma_start3A_354, %dma_start3A_356, %dma_start3A_357] : memref<16x32x128xf32, #tpu.memory_space<vmem>> -> memref<1x32x128xf32, #tpu.memory_space<vmem>>
    %dma_start3A_359 = tpu.memref_squeeze %dma_start3A_358 : memref<1x32x128xf32, #tpu.memory_space<vmem>> -> memref<32x128xf32, #tpu.memory_space<vmem>>
    %dma_start3A_360 = arith.constant 0 : i32
    %dma_start3A_361 = tpu.memref_slice %arg2[%dma_start3A_360, %multiple_of3A_353] : memref<32x1000000xf32, #tpu.memory_space<hbm>> -> memref<32x128xf32, #tpu.memory_space<hbm>>
    %dma_start3A_362 = tpu.memref_slice %arg8[%dma_start3A_355] : memref<16x!tpu.dma_semaphore, #tpu.memory_space<semaphore_mem>> -> memref<1x!tpu.dma_semaphore, #tpu.memory_space<semaphore_mem>>
    %dma_start3A_363 = tpu.memref_squeeze %dma_start3A_362 : memref<1x!tpu.dma_semaphore, #tpu.memory_space<semaphore_mem>> -> memref<!tpu.dma_semaphore, #tpu.memory_space<semaphore_mem>>
    %dma_start3A_364 = arith.constant 0 : i32
    %dma_start3A_365 = arith.constant 0 : i32
    %dma_start3A_366 = tpu.memref_slice %arg6[%dma_start3A_354, %dma_start3A_364, %dma_start3A_365] : memref<16x32x128xf32, #tpu.memory_space<vmem>> -> memref<1x32x128xf32, #tpu.memory_space<vmem>>
    %dma_start3A_367 = tpu.memref_squeeze %dma_start3A_366 : memref<1x32x128xf32, #tpu.memory_space<vmem>> -> memref<32x128xf32, #tpu.memory_space<vmem>>
    %dma_start3A_368 = arith.constant 0 : i32
    %dma_start3A_369 = tpu.memref_slice %arg2[%dma_start3A_368, %multiple_of3A_353] : memref<32x1000000xf32, #tpu.memory_space<hbm>> -> memref<32x128xf32, #tpu.memory_space<hbm>>
    tpu.enqueue_dma source(%dma_start3A_369 : memref<32x128xf32, #tpu.memory_space<hbm>>) target(%dma_start3A_367 : memref<32x128xf32, #tpu.memory_space<vmem>>) target_semaphore(%dma_start3A_363 : memref<!tpu.dma_semaphore, #tpu.memory_space<semaphore_mem>>)
    %scan3A = arith.constant 0 : i32
    %scan3A_370 = arith.constant 32 : i32
    %scan3A_371 = arith.addi %scan3A, %scan3A_370 : i32
    %scan3A_372 = arith.constant 1 : i32
    scf.for %scan3A_374 = %scan3A to %scan3A_371 step %scan3A_372  : i32 {
      %mul3A_375 = arith.constant 16 : i32
      %mul3A_376 = arith.muli %scan3A_374, %mul3A_375 : i32
      %get3A_377 = arith.index_cast %mul3A_376 : i32 to index
      %get3A_378 = tpu.vector_load %arg5[%get3A_377] {strides = array<i32>} : memref<512xi32, #tpu.memory_space<vmem>>, vector<16xi32>,
      %add3A_379 = arith.constant 1 : i32
      %add3A_380 = arith.addi %scan3A_374, %add3A_379 : i32
      %mul3A_381 = arith.constant 16 : i32
      %mul3A_382 = arith.muli %add3A_380, %mul3A_381 : i32
      %min3A = arith.constant 496 : i32
      %min3A_383 = arith.minsi %mul3A_382, %min3A : i32
      %get3A_384 = arith.index_cast %min3A_383 : i32 to index
      %get3A_385 = tpu.vector_load %arg5[%get3A_384] {strides = array<i32>} : memref<512xi32, #tpu.memory_space<vmem>>, vector<16xi32>,
      %lt3A = arith.constant 31 : i32
      %lt3A_386 = arith.cmpi slt, %scan3A_374, %lt3A : i32
      %mul3A_387 = arith.constant 16 : i32
      %mul3A_388 = arith.muli %scan3A_374, %mul3A_387 : i32
      %add3A_389 = arith.constant 0 : i32
      %add3A_390 = arith.addi %mul3A_388, %add3A_389 : i32
      %slice3A_391 = vector.extract_strided_slice %get3A_378 {offsets = [0], sizes = [1], strides = [1]} : vector<16xi32> to vector<1xi32>
      %squeeze3A_392 = vector.extract %slice3A_391[0] : i32 from vector<1xi32>
      %and3A = arith.constant 127 : i32
      %and3A_393 = arith.andi %squeeze3A_392, %and3A : i32
      %broadcast_in_dim3A = vector.broadcast %and3A_393 : i32 to vector<16xi32>
      %shift_right_arithmetic3A_394 = arith.constant 7 : i32
      %shift_right_arithmetic3A_395 = arith.shrsi %squeeze3A_392, %shift_right_arithmetic3A_394 : i32
      %mul3A_396 = arith.constant 128 : i32
      %mul3A_397 = arith.muli %shift_right_arithmetic3A_395, %mul3A_396 : i32
      %multiple_of3A_398 = tpu.assume_multiple %mul3A_397, 128 : i32
      %dma_wait3A = arith.constant 0 : i32
      %dma_wait3A_399 = arith.constant 0 : i32
      %dma_wait3A_400 = arith.constant 0 : i32
      %dma_wait3A_401 = arith.constant 0 : i32
      %dma_wait3A_402 = tpu.memref_slice %arg6[%dma_wait3A, %dma_wait3A_400, %dma_wait3A_401] : memref<16x32x128xf32, #tpu.memory_space<vmem>> -> memref<1x32x128xf32, #tpu.memory_space<vmem>>
      %dma_wait3A_403 = tpu.memref_squeeze %dma_wait3A_402 : memref<1x32x128xf32, #tpu.memory_space<vmem>> -> memref<32x128xf32, #tpu.memory_space<vmem>>
      %dma_wait3A_404 = arith.constant 0 : i32
      %dma_wait3A_405 = tpu.memref_slice %arg2[%dma_wait3A_404, %multiple_of3A_398] : memref<32x1000000xf32, #tpu.memory_space<hbm>> -> memref<32x128xf32, #tpu.memory_space<hbm>>
      %dma_wait3A_406 = tpu.memref_slice %arg8[%dma_wait3A_399] : memref<16x!tpu.dma_semaphore, #tpu.memory_space<semaphore_mem>> -> memref<1x!tpu.dma_semaphore, #tpu.memory_space<semaphore_mem>>
      %dma_wait3A_407 = tpu.memref_squeeze %dma_wait3A_406 : memref<1x!tpu.dma_semaphore, #tpu.memory_space<semaphore_mem>> -> memref<!tpu.dma_semaphore, #tpu.memory_space<semaphore_mem>>
      %dma_wait3A_408 = arith.constant 0 : i32
      %dma_wait3A_409 = arith.constant 0 : i32
      %dma_wait3A_410 = tpu.memref_slice %arg6[%dma_wait3A, %dma_wait3A_408, %dma_wait3A_409] : memref<16x32x128xf32, #tpu.memory_space<vmem>> -> memref<1x32x128xf32, #tpu.memory_space<vmem>>
      %dma_wait3A_411 = tpu.memref_squeeze %dma_wait3A_410 : memref<1x32x128xf32, #tpu.memory_space<vmem>> -> memref<32x128xf32, #tpu.memory_space<vmem>>
      %dma_wait3A_412 = arith.constant 0 : i32
      %dma_wait3A_413 = tpu.memref_slice %arg2[%dma_wait3A_412, %multiple_of3A_398] : memref<32x1000000xf32, #tpu.memory_space<hbm>> -> memref<32x128xf32, #tpu.memory_space<hbm>>
      tpu.wait_dma2 semaphore(%dma_wait3A_407 : memref<!tpu.dma_semaphore, #tpu.memory_space<semaphore_mem>>) src(%dma_wait3A_413 : memref<32x128xf32, #tpu.memory_space<hbm>>) dst(%dma_wait3A_411 : memref<32x128xf32, #tpu.memory_space<vmem>>)
      %gather3A = arith.constant 0 : i32
      %gather3A_414 = arith.constant 0 : i32
      %gather3A_415 = arith.constant 0 : i32
      %gather3A_416 = tpu.memref_slice %arg6[%gather3A, %gather3A_414, %gather3A_415] : memref<16x32x128xf32, #tpu.memory_space<vmem>> -> memref<1x32x128xf32, #tpu.memory_space<vmem>>
      %gather3A_417 = tpu.memref_squeeze %gather3A_416 : memref<1x32x128xf32, #tpu.memory_space<vmem>> -> memref<32x128xf32, #tpu.memory_space<vmem>>
      %gather3A_418 = tpu.vector_load_idx %gather3A_417[%iota3A, %broadcast_in_dim3A] : memref<32x128xf32, #tpu.memory_space<vmem>>[vector<16xi32>, vector<16xi32>], vector<16xf32>,
      %gather3A_419 = arith.constant 0 : i32
      %gather3A_420 = arith.constant 0 : i32
      %gather3A_421 = arith.constant 0 : i32
      %gather3A_422 = tpu.memref_slice %arg6[%gather3A_419, %gather3A_420, %gather3A_421] : memref<16x32x128xf32, #tpu.memory_space<vmem>> -> memref<1x32x128xf32, #tpu.memory_space<vmem>>
      %gather3A_423 = tpu.memref_squeeze %gather3A_422 : memref<1x32x128xf32, #tpu.memory_space<vmem>> -> memref<32x128xf32, #tpu.memory_space<vmem>>
      %gather3A_424 = tpu.vector_load_idx %gather3A_423[%add3A_5, %broadcast_in_dim3A] : memref<32x128xf32, #tpu.memory_space<vmem>>[vector<16xi32>, vector<16xi32>], vector<16xf32>,
      %convert_element_type3A = arith.extui %lt3A_386 : i1 to i32
      %cond3A = arith.constant 0 : i32
      %cond3A_425 = arith.cmpi ne, %convert_element_type3A, %cond3A : i32
      scf.if %cond3A_425 {
        %slice3A_1117 = vector.extract_strided_slice %get3A_385 {offsets = [0], sizes = [1], strides = [1]} : vector<16xi32> to vector<1xi32>
        %squeeze3A_1118 = vector.extract %slice3A_1117[0] : i32 from vector<1xi32>
        %shift_right_arithmetic3A_1119 = arith.constant 7 : i32
        %shift_right_arithmetic3A_1120 = arith.shrsi %squeeze3A_1118, %shift_right_arithmetic3A_1119 : i32
        %mul3A_1121 = arith.constant 128 : i32
        %mul3A_1122 = arith.muli %shift_right_arithmetic3A_1120, %mul3A_1121 : i32
        %multiple_of3A_1123 = tpu.assume_multiple %mul3A_1122, 128 : i32
        %dma_start3A_1124 = arith.constant 0 : i32
        %dma_start3A_1125 = arith.constant 0 : i32
        %dma_start3A_1126 = arith.constant 0 : i32
        %dma_start3A_1127 = arith.constant 0 : i32
        %dma_start3A_1128 = tpu.memref_slice %arg6[%dma_start3A_1124, %dma_start3A_1126, %dma_start3A_1127] : memref<16x32x128xf32, #tpu.memory_space<vmem>> -> memref<1x32x128xf32, #tpu.memory_space<vmem>>
        %dma_start3A_1129 = tpu.memref_squeeze %dma_start3A_1128 : memref<1x32x128xf32, #tpu.memory_space<vmem>> -> memref<32x128xf32, #tpu.memory_space<vmem>>
        %dma_start3A_1130 = arith.constant 0 : i32
        %dma_start3A_1131 = tpu.memref_slice %arg2[%dma_start3A_1130, %multiple_of3A_1123] : memref<32x1000000xf32, #tpu.memory_space<hbm>> -> memref<32x128xf32, #tpu.memory_space<hbm>>
        %dma_start3A_1132 = tpu.memref_slice %arg8[%dma_start3A_1125] : memref<16x!tpu.dma_semaphore, #tpu.memory_space<semaphore_mem>> -> memref<1x!tpu.dma_semaphore, #tpu.memory_space<semaphore_mem>>
        %dma_start3A_1133 = tpu.memref_squeeze %dma_start3A_1132 : memref<1x!tpu.dma_semaphore, #tpu.memory_space<semaphore_mem>> -> memref<!tpu.dma_semaphore, #tpu.memory_space<semaphore_mem>>
        %dma_start3A_1134 = arith.constant 0 : i32
        %dma_start3A_1135 = arith.constant 0 : i32
        %dma_start3A_1136 = tpu.memref_slice %arg6[%dma_start3A_1124, %dma_start3A_1134, %dma_start3A_1135] : memref<16x32x128xf32, #tpu.memory_space<vmem>> -> memref<1x32x128xf32, #tpu.memory_space<vmem>>
        %dma_start3A_1137 = tpu.memref_squeeze %dma_start3A_1136 : memref<1x32x128xf32, #tpu.memory_space<vmem>> -> memref<32x128xf32, #tpu.memory_space<vmem>>
        %dma_start3A_1138 = arith.constant 0 : i32
        %dma_start3A_1139 = tpu.memref_slice %arg2[%dma_start3A_1138, %multiple_of3A_1123] : memref<32x1000000xf32, #tpu.memory_space<hbm>> -> memref<32x128xf32, #tpu.memory_space<hbm>>
        tpu.enqueue_dma source(%dma_start3A_1139 : memref<32x128xf32, #tpu.memory_space<hbm>>) target(%dma_start3A_1137 : memref<32x128xf32, #tpu.memory_space<vmem>>) target_semaphore(%dma_start3A_1133 : memref<!tpu.dma_semaphore, #tpu.memory_space<semaphore_mem>>)
      } else {
      }
      %broadcast_in_dim3A_426 = vector.broadcast %add3A_390 : i32 to vector<16xi32>
      tpu.vector_store_idx %arg7[%iota3A, %broadcast_in_dim3A_426], %gather3A_418 : memref<32x512xf32, #tpu.memory_space<vmem>>[vector<16xi32>, vector<16xi32>], vector<16xf32>,
      tpu.vector_store_idx %arg7[%add3A_5, %broadcast_in_dim3A_426], %gather3A_424 : memref<32x512xf32, #tpu.memory_space<vmem>>[vector<16xi32>, vector<16xi32>], vector<16xf32>,
      %mul3A_427 = arith.constant 16 : i32
      %mul3A_428 = arith.muli %scan3A_374, %mul3A_427 : i32
      %add3A_429 = arith.constant 1 : i32
      %add3A_430 = arith.addi %mul3A_428, %add3A_429 : i32
      %slice3A_431 = vector.extract_strided_slice %get3A_378 {offsets = [1], sizes = [1], strides = [1]} : vector<16xi32> to vector<1xi32>
      %squeeze3A_432 = vector.extract %slice3A_431[0] : i32 from vector<1xi32>
      %and3A_433 = arith.constant 127 : i32
      %and3A_434 = arith.andi %squeeze3A_432, %and3A_433 : i32
      %broadcast_in_dim3A_435 = vector.broadcast %and3A_434 : i32 to vector<16xi32>
      %shift_right_arithmetic3A_436 = arith.constant 7 : i32
      %shift_right_arithmetic3A_437 = arith.shrsi %squeeze3A_432, %shift_right_arithmetic3A_436 : i32
      %mul3A_438 = arith.constant 128 : i32
      %mul3A_439 = arith.muli %shift_right_arithmetic3A_437, %mul3A_438 : i32
      %multiple_of3A_440 = tpu.assume_multiple %mul3A_439, 128 : i32
      %dma_wait3A_441 = arith.constant 1 : i32
      %dma_wait3A_442 = arith.constant 1 : i32
      %dma_wait3A_443 = arith.constant 0 : i32
      %dma_wait3A_444 = arith.constant 0 : i32
      %dma_wait3A_445 = tpu.memref_slice %arg6[%dma_wait3A_441, %dma_wait3A_443, %dma_wait3A_444] : memref<16x32x128xf32, #tpu.memory_space<vmem>> -> memref<1x32x128xf32, #tpu.memory_space<vmem>>
      %dma_wait3A_446 = tpu.memref_squeeze %dma_wait3A_445 : memref<1x32x128xf32, #tpu.memory_space<vmem>> -> memref<32x128xf32, #tpu.memory_space<vmem>>
      %dma_wait3A_447 = arith.constant 0 : i32
      %dma_wait3A_448 = tpu.memref_slice %arg2[%dma_wait3A_447, %multiple_of3A_440] : memref<32x1000000xf32, #tpu.memory_space<hbm>> -> memref<32x128xf32, #tpu.memory_space<hbm>>
      %dma_wait3A_449 = tpu.memref_slice %arg8[%dma_wait3A_442] : memref<16x!tpu.dma_semaphore, #tpu.memory_space<semaphore_mem>> -> memref<1x!tpu.dma_semaphore, #tpu.memory_space<semaphore_mem>>
      %dma_wait3A_450 = tpu.memref_squeeze %dma_wait3A_449 : memref<1x!tpu.dma_semaphore, #tpu.memory_space<semaphore_mem>> -> memref<!tpu.dma_semaphore, #tpu.memory_space<semaphore_mem>>
      %dma_wait3A_451 = arith.constant 0 : i32
      %dma_wait3A_452 = arith.constant 0 : i32
      %dma_wait3A_453 = tpu.memref_slice %arg6[%dma_wait3A_441, %dma_wait3A_451, %dma_wait3A_452] : memref<16x32x128xf32, #tpu.memory_space<vmem>> -> memref<1x32x128xf32, #tpu.memory_space<vmem>>
      %dma_wait3A_454 = tpu.memref_squeeze %dma_wait3A_453 : memref<1x32x128xf32, #tpu.memory_space<vmem>> -> memref<32x128xf32, #tpu.memory_space<vmem>>
      %dma_wait3A_455 = arith.constant 0 : i32
      %dma_wait3A_456 = tpu.memref_slice %arg2[%dma_wait3A_455, %multiple_of3A_440] : memref<32x1000000xf32, #tpu.memory_space<hbm>> -> memref<32x128xf32, #tpu.memory_space<hbm>>
      tpu.wait_dma2 semaphore(%dma_wait3A_450 : memref<!tpu.dma_semaphore, #tpu.memory_space<semaphore_mem>>) src(%dma_wait3A_456 : memref<32x128xf32, #tpu.memory_space<hbm>>) dst(%dma_wait3A_454 : memref<32x128xf32, #tpu.memory_space<vmem>>)
      %gather3A_457 = arith.constant 1 : i32
      %gather3A_458 = arith.constant 0 : i32
      %gather3A_459 = arith.constant 0 : i32
      %gather3A_460 = tpu.memref_slice %arg6[%gather3A_457, %gather3A_458, %gather3A_459] : memref<16x32x128xf32, #tpu.memory_space<vmem>> -> memref<1x32x128xf32, #tpu.memory_space<vmem>>
      %gather3A_461 = tpu.memref_squeeze %gather3A_460 : memref<1x32x128xf32, #tpu.memory_space<vmem>> -> memref<32x128xf32, #tpu.memory_space<vmem>>
      %gather3A_462 = tpu.vector_load_idx %gather3A_461[%iota3A, %broadcast_in_dim3A_435] : memref<32x128xf32, #tpu.memory_space<vmem>>[vector<16xi32>, vector<16xi32>], vector<16xf32>,
      %gather3A_463 = arith.constant 1 : i32
      %gather3A_464 = arith.constant 0 : i32
      %gather3A_465 = arith.constant 0 : i32
      %gather3A_466 = tpu.memref_slice %arg6[%gather3A_463, %gather3A_464, %gather3A_465] : memref<16x32x128xf32, #tpu.memory_space<vmem>> -> memref<1x32x128xf32, #tpu.memory_space<vmem>>
      %gather3A_467 = tpu.memref_squeeze %gather3A_466 : memref<1x32x128xf32, #tpu.memory_space<vmem>> -> memref<32x128xf32, #tpu.memory_space<vmem>>
      %gather3A_468 = tpu.vector_load_idx %gather3A_467[%add3A_5, %broadcast_in_dim3A_435] : memref<32x128xf32, #tpu.memory_space<vmem>>[vector<16xi32>, vector<16xi32>], vector<16xf32>,
      %convert_element_type3A_469 = arith.extui %lt3A_386 : i1 to i32
      %cond3A_470 = arith.constant 0 : i32
      %cond3A_471 = arith.cmpi ne, %convert_element_type3A_469, %cond3A_470 : i32
      scf.if %cond3A_471 {
        %slice3A_1117 = vector.extract_strided_slice %get3A_385 {offsets = [1], sizes = [1], strides = [1]} : vector<16xi32> to vector<1xi32>
        %squeeze3A_1118 = vector.extract %slice3A_1117[0] : i32 from vector<1xi32>
        %shift_right_arithmetic3A_1119 = arith.constant 7 : i32
        %shift_right_arithmetic3A_1120 = arith.shrsi %squeeze3A_1118, %shift_right_arithmetic3A_1119 : i32
        %mul3A_1121 = arith.constant 128 : i32
        %mul3A_1122 = arith.muli %shift_right_arithmetic3A_1120, %mul3A_1121 : i32
        %multiple_of3A_1123 = tpu.assume_multiple %mul3A_1122, 128 : i32
        %dma_start3A_1124 = arith.constant 1 : i32
        %dma_start3A_1125 = arith.constant 1 : i32
        %dma_start3A_1126 = arith.constant 0 : i32
        %dma_start3A_1127 = arith.constant 0 : i32
        %dma_start3A_1128 = tpu.memref_slice %arg6[%dma_start3A_1124, %dma_start3A_1126, %dma_start3A_1127] : memref<16x32x128xf32, #tpu.memory_space<vmem>> -> memref<1x32x128xf32, #tpu.memory_space<vmem>>
        %dma_start3A_1129 = tpu.memref_squeeze %dma_start3A_1128 : memref<1x32x128xf32, #tpu.memory_space<vmem>> -> memref<32x128xf32, #tpu.memory_space<vmem>>
        %dma_start3A_1130 = arith.constant 0 : i32
        %dma_start3A_1131 = tpu.memref_slice %arg2[%dma_start3A_1130, %multiple_of3A_1123] : memref<32x1000000xf32, #tpu.memory_space<hbm>> -> memref<32x128xf32, #tpu.memory_space<hbm>>
        %dma_start3A_1132 = tpu.memref_slice %arg8[%dma_start3A_1125] : memref<16x!tpu.dma_semaphore, #tpu.memory_space<semaphore_mem>> -> memref<1x!tpu.dma_semaphore, #tpu.memory_space<semaphore_mem>>
        %dma_start3A_1133 = tpu.memref_squeeze %dma_start3A_1132 : memref<1x!tpu.dma_semaphore, #tpu.memory_space<semaphore_mem>> -> memref<!tpu.dma_semaphore, #tpu.memory_space<semaphore_mem>>
        %dma_start3A_1134 = arith.constant 0 : i32
        %dma_start3A_1135 = arith.constant 0 : i32
        %dma_start3A_1136 = tpu.memref_slice %arg6[%dma_start3A_1124, %dma_start3A_1134, %dma_start3A_1135] : memref<16x32x128xf32, #tpu.memory_space<vmem>> -> memref<1x32x128xf32, #tpu.memory_space<vmem>>
        %dma_start3A_1137 = tpu.memref_squeeze %dma_start3A_1136 : memref<1x32x128xf32, #tpu.memory_space<vmem>> -> memref<32x128xf32, #tpu.memory_space<vmem>>
        %dma_start3A_1138 = arith.constant 0 : i32
        %dma_start3A_1139 = tpu.memref_slice %arg2[%dma_start3A_1138, %multiple_of3A_1123] : memref<32x1000000xf32, #tpu.memory_space<hbm>> -> memref<32x128xf32, #tpu.memory_space<hbm>>
        tpu.enqueue_dma source(%dma_start3A_1139 : memref<32x128xf32, #tpu.memory_space<hbm>>) target(%dma_start3A_1137 : memref<32x128xf32, #tpu.memory_space<vmem>>) target_semaphore(%dma_start3A_1133 : memref<!tpu.dma_semaphore, #tpu.memory_space<semaphore_mem>>)
      } else {
      }
      %broadcast_in_dim3A_472 = vector.broadcast %add3A_430 : i32 to vector<16xi32>
      tpu.vector_store_idx %arg7[%iota3A, %broadcast_in_dim3A_472], %gather3A_462 : memref<32x512xf32, #tpu.memory_space<vmem>>[vector<16xi32>, vector<16xi32>], vector<16xf32>,
      tpu.vector_store_idx %arg7[%add3A_5, %broadcast_in_dim3A_472], %gather3A_468 : memref<32x512xf32, #tpu.memory_space<vmem>>[vector<16xi32>, vector<16xi32>], vector<16xf32>,
      %mul3A_473 = arith.constant 16 : i32
      %mul3A_474 = arith.muli %scan3A_374, %mul3A_473 : i32
      %add3A_475 = arith.constant 2 : i32
      %add3A_476 = arith.addi %mul3A_474, %add3A_475 : i32
      %slice3A_477 = vector.extract_strided_slice %get3A_378 {offsets = [2], sizes = [1], strides = [1]} : vector<16xi32> to vector<1xi32>
      %squeeze3A_478 = vector.extract %slice3A_477[0] : i32 from vector<1xi32>
      %and3A_479 = arith.constant 127 : i32
      %and3A_480 = arith.andi %squeeze3A_478, %and3A_479 : i32
      %broadcast_in_dim3A_481 = vector.broadcast %and3A_480 : i32 to vector<16xi32>
      %shift_right_arithmetic3A_482 = arith.constant 7 : i32
      %shift_right_arithmetic3A_483 = arith.shrsi %squeeze3A_478, %shift_right_arithmetic3A_482 : i32
      %mul3A_484 = arith.constant 128 : i32
      %mul3A_485 = arith.muli %shift_right_arithmetic3A_483, %mul3A_484 : i32
      %multiple_of3A_486 = tpu.assume_multiple %mul3A_485, 128 : i32
      %dma_wait3A_487 = arith.constant 2 : i32
      %dma_wait3A_488 = arith.constant 2 : i32
      %dma_wait3A_489 = arith.constant 0 : i32
      %dma_wait3A_490 = arith.constant 0 : i32
      %dma_wait3A_491 = tpu.memref_slice %arg6[%dma_wait3A_487, %dma_wait3A_489, %dma_wait3A_490] : memref<16x32x128xf32, #tpu.memory_space<vmem>> -> memref<1x32x128xf32, #tpu.memory_space<vmem>>
      %dma_wait3A_492 = tpu.memref_squeeze %dma_wait3A_491 : memref<1x32x128xf32, #tpu.memory_space<vmem>> -> memref<32x128xf32, #tpu.memory_space<vmem>>
      %dma_wait3A_493 = arith.constant 0 : i32
      %dma_wait3A_494 = tpu.memref_slice %arg2[%dma_wait3A_493, %multiple_of3A_486] : memref<32x1000000xf32, #tpu.memory_space<hbm>> -> memref<32x128xf32, #tpu.memory_space<hbm>>
      %dma_wait3A_495 = tpu.memref_slice %arg8[%dma_wait3A_488] : memref<16x!tpu.dma_semaphore, #tpu.memory_space<semaphore_mem>> -> memref<1x!tpu.dma_semaphore, #tpu.memory_space<semaphore_mem>>
      %dma_wait3A_496 = tpu.memref_squeeze %dma_wait3A_495 : memref<1x!tpu.dma_semaphore, #tpu.memory_space<semaphore_mem>> -> memref<!tpu.dma_semaphore, #tpu.memory_space<semaphore_mem>>
      %dma_wait3A_497 = arith.constant 0 : i32
      %dma_wait3A_498 = arith.constant 0 : i32
      %dma_wait3A_499 = tpu.memref_slice %arg6[%dma_wait3A_487, %dma_wait3A_497, %dma_wait3A_498] : memref<16x32x128xf32, #tpu.memory_space<vmem>> -> memref<1x32x128xf32, #tpu.memory_space<vmem>>
      %dma_wait3A_500 = tpu.memref_squeeze %dma_wait3A_499 : memref<1x32x128xf32, #tpu.memory_space<vmem>> -> memref<32x128xf32, #tpu.memory_space<vmem>>
      %dma_wait3A_501 = arith.constant 0 : i32
      %dma_wait3A_502 = tpu.memref_slice %arg2[%dma_wait3A_501, %multiple_of3A_486] : memref<32x1000000xf32, #tpu.memory_space<hbm>> -> memref<32x128xf32, #tpu.memory_space<hbm>>
      tpu.wait_dma2 semaphore(%dma_wait3A_496 : memref<!tpu.dma_semaphore, #tpu.memory_space<semaphore_mem>>) src(%dma_wait3A_502 : memref<32x128xf32, #tpu.memory_space<hbm>>) dst(%dma_wait3A_500 : memref<32x128xf32, #tpu.memory_space<vmem>>)
      %gather3A_503 = arith.constant 2 : i32
      %gather3A_504 = arith.constant 0 : i32
      %gather3A_505 = arith.constant 0 : i32
      %gather3A_506 = tpu.memref_slice %arg6[%gather3A_503, %gather3A_504, %gather3A_505] : memref<16x32x128xf32, #tpu.memory_space<vmem>> -> memref<1x32x128xf32, #tpu.memory_space<vmem>>
      %gather3A_507 = tpu.memref_squeeze %gather3A_506 : memref<1x32x128xf32, #tpu.memory_space<vmem>> -> memref<32x128xf32, #tpu.memory_space<vmem>>
      %gather3A_508 = tpu.vector_load_idx %gather3A_507[%iota3A, %broadcast_in_dim3A_481] : memref<32x128xf32, #tpu.memory_space<vmem>>[vector<16xi32>, vector<16xi32>], vector<16xf32>,
      %gather3A_509 = arith.constant 2 : i32
      %gather3A_510 = arith.constant 0 : i32
      %gather3A_511 = arith.constant 0 : i32
      %gather3A_512 = tpu.memref_slice %arg6[%gather3A_509, %gather3A_510, %gather3A_511] : memref<16x32x128xf32, #tpu.memory_space<vmem>> -> memref<1x32x128xf32, #tpu.memory_space<vmem>>
      %gather3A_513 = tpu.memref_squeeze %gather3A_512 : memref<1x32x128xf32, #tpu.memory_space<vmem>> -> memref<32x128xf32, #tpu.memory_space<vmem>>
      %gather3A_514 = tpu.vector_load_idx %gather3A_513[%add3A_5, %broadcast_in_dim3A_481] : memref<32x128xf32, #tpu.memory_space<vmem>>[vector<16xi32>, vector<16xi32>], vector<16xf32>,
      %convert_element_type3A_515 = arith.extui %lt3A_386 : i1 to i32
      %cond3A_516 = arith.constant 0 : i32
      %cond3A_517 = arith.cmpi ne, %convert_element_type3A_515, %cond3A_516 : i32
      scf.if %cond3A_517 {
        %slice3A_1117 = vector.extract_strided_slice %get3A_385 {offsets = [2], sizes = [1], strides = [1]} : vector<16xi32> to vector<1xi32>
        %squeeze3A_1118 = vector.extract %slice3A_1117[0] : i32 from vector<1xi32>
        %shift_right_arithmetic3A_1119 = arith.constant 7 : i32
        %shift_right_arithmetic3A_1120 = arith.shrsi %squeeze3A_1118, %shift_right_arithmetic3A_1119 : i32
        %mul3A_1121 = arith.constant 128 : i32
        %mul3A_1122 = arith.muli %shift_right_arithmetic3A_1120, %mul3A_1121 : i32
        %multiple_of3A_1123 = tpu.assume_multiple %mul3A_1122, 128 : i32
        %dma_start3A_1124 = arith.constant 2 : i32
        %dma_start3A_1125 = arith.constant 2 : i32
        %dma_start3A_1126 = arith.constant 0 : i32
        %dma_start3A_1127 = arith.constant 0 : i32
        %dma_start3A_1128 = tpu.memref_slice %arg6[%dma_start3A_1124, %dma_start3A_1126, %dma_start3A_1127] : memref<16x32x128xf32, #tpu.memory_space<vmem>> -> memref<1x32x128xf32, #tpu.memory_space<vmem>>
        %dma_start3A_1129 = tpu.memref_squeeze %dma_start3A_1128 : memref<1x32x128xf32, #tpu.memory_space<vmem>> -> memref<32x128xf32, #tpu.memory_space<vmem>>
        %dma_start3A_1130 = arith.constant 0 : i32
        %dma_start3A_1131 = tpu.memref_slice %arg2[%dma_start3A_1130, %multiple_of3A_1123] : memref<32x1000000xf32, #tpu.memory_space<hbm>> -> memref<32x128xf32, #tpu.memory_space<hbm>>
        %dma_start3A_1132 = tpu.memref_slice %arg8[%dma_start3A_1125] : memref<16x!tpu.dma_semaphore, #tpu.memory_space<semaphore_mem>> -> memref<1x!tpu.dma_semaphore, #tpu.memory_space<semaphore_mem>>
        %dma_start3A_1133 = tpu.memref_squeeze %dma_start3A_1132 : memref<1x!tpu.dma_semaphore, #tpu.memory_space<semaphore_mem>> -> memref<!tpu.dma_semaphore, #tpu.memory_space<semaphore_mem>>
        %dma_start3A_1134 = arith.constant 0 : i32
        %dma_start3A_1135 = arith.constant 0 : i32
        %dma_start3A_1136 = tpu.memref_slice %arg6[%dma_start3A_1124, %dma_start3A_1134, %dma_start3A_1135] : memref<16x32x128xf32, #tpu.memory_space<vmem>> -> memref<1x32x128xf32, #tpu.memory_space<vmem>>
        %dma_start3A_1137 = tpu.memref_squeeze %dma_start3A_1136 : memref<1x32x128xf32, #tpu.memory_space<vmem>> -> memref<32x128xf32, #tpu.memory_space<vmem>>
        %dma_start3A_1138 = arith.constant 0 : i32
        %dma_start3A_1139 = tpu.memref_slice %arg2[%dma_start3A_1138, %multiple_of3A_1123] : memref<32x1000000xf32, #tpu.memory_space<hbm>> -> memref<32x128xf32, #tpu.memory_space<hbm>>
        tpu.enqueue_dma source(%dma_start3A_1139 : memref<32x128xf32, #tpu.memory_space<hbm>>) target(%dma_start3A_1137 : memref<32x128xf32, #tpu.memory_space<vmem>>) target_semaphore(%dma_start3A_1133 : memref<!tpu.dma_semaphore, #tpu.memory_space<semaphore_mem>>)
      } else {
      }
      %broadcast_in_dim3A_518 = vector.broadcast %add3A_476 : i32 to vector<16xi32>
      tpu.vector_store_idx %arg7[%iota3A, %broadcast_in_dim3A_518], %gather3A_508 : memref<32x512xf32, #tpu.memory_space<vmem>>[vector<16xi32>, vector<16xi32>], vector<16xf32>,
      tpu.vector_store_idx %arg7[%add3A_5, %broadcast_in_dim3A_518], %gather3A_514 : memref<32x512xf32, #tpu.memory_space<vmem>>[vector<16xi32>, vector<16xi32>], vector<16xf32>,
      %mul3A_519 = arith.constant 16 : i32
      %mul3A_520 = arith.muli %scan3A_374, %mul3A_519 : i32
      %add3A_521 = arith.constant 3 : i32
      %add3A_522 = arith.addi %mul3A_520, %add3A_521 : i32
      %slice3A_523 = vector.extract_strided_slice %get3A_378 {offsets = [3], sizes = [1], strides = [1]} : vector<16xi32> to vector<1xi32>
      %squeeze3A_524 = vector.extract %slice3A_523[0] : i32 from vector<1xi32>
      %and3A_525 = arith.constant 127 : i32
      %and3A_526 = arith.andi %squeeze3A_524, %and3A_525 : i32
      %broadcast_in_dim3A_527 = vector.broadcast %and3A_526 : i32 to vector<16xi32>
      %shift_right_arithmetic3A_528 = arith.constant 7 : i32
      %shift_right_arithmetic3A_529 = arith.shrsi %squeeze3A_524, %shift_right_arithmetic3A_528 : i32
      %mul3A_530 = arith.constant 128 : i32
      %mul3A_531 = arith.muli %shift_right_arithmetic3A_529, %mul3A_530 : i32
      %multiple_of3A_532 = tpu.assume_multiple %mul3A_531, 128 : i32
      %dma_wait3A_533 = arith.constant 3 : i32
      %dma_wait3A_534 = arith.constant 3 : i32
      %dma_wait3A_535 = arith.constant 0 : i32
      %dma_wait3A_536 = arith.constant 0 : i32
      %dma_wait3A_537 = tpu.memref_slice %arg6[%dma_wait3A_533, %dma_wait3A_535, %dma_wait3A_536] : memref<16x32x128xf32, #tpu.memory_space<vmem>> -> memref<1x32x128xf32, #tpu.memory_space<vmem>>
      %dma_wait3A_538 = tpu.memref_squeeze %dma_wait3A_537 : memref<1x32x128xf32, #tpu.memory_space<vmem>> -> memref<32x128xf32, #tpu.memory_space<vmem>>
      %dma_wait3A_539 = arith.constant 0 : i32
      %dma_wait3A_540 = tpu.memref_slice %arg2[%dma_wait3A_539, %multiple_of3A_532] : memref<32x1000000xf32, #tpu.memory_space<hbm>> -> memref<32x128xf32, #tpu.memory_space<hbm>>
      %dma_wait3A_541 = tpu.memref_slice %arg8[%dma_wait3A_534] : memref<16x!tpu.dma_semaphore, #tpu.memory_space<semaphore_mem>> -> memref<1x!tpu.dma_semaphore, #tpu.memory_space<semaphore_mem>>
      %dma_wait3A_542 = tpu.memref_squeeze %dma_wait3A_541 : memref<1x!tpu.dma_semaphore, #tpu.memory_space<semaphore_mem>> -> memref<!tpu.dma_semaphore, #tpu.memory_space<semaphore_mem>>
      %dma_wait3A_543 = arith.constant 0 : i32
      %dma_wait3A_544 = arith.constant 0 : i32
      %dma_wait3A_545 = tpu.memref_slice %arg6[%dma_wait3A_533, %dma_wait3A_543, %dma_wait3A_544] : memref<16x32x128xf32, #tpu.memory_space<vmem>> -> memref<1x32x128xf32, #tpu.memory_space<vmem>>
      %dma_wait3A_546 = tpu.memref_squeeze %dma_wait3A_545 : memref<1x32x128xf32, #tpu.memory_space<vmem>> -> memref<32x128xf32, #tpu.memory_space<vmem>>
      %dma_wait3A_547 = arith.constant 0 : i32
      %dma_wait3A_548 = tpu.memref_slice %arg2[%dma_wait3A_547, %multiple_of3A_532] : memref<32x1000000xf32, #tpu.memory_space<hbm>> -> memref<32x128xf32, #tpu.memory_space<hbm>>
      tpu.wait_dma2 semaphore(%dma_wait3A_542 : memref<!tpu.dma_semaphore, #tpu.memory_space<semaphore_mem>>) src(%dma_wait3A_548 : memref<32x128xf32, #tpu.memory_space<hbm>>) dst(%dma_wait3A_546 : memref<32x128xf32, #tpu.memory_space<vmem>>)
      %gather3A_549 = arith.constant 3 : i32
      %gather3A_550 = arith.constant 0 : i32
      %gather3A_551 = arith.constant 0 : i32
      %gather3A_552 = tpu.memref_slice %arg6[%gather3A_549, %gather3A_550, %gather3A_551] : memref<16x32x128xf32, #tpu.memory_space<vmem>> -> memref<1x32x128xf32, #tpu.memory_space<vmem>>
      %gather3A_553 = tpu.memref_squeeze %gather3A_552 : memref<1x32x128xf32, #tpu.memory_space<vmem>> -> memref<32x128xf32, #tpu.memory_space<vmem>>
      %gather3A_554 = tpu.vector_load_idx %gather3A_553[%iota3A, %broadcast_in_dim3A_527] : memref<32x128xf32, #tpu.memory_space<vmem>>[vector<16xi32>, vector<16xi32>], vector<16xf32>,
      %gather3A_555 = arith.constant 3 : i32
      %gather3A_556 = arith.constant 0 : i32
      %gather3A_557 = arith.constant 0 : i32
      %gather3A_558 = tpu.memref_slice %arg6[%gather3A_555, %gather3A_556, %gather3A_557] : memref<16x32x128xf32, #tpu.memory_space<vmem>> -> memref<1x32x128xf32, #tpu.memory_space<vmem>>
      %gather3A_559 = tpu.memref_squeeze %gather3A_558 : memref<1x32x128xf32, #tpu.memory_space<vmem>> -> memref<32x128xf32, #tpu.memory_space<vmem>>
      %gather3A_560 = tpu.vector_load_idx %gather3A_559[%add3A_5, %broadcast_in_dim3A_527] : memref<32x128xf32, #tpu.memory_space<vmem>>[vector<16xi32>, vector<16xi32>], vector<16xf32>,
      %convert_element_type3A_561 = arith.extui %lt3A_386 : i1 to i32
      %cond3A_562 = arith.constant 0 : i32
      %cond3A_563 = arith.cmpi ne, %convert_element_type3A_561, %cond3A_562 : i32
      scf.if %cond3A_563 {
        %slice3A_1117 = vector.extract_strided_slice %get3A_385 {offsets = [3], sizes = [1], strides = [1]} : vector<16xi32> to vector<1xi32>
        %squeeze3A_1118 = vector.extract %slice3A_1117[0] : i32 from vector<1xi32>
        %shift_right_arithmetic3A_1119 = arith.constant 7 : i32
        %shift_right_arithmetic3A_1120 = arith.shrsi %squeeze3A_1118, %shift_right_arithmetic3A_1119 : i32
        %mul3A_1121 = arith.constant 128 : i32
        %mul3A_1122 = arith.muli %shift_right_arithmetic3A_1120, %mul3A_1121 : i32
        %multiple_of3A_1123 = tpu.assume_multiple %mul3A_1122, 128 : i32
        %dma_start3A_1124 = arith.constant 3 : i32
        %dma_start3A_1125 = arith.constant 3 : i32
        %dma_start3A_1126 = arith.constant 0 : i32
        %dma_start3A_1127 = arith.constant 0 : i32
        %dma_start3A_1128 = tpu.memref_slice %arg6[%dma_start3A_1124, %dma_start3A_1126, %dma_start3A_1127] : memref<16x32x128xf32, #tpu.memory_space<vmem>> -> memref<1x32x128xf32, #tpu.memory_space<vmem>>
        %dma_start3A_1129 = tpu.memref_squeeze %dma_start3A_1128 : memref<1x32x128xf32, #tpu.memory_space<vmem>> -> memref<32x128xf32, #tpu.memory_space<vmem>>
        %dma_start3A_1130 = arith.constant 0 : i32
        %dma_start3A_1131 = tpu.memref_slice %arg2[%dma_start3A_1130, %multiple_of3A_1123] : memref<32x1000000xf32, #tpu.memory_space<hbm>> -> memref<32x128xf32, #tpu.memory_space<hbm>>
        %dma_start3A_1132 = tpu.memref_slice %arg8[%dma_start3A_1125] : memref<16x!tpu.dma_semaphore, #tpu.memory_space<semaphore_mem>> -> memref<1x!tpu.dma_semaphore, #tpu.memory_space<semaphore_mem>>
        %dma_start3A_1133 = tpu.memref_squeeze %dma_start3A_1132 : memref<1x!tpu.dma_semaphore, #tpu.memory_space<semaphore_mem>> -> memref<!tpu.dma_semaphore, #tpu.memory_space<semaphore_mem>>
        %dma_start3A_1134 = arith.constant 0 : i32
        %dma_start3A_1135 = arith.constant 0 : i32
        %dma_start3A_1136 = tpu.memref_slice %arg6[%dma_start3A_1124, %dma_start3A_1134, %dma_start3A_1135] : memref<16x32x128xf32, #tpu.memory_space<vmem>> -> memref<1x32x128xf32, #tpu.memory_space<vmem>>
        %dma_start3A_1137 = tpu.memref_squeeze %dma_start3A_1136 : memref<1x32x128xf32, #tpu.memory_space<vmem>> -> memref<32x128xf32, #tpu.memory_space<vmem>>
        %dma_start3A_1138 = arith.constant 0 : i32
        %dma_start3A_1139 = tpu.memref_slice %arg2[%dma_start3A_1138, %multiple_of3A_1123] : memref<32x1000000xf32, #tpu.memory_space<hbm>> -> memref<32x128xf32, #tpu.memory_space<hbm>>
        tpu.enqueue_dma source(%dma_start3A_1139 : memref<32x128xf32, #tpu.memory_space<hbm>>) target(%dma_start3A_1137 : memref<32x128xf32, #tpu.memory_space<vmem>>) target_semaphore(%dma_start3A_1133 : memref<!tpu.dma_semaphore, #tpu.memory_space<semaphore_mem>>)
      } else {
      }
      %broadcast_in_dim3A_564 = vector.broadcast %add3A_522 : i32 to vector<16xi32>
      tpu.vector_store_idx %arg7[%iota3A, %broadcast_in_dim3A_564], %gather3A_554 : memref<32x512xf32, #tpu.memory_space<vmem>>[vector<16xi32>, vector<16xi32>], vector<16xf32>,
      tpu.vector_store_idx %arg7[%add3A_5, %broadcast_in_dim3A_564], %gather3A_560 : memref<32x512xf32, #tpu.memory_space<vmem>>[vector<16xi32>, vector<16xi32>], vector<16xf32>,
      %mul3A_565 = arith.constant 16 : i32
      %mul3A_566 = arith.muli %scan3A_374, %mul3A_565 : i32
      %add3A_567 = arith.constant 4 : i32
      %add3A_568 = arith.addi %mul3A_566, %add3A_567 : i32
      %slice3A_569 = vector.extract_strided_slice %get3A_378 {offsets = [4], sizes = [1], strides = [1]} : vector<16xi32> to vector<1xi32>
      %squeeze3A_570 = vector.extract %slice3A_569[0] : i32 from vector<1xi32>
      %and3A_571 = arith.constant 127 : i32
      %and3A_572 = arith.andi %squeeze3A_570, %and3A_571 : i32
      %broadcast_in_dim3A_573 = vector.broadcast %and3A_572 : i32 to vector<16xi32>
      %shift_right_arithmetic3A_574 = arith.constant 7 : i32
      %shift_right_arithmetic3A_575 = arith.shrsi %squeeze3A_570, %shift_right_arithmetic3A_574 : i32
      %mul3A_576 = arith.constant 128 : i32
      %mul3A_577 = arith.muli %shift_right_arithmetic3A_575, %mul3A_576 : i32
      %multiple_of3A_578 = tpu.assume_multiple %mul3A_577, 128 : i32
      %dma_wait3A_579 = arith.constant 4 : i32
      %dma_wait3A_580 = arith.constant 4 : i32
      %dma_wait3A_581 = arith.constant 0 : i32
      %dma_wait3A_582 = arith.constant 0 : i32
      %dma_wait3A_583 = tpu.memref_slice %arg6[%dma_wait3A_579, %dma_wait3A_581, %dma_wait3A_582] : memref<16x32x128xf32, #tpu.memory_space<vmem>> -> memref<1x32x128xf32, #tpu.memory_space<vmem>>
      %dma_wait3A_584 = tpu.memref_squeeze %dma_wait3A_583 : memref<1x32x128xf32, #tpu.memory_space<vmem>> -> memref<32x128xf32, #tpu.memory_space<vmem>>
      %dma_wait3A_585 = arith.constant 0 : i32
      %dma_wait3A_586 = tpu.memref_slice %arg2[%dma_wait3A_585, %multiple_of3A_578] : memref<32x1000000xf32, #tpu.memory_space<hbm>> -> memref<32x128xf32, #tpu.memory_space<hbm>>
      %dma_wait3A_587 = tpu.memref_slice %arg8[%dma_wait3A_580] : memref<16x!tpu.dma_semaphore, #tpu.memory_space<semaphore_mem>> -> memref<1x!tpu.dma_semaphore, #tpu.memory_space<semaphore_mem>>
      %dma_wait3A_588 = tpu.memref_squeeze %dma_wait3A_587 : memref<1x!tpu.dma_semaphore, #tpu.memory_space<semaphore_mem>> -> memref<!tpu.dma_semaphore, #tpu.memory_space<semaphore_mem>>
      %dma_wait3A_589 = arith.constant 0 : i32
      %dma_wait3A_590 = arith.constant 0 : i32
      %dma_wait3A_591 = tpu.memref_slice %arg6[%dma_wait3A_579, %dma_wait3A_589, %dma_wait3A_590] : memref<16x32x128xf32, #tpu.memory_space<vmem>> -> memref<1x32x128xf32, #tpu.memory_space<vmem>>
      %dma_wait3A_592 = tpu.memref_squeeze %dma_wait3A_591 : memref<1x32x128xf32, #tpu.memory_space<vmem>> -> memref<32x128xf32, #tpu.memory_space<vmem>>
      %dma_wait3A_593 = arith.constant 0 : i32
      %dma_wait3A_594 = tpu.memref_slice %arg2[%dma_wait3A_593, %multiple_of3A_578] : memref<32x1000000xf32, #tpu.memory_space<hbm>> -> memref<32x128xf32, #tpu.memory_space<hbm>>
      tpu.wait_dma2 semaphore(%dma_wait3A_588 : memref<!tpu.dma_semaphore, #tpu.memory_space<semaphore_mem>>) src(%dma_wait3A_594 : memref<32x128xf32, #tpu.memory_space<hbm>>) dst(%dma_wait3A_592 : memref<32x128xf32, #tpu.memory_space<vmem>>)
      %gather3A_595 = arith.constant 4 : i32
      %gather3A_596 = arith.constant 0 : i32
      %gather3A_597 = arith.constant 0 : i32
      %gather3A_598 = tpu.memref_slice %arg6[%gather3A_595, %gather3A_596, %gather3A_597] : memref<16x32x128xf32, #tpu.memory_space<vmem>> -> memref<1x32x128xf32, #tpu.memory_space<vmem>>
      %gather3A_599 = tpu.memref_squeeze %gather3A_598 : memref<1x32x128xf32, #tpu.memory_space<vmem>> -> memref<32x128xf32, #tpu.memory_space<vmem>>
      %gather3A_600 = tpu.vector_load_idx %gather3A_599[%iota3A, %broadcast_in_dim3A_573] : memref<32x128xf32, #tpu.memory_space<vmem>>[vector<16xi32>, vector<16xi32>], vector<16xf32>,
      %gather3A_601 = arith.constant 4 : i32
      %gather3A_602 = arith.constant 0 : i32
      %gather3A_603 = arith.constant 0 : i32
      %gather3A_604 = tpu.memref_slice %arg6[%gather3A_601, %gather3A_602, %gather3A_603] : memref<16x32x128xf32, #tpu.memory_space<vmem>> -> memref<1x32x128xf32, #tpu.memory_space<vmem>>
      %gather3A_605 = tpu.memref_squeeze %gather3A_604 : memref<1x32x128xf32, #tpu.memory_space<vmem>> -> memref<32x128xf32, #tpu.memory_space<vmem>>
      %gather3A_606 = tpu.vector_load_idx %gather3A_605[%add3A_5, %broadcast_in_dim3A_573] : memref<32x128xf32, #tpu.memory_space<vmem>>[vector<16xi32>, vector<16xi32>], vector<16xf32>,
      %convert_element_type3A_607 = arith.extui %lt3A_386 : i1 to i32
      %cond3A_608 = arith.constant 0 : i32
      %cond3A_609 = arith.cmpi ne, %convert_element_type3A_607, %cond3A_608 : i32
      scf.if %cond3A_609 {
        %slice3A_1117 = vector.extract_strided_slice %get3A_385 {offsets = [4], sizes = [1], strides = [1]} : vector<16xi32> to vector<1xi32>
        %squeeze3A_1118 = vector.extract %slice3A_1117[0] : i32 from vector<1xi32>
        %shift_right_arithmetic3A_1119 = arith.constant 7 : i32
        %shift_right_arithmetic3A_1120 = arith.shrsi %squeeze3A_1118, %shift_right_arithmetic3A_1119 : i32
        %mul3A_1121 = arith.constant 128 : i32
        %mul3A_1122 = arith.muli %shift_right_arithmetic3A_1120, %mul3A_1121 : i32
        %multiple_of3A_1123 = tpu.assume_multiple %mul3A_1122, 128 : i32
        %dma_start3A_1124 = arith.constant 4 : i32
        %dma_start3A_1125 = arith.constant 4 : i32
        %dma_start3A_1126 = arith.constant 0 : i32
        %dma_start3A_1127 = arith.constant 0 : i32
        %dma_start3A_1128 = tpu.memref_slice %arg6[%dma_start3A_1124, %dma_start3A_1126, %dma_start3A_1127] : memref<16x32x128xf32, #tpu.memory_space<vmem>> -> memref<1x32x128xf32, #tpu.memory_space<vmem>>
        %dma_start3A_1129 = tpu.memref_squeeze %dma_start3A_1128 : memref<1x32x128xf32, #tpu.memory_space<vmem>> -> memref<32x128xf32, #tpu.memory_space<vmem>>
        %dma_start3A_1130 = arith.constant 0 : i32
        %dma_start3A_1131 = tpu.memref_slice %arg2[%dma_start3A_1130, %multiple_of3A_1123] : memref<32x1000000xf32, #tpu.memory_space<hbm>> -> memref<32x128xf32, #tpu.memory_space<hbm>>
        %dma_start3A_1132 = tpu.memref_slice %arg8[%dma_start3A_1125] : memref<16x!tpu.dma_semaphore, #tpu.memory_space<semaphore_mem>> -> memref<1x!tpu.dma_semaphore, #tpu.memory_space<semaphore_mem>>
        %dma_start3A_1133 = tpu.memref_squeeze %dma_start3A_1132 : memref<1x!tpu.dma_semaphore, #tpu.memory_space<semaphore_mem>> -> memref<!tpu.dma_semaphore, #tpu.memory_space<semaphore_mem>>
        %dma_start3A_1134 = arith.constant 0 : i32
        %dma_start3A_1135 = arith.constant 0 : i32
        %dma_start3A_1136 = tpu.memref_slice %arg6[%dma_start3A_1124, %dma_start3A_1134, %dma_start3A_1135] : memref<16x32x128xf32, #tpu.memory_space<vmem>> -> memref<1x32x128xf32, #tpu.memory_space<vmem>>
        %dma_start3A_1137 = tpu.memref_squeeze %dma_start3A_1136 : memref<1x32x128xf32, #tpu.memory_space<vmem>> -> memref<32x128xf32, #tpu.memory_space<vmem>>
        %dma_start3A_1138 = arith.constant 0 : i32
        %dma_start3A_1139 = tpu.memref_slice %arg2[%dma_start3A_1138, %multiple_of3A_1123] : memref<32x1000000xf32, #tpu.memory_space<hbm>> -> memref<32x128xf32, #tpu.memory_space<hbm>>
        tpu.enqueue_dma source(%dma_start3A_1139 : memref<32x128xf32, #tpu.memory_space<hbm>>) target(%dma_start3A_1137 : memref<32x128xf32, #tpu.memory_space<vmem>>) target_semaphore(%dma_start3A_1133 : memref<!tpu.dma_semaphore, #tpu.memory_space<semaphore_mem>>)
      } else {
      }
      %broadcast_in_dim3A_610 = vector.broadcast %add3A_568 : i32 to vector<16xi32>
      tpu.vector_store_idx %arg7[%iota3A, %broadcast_in_dim3A_610], %gather3A_600 : memref<32x512xf32, #tpu.memory_space<vmem>>[vector<16xi32>, vector<16xi32>], vector<16xf32>,
      tpu.vector_store_idx %arg7[%add3A_5, %broadcast_in_dim3A_610], %gather3A_606 : memref<32x512xf32, #tpu.memory_space<vmem>>[vector<16xi32>, vector<16xi32>], vector<16xf32>,
      %mul3A_611 = arith.constant 16 : i32
      %mul3A_612 = arith.muli %scan3A_374, %mul3A_611 : i32
      %add3A_613 = arith.constant 5 : i32
      %add3A_614 = arith.addi %mul3A_612, %add3A_613 : i32
      %slice3A_615 = vector.extract_strided_slice %get3A_378 {offsets = [5], sizes = [1], strides = [1]} : vector<16xi32> to vector<1xi32>
      %squeeze3A_616 = vector.extract %slice3A_615[0] : i32 from vector<1xi32>
      %and3A_617 = arith.constant 127 : i32
      %and3A_618 = arith.andi %squeeze3A_616, %and3A_617 : i32
      %broadcast_in_dim3A_619 = vector.broadcast %and3A_618 : i32 to vector<16xi32>
      %shift_right_arithmetic3A_620 = arith.constant 7 : i32
      %shift_right_arithmetic3A_621 = arith.shrsi %squeeze3A_616, %shift_right_arithmetic3A_620 : i32
      %mul3A_622 = arith.constant 128 : i32
      %mul3A_623 = arith.muli %shift_right_arithmetic3A_621, %mul3A_622 : i32
      %multiple_of3A_624 = tpu.assume_multiple %mul3A_623, 128 : i32
      %dma_wait3A_625 = arith.constant 5 : i32
      %dma_wait3A_626 = arith.constant 5 : i32
      %dma_wait3A_627 = arith.constant 0 : i32
      %dma_wait3A_628 = arith.constant 0 : i32
      %dma_wait3A_629 = tpu.memref_slice %arg6[%dma_wait3A_625, %dma_wait3A_627, %dma_wait3A_628] : memref<16x32x128xf32, #tpu.memory_space<vmem>> -> memref<1x32x128xf32, #tpu.memory_space<vmem>>
      %dma_wait3A_630 = tpu.memref_squeeze %dma_wait3A_629 : memref<1x32x128xf32, #tpu.memory_space<vmem>> -> memref<32x128xf32, #tpu.memory_space<vmem>>
      %dma_wait3A_631 = arith.constant 0 : i32
      %dma_wait3A_632 = tpu.memref_slice %arg2[%dma_wait3A_631, %multiple_of3A_624] : memref<32x1000000xf32, #tpu.memory_space<hbm>> -> memref<32x128xf32, #tpu.memory_space<hbm>>
      %dma_wait3A_633 = tpu.memref_slice %arg8[%dma_wait3A_626] : memref<16x!tpu.dma_semaphore, #tpu.memory_space<semaphore_mem>> -> memref<1x!tpu.dma_semaphore, #tpu.memory_space<semaphore_mem>>
      %dma_wait3A_634 = tpu.memref_squeeze %dma_wait3A_633 : memref<1x!tpu.dma_semaphore, #tpu.memory_space<semaphore_mem>> -> memref<!tpu.dma_semaphore, #tpu.memory_space<semaphore_mem>>
      %dma_wait3A_635 = arith.constant 0 : i32
      %dma_wait3A_636 = arith.constant 0 : i32
      %dma_wait3A_637 = tpu.memref_slice %arg6[%dma_wait3A_625, %dma_wait3A_635, %dma_wait3A_636] : memref<16x32x128xf32, #tpu.memory_space<vmem>> -> memref<1x32x128xf32, #tpu.memory_space<vmem>>
      %dma_wait3A_638 = tpu.memref_squeeze %dma_wait3A_637 : memref<1x32x128xf32, #tpu.memory_space<vmem>> -> memref<32x128xf32, #tpu.memory_space<vmem>>
      %dma_wait3A_639 = arith.constant 0 : i32
      %dma_wait3A_640 = tpu.memref_slice %arg2[%dma_wait3A_639, %multiple_of3A_624] : memref<32x1000000xf32, #tpu.memory_space<hbm>> -> memref<32x128xf32, #tpu.memory_space<hbm>>
      tpu.wait_dma2 semaphore(%dma_wait3A_634 : memref<!tpu.dma_semaphore, #tpu.memory_space<semaphore_mem>>) src(%dma_wait3A_640 : memref<32x128xf32, #tpu.memory_space<hbm>>) dst(%dma_wait3A_638 : memref<32x128xf32, #tpu.memory_space<vmem>>)
      %gather3A_641 = arith.constant 5 : i32
      %gather3A_642 = arith.constant 0 : i32
      %gather3A_643 = arith.constant 0 : i32
      %gather3A_644 = tpu.memref_slice %arg6[%gather3A_641, %gather3A_642, %gather3A_643] : memref<16x32x128xf32, #tpu.memory_space<vmem>> -> memref<1x32x128xf32, #tpu.memory_space<vmem>>
      %gather3A_645 = tpu.memref_squeeze %gather3A_644 : memref<1x32x128xf32, #tpu.memory_space<vmem>> -> memref<32x128xf32, #tpu.memory_space<vmem>>
      %gather3A_646 = tpu.vector_load_idx %gather3A_645[%iota3A, %broadcast_in_dim3A_619] : memref<32x128xf32, #tpu.memory_space<vmem>>[vector<16xi32>, vector<16xi32>], vector<16xf32>,
      %gather3A_647 = arith.constant 5 : i32
      %gather3A_648 = arith.constant 0 : i32
      %gather3A_649 = arith.constant 0 : i32
      %gather3A_650 = tpu.memref_slice %arg6[%gather3A_647, %gather3A_648, %gather3A_649] : memref<16x32x128xf32, #tpu.memory_space<vmem>> -> memref<1x32x128xf32, #tpu.memory_space<vmem>>
      %gather3A_651 = tpu.memref_squeeze %gather3A_650 : memref<1x32x128xf32, #tpu.memory_space<vmem>> -> memref<32x128xf32, #tpu.memory_space<vmem>>
      %gather3A_652 = tpu.vector_load_idx %gather3A_651[%add3A_5, %broadcast_in_dim3A_619] : memref<32x128xf32, #tpu.memory_space<vmem>>[vector<16xi32>, vector<16xi32>], vector<16xf32>,
      %convert_element_type3A_653 = arith.extui %lt3A_386 : i1 to i32
      %cond3A_654 = arith.constant 0 : i32
      %cond3A_655 = arith.cmpi ne, %convert_element_type3A_653, %cond3A_654 : i32
      scf.if %cond3A_655 {
        %slice3A_1117 = vector.extract_strided_slice %get3A_385 {offsets = [5], sizes = [1], strides = [1]} : vector<16xi32> to vector<1xi32>
        %squeeze3A_1118 = vector.extract %slice3A_1117[0] : i32 from vector<1xi32>
        %shift_right_arithmetic3A_1119 = arith.constant 7 : i32
        %shift_right_arithmetic3A_1120 = arith.shrsi %squeeze3A_1118, %shift_right_arithmetic3A_1119 : i32
        %mul3A_1121 = arith.constant 128 : i32
        %mul3A_1122 = arith.muli %shift_right_arithmetic3A_1120, %mul3A_1121 : i32
        %multiple_of3A_1123 = tpu.assume_multiple %mul3A_1122, 128 : i32
        %dma_start3A_1124 = arith.constant 5 : i32
        %dma_start3A_1125 = arith.constant 5 : i32
        %dma_start3A_1126 = arith.constant 0 : i32
        %dma_start3A_1127 = arith.constant 0 : i32
        %dma_start3A_1128 = tpu.memref_slice %arg6[%dma_start3A_1124, %dma_start3A_1126, %dma_start3A_1127] : memref<16x32x128xf32, #tpu.memory_space<vmem>> -> memref<1x32x128xf32, #tpu.memory_space<vmem>>
        %dma_start3A_1129 = tpu.memref_squeeze %dma_start3A_1128 : memref<1x32x128xf32, #tpu.memory_space<vmem>> -> memref<32x128xf32, #tpu.memory_space<vmem>>
        %dma_start3A_1130 = arith.constant 0 : i32
        %dma_start3A_1131 = tpu.memref_slice %arg2[%dma_start3A_1130, %multiple_of3A_1123] : memref<32x1000000xf32, #tpu.memory_space<hbm>> -> memref<32x128xf32, #tpu.memory_space<hbm>>
        %dma_start3A_1132 = tpu.memref_slice %arg8[%dma_start3A_1125] : memref<16x!tpu.dma_semaphore, #tpu.memory_space<semaphore_mem>> -> memref<1x!tpu.dma_semaphore, #tpu.memory_space<semaphore_mem>>
        %dma_start3A_1133 = tpu.memref_squeeze %dma_start3A_1132 : memref<1x!tpu.dma_semaphore, #tpu.memory_space<semaphore_mem>> -> memref<!tpu.dma_semaphore, #tpu.memory_space<semaphore_mem>>
        %dma_start3A_1134 = arith.constant 0 : i32
        %dma_start3A_1135 = arith.constant 0 : i32
        %dma_start3A_1136 = tpu.memref_slice %arg6[%dma_start3A_1124, %dma_start3A_1134, %dma_start3A_1135] : memref<16x32x128xf32, #tpu.memory_space<vmem>> -> memref<1x32x128xf32, #tpu.memory_space<vmem>>
        %dma_start3A_1137 = tpu.memref_squeeze %dma_start3A_1136 : memref<1x32x128xf32, #tpu.memory_space<vmem>> -> memref<32x128xf32, #tpu.memory_space<vmem>>
        %dma_start3A_1138 = arith.constant 0 : i32
        %dma_start3A_1139 = tpu.memref_slice %arg2[%dma_start3A_1138, %multiple_of3A_1123] : memref<32x1000000xf32, #tpu.memory_space<hbm>> -> memref<32x128xf32, #tpu.memory_space<hbm>>
        tpu.enqueue_dma source(%dma_start3A_1139 : memref<32x128xf32, #tpu.memory_space<hbm>>) target(%dma_start3A_1137 : memref<32x128xf32, #tpu.memory_space<vmem>>) target_semaphore(%dma_start3A_1133 : memref<!tpu.dma_semaphore, #tpu.memory_space<semaphore_mem>>)
      } else {
      }
      %broadcast_in_dim3A_656 = vector.broadcast %add3A_614 : i32 to vector<16xi32>
      tpu.vector_store_idx %arg7[%iota3A, %broadcast_in_dim3A_656], %gather3A_646 : memref<32x512xf32, #tpu.memory_space<vmem>>[vector<16xi32>, vector<16xi32>], vector<16xf32>,
      tpu.vector_store_idx %arg7[%add3A_5, %broadcast_in_dim3A_656], %gather3A_652 : memref<32x512xf32, #tpu.memory_space<vmem>>[vector<16xi32>, vector<16xi32>], vector<16xf32>,
      %mul3A_657 = arith.constant 16 : i32
      %mul3A_658 = arith.muli %scan3A_374, %mul3A_657 : i32
      %add3A_659 = arith.constant 6 : i32
      %add3A_660 = arith.addi %mul3A_658, %add3A_659 : i32
      %slice3A_661 = vector.extract_strided_slice %get3A_378 {offsets = [6], sizes = [1], strides = [1]} : vector<16xi32> to vector<1xi32>
      %squeeze3A_662 = vector.extract %slice3A_661[0] : i32 from vector<1xi32>
      %and3A_663 = arith.constant 127 : i32
      %and3A_664 = arith.andi %squeeze3A_662, %and3A_663 : i32
      %broadcast_in_dim3A_665 = vector.broadcast %and3A_664 : i32 to vector<16xi32>
      %shift_right_arithmetic3A_666 = arith.constant 7 : i32
      %shift_right_arithmetic3A_667 = arith.shrsi %squeeze3A_662, %shift_right_arithmetic3A_666 : i32
      %mul3A_668 = arith.constant 128 : i32
      %mul3A_669 = arith.muli %shift_right_arithmetic3A_667, %mul3A_668 : i32
      %multiple_of3A_670 = tpu.assume_multiple %mul3A_669, 128 : i32
      %dma_wait3A_671 = arith.constant 6 : i32
      %dma_wait3A_672 = arith.constant 6 : i32
      %dma_wait3A_673 = arith.constant 0 : i32
      %dma_wait3A_674 = arith.constant 0 : i32
      %dma_wait3A_675 = tpu.memref_slice %arg6[%dma_wait3A_671, %dma_wait3A_673, %dma_wait3A_674] : memref<16x32x128xf32, #tpu.memory_space<vmem>> -> memref<1x32x128xf32, #tpu.memory_space<vmem>>
      %dma_wait3A_676 = tpu.memref_squeeze %dma_wait3A_675 : memref<1x32x128xf32, #tpu.memory_space<vmem>> -> memref<32x128xf32, #tpu.memory_space<vmem>>
      %dma_wait3A_677 = arith.constant 0 : i32
      %dma_wait3A_678 = tpu.memref_slice %arg2[%dma_wait3A_677, %multiple_of3A_670] : memref<32x1000000xf32, #tpu.memory_space<hbm>> -> memref<32x128xf32, #tpu.memory_space<hbm>>
      %dma_wait3A_679 = tpu.memref_slice %arg8[%dma_wait3A_672] : memref<16x!tpu.dma_semaphore, #tpu.memory_space<semaphore_mem>> -> memref<1x!tpu.dma_semaphore, #tpu.memory_space<semaphore_mem>>
      %dma_wait3A_680 = tpu.memref_squeeze %dma_wait3A_679 : memref<1x!tpu.dma_semaphore, #tpu.memory_space<semaphore_mem>> -> memref<!tpu.dma_semaphore, #tpu.memory_space<semaphore_mem>>
      %dma_wait3A_681 = arith.constant 0 : i32
      %dma_wait3A_682 = arith.constant 0 : i32
      %dma_wait3A_683 = tpu.memref_slice %arg6[%dma_wait3A_671, %dma_wait3A_681, %dma_wait3A_682] : memref<16x32x128xf32, #tpu.memory_space<vmem>> -> memref<1x32x128xf32, #tpu.memory_space<vmem>>
      %dma_wait3A_684 = tpu.memref_squeeze %dma_wait3A_683 : memref<1x32x128xf32, #tpu.memory_space<vmem>> -> memref<32x128xf32, #tpu.memory_space<vmem>>
      %dma_wait3A_685 = arith.constant 0 : i32
      %dma_wait3A_686 = tpu.memref_slice %arg2[%dma_wait3A_685, %multiple_of3A_670] : memref<32x1000000xf32, #tpu.memory_space<hbm>> -> memref<32x128xf32, #tpu.memory_space<hbm>>
      tpu.wait_dma2 semaphore(%dma_wait3A_680 : memref<!tpu.dma_semaphore, #tpu.memory_space<semaphore_mem>>) src(%dma_wait3A_686 : memref<32x128xf32, #tpu.memory_space<hbm>>) dst(%dma_wait3A_684 : memref<32x128xf32, #tpu.memory_space<vmem>>)
      %gather3A_687 = arith.constant 6 : i32
      %gather3A_688 = arith.constant 0 : i32
      %gather3A_689 = arith.constant 0 : i32
      %gather3A_690 = tpu.memref_slice %arg6[%gather3A_687, %gather3A_688, %gather3A_689] : memref<16x32x128xf32, #tpu.memory_space<vmem>> -> memref<1x32x128xf32, #tpu.memory_space<vmem>>
      %gather3A_691 = tpu.memref_squeeze %gather3A_690 : memref<1x32x128xf32, #tpu.memory_space<vmem>> -> memref<32x128xf32, #tpu.memory_space<vmem>>
      %gather3A_692 = tpu.vector_load_idx %gather3A_691[%iota3A, %broadcast_in_dim3A_665] : memref<32x128xf32, #tpu.memory_space<vmem>>[vector<16xi32>, vector<16xi32>], vector<16xf32>,
      %gather3A_693 = arith.constant 6 : i32
      %gather3A_694 = arith.constant 0 : i32
      %gather3A_695 = arith.constant 0 : i32
      %gather3A_696 = tpu.memref_slice %arg6[%gather3A_693, %gather3A_694, %gather3A_695] : memref<16x32x128xf32, #tpu.memory_space<vmem>> -> memref<1x32x128xf32, #tpu.memory_space<vmem>>
      %gather3A_697 = tpu.memref_squeeze %gather3A_696 : memref<1x32x128xf32, #tpu.memory_space<vmem>> -> memref<32x128xf32, #tpu.memory_space<vmem>>
      %gather3A_698 = tpu.vector_load_idx %gather3A_697[%add3A_5, %broadcast_in_dim3A_665] : memref<32x128xf32, #tpu.memory_space<vmem>>[vector<16xi32>, vector<16xi32>], vector<16xf32>,
      %convert_element_type3A_699 = arith.extui %lt3A_386 : i1 to i32
      %cond3A_700 = arith.constant 0 : i32
      %cond3A_701 = arith.cmpi ne, %convert_element_type3A_699, %cond3A_700 : i32
      scf.if %cond3A_701 {
        %slice3A_1117 = vector.extract_strided_slice %get3A_385 {offsets = [6], sizes = [1], strides = [1]} : vector<16xi32> to vector<1xi32>
        %squeeze3A_1118 = vector.extract %slice3A_1117[0] : i32 from vector<1xi32>
        %shift_right_arithmetic3A_1119 = arith.constant 7 : i32
        %shift_right_arithmetic3A_1120 = arith.shrsi %squeeze3A_1118, %shift_right_arithmetic3A_1119 : i32
        %mul3A_1121 = arith.constant 128 : i32
        %mul3A_1122 = arith.muli %shift_right_arithmetic3A_1120, %mul3A_1121 : i32
        %multiple_of3A_1123 = tpu.assume_multiple %mul3A_1122, 128 : i32
        %dma_start3A_1124 = arith.constant 6 : i32
        %dma_start3A_1125 = arith.constant 6 : i32
        %dma_start3A_1126 = arith.constant 0 : i32
        %dma_start3A_1127 = arith.constant 0 : i32
        %dma_start3A_1128 = tpu.memref_slice %arg6[%dma_start3A_1124, %dma_start3A_1126, %dma_start3A_1127] : memref<16x32x128xf32, #tpu.memory_space<vmem>> -> memref<1x32x128xf32, #tpu.memory_space<vmem>>
        %dma_start3A_1129 = tpu.memref_squeeze %dma_start3A_1128 : memref<1x32x128xf32, #tpu.memory_space<vmem>> -> memref<32x128xf32, #tpu.memory_space<vmem>>
        %dma_start3A_1130 = arith.constant 0 : i32
        %dma_start3A_1131 = tpu.memref_slice %arg2[%dma_start3A_1130, %multiple_of3A_1123] : memref<32x1000000xf32, #tpu.memory_space<hbm>> -> memref<32x128xf32, #tpu.memory_space<hbm>>
        %dma_start3A_1132 = tpu.memref_slice %arg8[%dma_start3A_1125] : memref<16x!tpu.dma_semaphore, #tpu.memory_space<semaphore_mem>> -> memref<1x!tpu.dma_semaphore, #tpu.memory_space<semaphore_mem>>
        %dma_start3A_1133 = tpu.memref_squeeze %dma_start3A_1132 : memref<1x!tpu.dma_semaphore, #tpu.memory_space<semaphore_mem>> -> memref<!tpu.dma_semaphore, #tpu.memory_space<semaphore_mem>>
        %dma_start3A_1134 = arith.constant 0 : i32
        %dma_start3A_1135 = arith.constant 0 : i32
        %dma_start3A_1136 = tpu.memref_slice %arg6[%dma_start3A_1124, %dma_start3A_1134, %dma_start3A_1135] : memref<16x32x128xf32, #tpu.memory_space<vmem>> -> memref<1x32x128xf32, #tpu.memory_space<vmem>>
        %dma_start3A_1137 = tpu.memref_squeeze %dma_start3A_1136 : memref<1x32x128xf32, #tpu.memory_space<vmem>> -> memref<32x128xf32, #tpu.memory_space<vmem>>
        %dma_start3A_1138 = arith.constant 0 : i32
        %dma_start3A_1139 = tpu.memref_slice %arg2[%dma_start3A_1138, %multiple_of3A_1123] : memref<32x1000000xf32, #tpu.memory_space<hbm>> -> memref<32x128xf32, #tpu.memory_space<hbm>>
        tpu.enqueue_dma source(%dma_start3A_1139 : memref<32x128xf32, #tpu.memory_space<hbm>>) target(%dma_start3A_1137 : memref<32x128xf32, #tpu.memory_space<vmem>>) target_semaphore(%dma_start3A_1133 : memref<!tpu.dma_semaphore, #tpu.memory_space<semaphore_mem>>)
      } else {
      }
      %broadcast_in_dim3A_702 = vector.broadcast %add3A_660 : i32 to vector<16xi32>
      tpu.vector_store_idx %arg7[%iota3A, %broadcast_in_dim3A_702], %gather3A_692 : memref<32x512xf32, #tpu.memory_space<vmem>>[vector<16xi32>, vector<16xi32>], vector<16xf32>,
      tpu.vector_store_idx %arg7[%add3A_5, %broadcast_in_dim3A_702], %gather3A_698 : memref<32x512xf32, #tpu.memory_space<vmem>>[vector<16xi32>, vector<16xi32>], vector<16xf32>,
      %mul3A_703 = arith.constant 16 : i32
      %mul3A_704 = arith.muli %scan3A_374, %mul3A_703 : i32
      %add3A_705 = arith.constant 7 : i32
      %add3A_706 = arith.addi %mul3A_704, %add3A_705 : i32
      %slice3A_707 = vector.extract_strided_slice %get3A_378 {offsets = [7], sizes = [1], strides = [1]} : vector<16xi32> to vector<1xi32>
      %squeeze3A_708 = vector.extract %slice3A_707[0] : i32 from vector<1xi32>
      %and3A_709 = arith.constant 127 : i32
      %and3A_710 = arith.andi %squeeze3A_708, %and3A_709 : i32
      %broadcast_in_dim3A_711 = vector.broadcast %and3A_710 : i32 to vector<16xi32>
      %shift_right_arithmetic3A_712 = arith.constant 7 : i32
      %shift_right_arithmetic3A_713 = arith.shrsi %squeeze3A_708, %shift_right_arithmetic3A_712 : i32
      %mul3A_714 = arith.constant 128 : i32
      %mul3A_715 = arith.muli %shift_right_arithmetic3A_713, %mul3A_714 : i32
      %multiple_of3A_716 = tpu.assume_multiple %mul3A_715, 128 : i32
      %dma_wait3A_717 = arith.constant 7 : i32
      %dma_wait3A_718 = arith.constant 7 : i32
      %dma_wait3A_719 = arith.constant 0 : i32
      %dma_wait3A_720 = arith.constant 0 : i32
      %dma_wait3A_721 = tpu.memref_slice %arg6[%dma_wait3A_717, %dma_wait3A_719, %dma_wait3A_720] : memref<16x32x128xf32, #tpu.memory_space<vmem>> -> memref<1x32x128xf32, #tpu.memory_space<vmem>>
      %dma_wait3A_722 = tpu.memref_squeeze %dma_wait3A_721 : memref<1x32x128xf32, #tpu.memory_space<vmem>> -> memref<32x128xf32, #tpu.memory_space<vmem>>
      %dma_wait3A_723 = arith.constant 0 : i32
      %dma_wait3A_724 = tpu.memref_slice %arg2[%dma_wait3A_723, %multiple_of3A_716] : memref<32x1000000xf32, #tpu.memory_space<hbm>> -> memref<32x128xf32, #tpu.memory_space<hbm>>
      %dma_wait3A_725 = tpu.memref_slice %arg8[%dma_wait3A_718] : memref<16x!tpu.dma_semaphore, #tpu.memory_space<semaphore_mem>> -> memref<1x!tpu.dma_semaphore, #tpu.memory_space<semaphore_mem>>
      %dma_wait3A_726 = tpu.memref_squeeze %dma_wait3A_725 : memref<1x!tpu.dma_semaphore, #tpu.memory_space<semaphore_mem>> -> memref<!tpu.dma_semaphore, #tpu.memory_space<semaphore_mem>>
      %dma_wait3A_727 = arith.constant 0 : i32
      %dma_wait3A_728 = arith.constant 0 : i32
      %dma_wait3A_729 = tpu.memref_slice %arg6[%dma_wait3A_717, %dma_wait3A_727, %dma_wait3A_728] : memref<16x32x128xf32, #tpu.memory_space<vmem>> -> memref<1x32x128xf32, #tpu.memory_space<vmem>>
      %dma_wait3A_730 = tpu.memref_squeeze %dma_wait3A_729 : memref<1x32x128xf32, #tpu.memory_space<vmem>> -> memref<32x128xf32, #tpu.memory_space<vmem>>
      %dma_wait3A_731 = arith.constant 0 : i32
      %dma_wait3A_732 = tpu.memref_slice %arg2[%dma_wait3A_731, %multiple_of3A_716] : memref<32x1000000xf32, #tpu.memory_space<hbm>> -> memref<32x128xf32, #tpu.memory_space<hbm>>
      tpu.wait_dma2 semaphore(%dma_wait3A_726 : memref<!tpu.dma_semaphore, #tpu.memory_space<semaphore_mem>>) src(%dma_wait3A_732 : memref<32x128xf32, #tpu.memory_space<hbm>>) dst(%dma_wait3A_730 : memref<32x128xf32, #tpu.memory_space<vmem>>)
      %gather3A_733 = arith.constant 7 : i32
      %gather3A_734 = arith.constant 0 : i32
      %gather3A_735 = arith.constant 0 : i32
      %gather3A_736 = tpu.memref_slice %arg6[%gather3A_733, %gather3A_734, %gather3A_735] : memref<16x32x128xf32, #tpu.memory_space<vmem>> -> memref<1x32x128xf32, #tpu.memory_space<vmem>>
      %gather3A_737 = tpu.memref_squeeze %gather3A_736 : memref<1x32x128xf32, #tpu.memory_space<vmem>> -> memref<32x128xf32, #tpu.memory_space<vmem>>
      %gather3A_738 = tpu.vector_load_idx %gather3A_737[%iota3A, %broadcast_in_dim3A_711] : memref<32x128xf32, #tpu.memory_space<vmem>>[vector<16xi32>, vector<16xi32>], vector<16xf32>,
      %gather3A_739 = arith.constant 7 : i32
      %gather3A_740 = arith.constant 0 : i32
      %gather3A_741 = arith.constant 0 : i32
      %gather3A_742 = tpu.memref_slice %arg6[%gather3A_739, %gather3A_740, %gather3A_741] : memref<16x32x128xf32, #tpu.memory_space<vmem>> -> memref<1x32x128xf32, #tpu.memory_space<vmem>>
      %gather3A_743 = tpu.memref_squeeze %gather3A_742 : memref<1x32x128xf32, #tpu.memory_space<vmem>> -> memref<32x128xf32, #tpu.memory_space<vmem>>
      %gather3A_744 = tpu.vector_load_idx %gather3A_743[%add3A_5, %broadcast_in_dim3A_711] : memref<32x128xf32, #tpu.memory_space<vmem>>[vector<16xi32>, vector<16xi32>], vector<16xf32>,
      %convert_element_type3A_745 = arith.extui %lt3A_386 : i1 to i32
      %cond3A_746 = arith.constant 0 : i32
      %cond3A_747 = arith.cmpi ne, %convert_element_type3A_745, %cond3A_746 : i32
      scf.if %cond3A_747 {
        %slice3A_1117 = vector.extract_strided_slice %get3A_385 {offsets = [7], sizes = [1], strides = [1]} : vector<16xi32> to vector<1xi32>
        %squeeze3A_1118 = vector.extract %slice3A_1117[0] : i32 from vector<1xi32>
        %shift_right_arithmetic3A_1119 = arith.constant 7 : i32
        %shift_right_arithmetic3A_1120 = arith.shrsi %squeeze3A_1118, %shift_right_arithmetic3A_1119 : i32
        %mul3A_1121 = arith.constant 128 : i32
        %mul3A_1122 = arith.muli %shift_right_arithmetic3A_1120, %mul3A_1121 : i32
        %multiple_of3A_1123 = tpu.assume_multiple %mul3A_1122, 128 : i32
        %dma_start3A_1124 = arith.constant 7 : i32
        %dma_start3A_1125 = arith.constant 7 : i32
        %dma_start3A_1126 = arith.constant 0 : i32
        %dma_start3A_1127 = arith.constant 0 : i32
        %dma_start3A_1128 = tpu.memref_slice %arg6[%dma_start3A_1124, %dma_start3A_1126, %dma_start3A_1127] : memref<16x32x128xf32, #tpu.memory_space<vmem>> -> memref<1x32x128xf32, #tpu.memory_space<vmem>>
        %dma_start3A_1129 = tpu.memref_squeeze %dma_start3A_1128 : memref<1x32x128xf32, #tpu.memory_space<vmem>> -> memref<32x128xf32, #tpu.memory_space<vmem>>
        %dma_start3A_1130 = arith.constant 0 : i32
        %dma_start3A_1131 = tpu.memref_slice %arg2[%dma_start3A_1130, %multiple_of3A_1123] : memref<32x1000000xf32, #tpu.memory_space<hbm>> -> memref<32x128xf32, #tpu.memory_space<hbm>>
        %dma_start3A_1132 = tpu.memref_slice %arg8[%dma_start3A_1125] : memref<16x!tpu.dma_semaphore, #tpu.memory_space<semaphore_mem>> -> memref<1x!tpu.dma_semaphore, #tpu.memory_space<semaphore_mem>>
        %dma_start3A_1133 = tpu.memref_squeeze %dma_start3A_1132 : memref<1x!tpu.dma_semaphore, #tpu.memory_space<semaphore_mem>> -> memref<!tpu.dma_semaphore, #tpu.memory_space<semaphore_mem>>
        %dma_start3A_1134 = arith.constant 0 : i32
        %dma_start3A_1135 = arith.constant 0 : i32
        %dma_start3A_1136 = tpu.memref_slice %arg6[%dma_start3A_1124, %dma_start3A_1134, %dma_start3A_1135] : memref<16x32x128xf32, #tpu.memory_space<vmem>> -> memref<1x32x128xf32, #tpu.memory_space<vmem>>
        %dma_start3A_1137 = tpu.memref_squeeze %dma_start3A_1136 : memref<1x32x128xf32, #tpu.memory_space<vmem>> -> memref<32x128xf32, #tpu.memory_space<vmem>>
        %dma_start3A_1138 = arith.constant 0 : i32
        %dma_start3A_1139 = tpu.memref_slice %arg2[%dma_start3A_1138, %multiple_of3A_1123] : memref<32x1000000xf32, #tpu.memory_space<hbm>> -> memref<32x128xf32, #tpu.memory_space<hbm>>
        tpu.enqueue_dma source(%dma_start3A_1139 : memref<32x128xf32, #tpu.memory_space<hbm>>) target(%dma_start3A_1137 : memref<32x128xf32, #tpu.memory_space<vmem>>) target_semaphore(%dma_start3A_1133 : memref<!tpu.dma_semaphore, #tpu.memory_space<semaphore_mem>>)
      } else {
      }
      %broadcast_in_dim3A_748 = vector.broadcast %add3A_706 : i32 to vector<16xi32>
      tpu.vector_store_idx %arg7[%iota3A, %broadcast_in_dim3A_748], %gather3A_738 : memref<32x512xf32, #tpu.memory_space<vmem>>[vector<16xi32>, vector<16xi32>], vector<16xf32>,
      tpu.vector_store_idx %arg7[%add3A_5, %broadcast_in_dim3A_748], %gather3A_744 : memref<32x512xf32, #tpu.memory_space<vmem>>[vector<16xi32>, vector<16xi32>], vector<16xf32>,
      %mul3A_749 = arith.constant 16 : i32
      %mul3A_750 = arith.muli %scan3A_374, %mul3A_749 : i32
      %add3A_751 = arith.constant 8 : i32
      %add3A_752 = arith.addi %mul3A_750, %add3A_751 : i32
      %slice3A_753 = vector.extract_strided_slice %get3A_378 {offsets = [8], sizes = [1], strides = [1]} : vector<16xi32> to vector<1xi32>
      %squeeze3A_754 = vector.extract %slice3A_753[0] : i32 from vector<1xi32>
      %and3A_755 = arith.constant 127 : i32
      %and3A_756 = arith.andi %squeeze3A_754, %and3A_755 : i32
      %broadcast_in_dim3A_757 = vector.broadcast %and3A_756 : i32 to vector<16xi32>
      %shift_right_arithmetic3A_758 = arith.constant 7 : i32
      %shift_right_arithmetic3A_759 = arith.shrsi %squeeze3A_754, %shift_right_arithmetic3A_758 : i32
      %mul3A_760 = arith.constant 128 : i32
      %mul3A_761 = arith.muli %shift_right_arithmetic3A_759, %mul3A_760 : i32
      %multiple_of3A_762 = tpu.assume_multiple %mul3A_761, 128 : i32
      %dma_wait3A_763 = arith.constant 8 : i32
      %dma_wait3A_764 = arith.constant 8 : i32
      %dma_wait3A_765 = arith.constant 0 : i32
      %dma_wait3A_766 = arith.constant 0 : i32
      %dma_wait3A_767 = tpu.memref_slice %arg6[%dma_wait3A_763, %dma_wait3A_765, %dma_wait3A_766] : memref<16x32x128xf32, #tpu.memory_space<vmem>> -> memref<1x32x128xf32, #tpu.memory_space<vmem>>
      %dma_wait3A_768 = tpu.memref_squeeze %dma_wait3A_767 : memref<1x32x128xf32, #tpu.memory_space<vmem>> -> memref<32x128xf32, #tpu.memory_space<vmem>>
      %dma_wait3A_769 = arith.constant 0 : i32
      %dma_wait3A_770 = tpu.memref_slice %arg2[%dma_wait3A_769, %multiple_of3A_762] : memref<32x1000000xf32, #tpu.memory_space<hbm>> -> memref<32x128xf32, #tpu.memory_space<hbm>>
      %dma_wait3A_771 = tpu.memref_slice %arg8[%dma_wait3A_764] : memref<16x!tpu.dma_semaphore, #tpu.memory_space<semaphore_mem>> -> memref<1x!tpu.dma_semaphore, #tpu.memory_space<semaphore_mem>>
      %dma_wait3A_772 = tpu.memref_squeeze %dma_wait3A_771 : memref<1x!tpu.dma_semaphore, #tpu.memory_space<semaphore_mem>> -> memref<!tpu.dma_semaphore, #tpu.memory_space<semaphore_mem>>
      %dma_wait3A_773 = arith.constant 0 : i32
      %dma_wait3A_774 = arith.constant 0 : i32
      %dma_wait3A_775 = tpu.memref_slice %arg6[%dma_wait3A_763, %dma_wait3A_773, %dma_wait3A_774] : memref<16x32x128xf32, #tpu.memory_space<vmem>> -> memref<1x32x128xf32, #tpu.memory_space<vmem>>
      %dma_wait3A_776 = tpu.memref_squeeze %dma_wait3A_775 : memref<1x32x128xf32, #tpu.memory_space<vmem>> -> memref<32x128xf32, #tpu.memory_space<vmem>>
      %dma_wait3A_777 = arith.constant 0 : i32
      %dma_wait3A_778 = tpu.memref_slice %arg2[%dma_wait3A_777, %multiple_of3A_762] : memref<32x1000000xf32, #tpu.memory_space<hbm>> -> memref<32x128xf32, #tpu.memory_space<hbm>>
      tpu.wait_dma2 semaphore(%dma_wait3A_772 : memref<!tpu.dma_semaphore, #tpu.memory_space<semaphore_mem>>) src(%dma_wait3A_778 : memref<32x128xf32, #tpu.memory_space<hbm>>) dst(%dma_wait3A_776 : memref<32x128xf32, #tpu.memory_space<vmem>>)
      %gather3A_779 = arith.constant 8 : i32
      %gather3A_780 = arith.constant 0 : i32
      %gather3A_781 = arith.constant 0 : i32
      %gather3A_782 = tpu.memref_slice %arg6[%gather3A_779, %gather3A_780, %gather3A_781] : memref<16x32x128xf32, #tpu.memory_space<vmem>> -> memref<1x32x128xf32, #tpu.memory_space<vmem>>
      %gather3A_783 = tpu.memref_squeeze %gather3A_782 : memref<1x32x128xf32, #tpu.memory_space<vmem>> -> memref<32x128xf32, #tpu.memory_space<vmem>>
      %gather3A_784 = tpu.vector_load_idx %gather3A_783[%iota3A, %broadcast_in_dim3A_757] : memref<32x128xf32, #tpu.memory_space<vmem>>[vector<16xi32>, vector<16xi32>], vector<16xf32>,
      %gather3A_785 = arith.constant 8 : i32
      %gather3A_786 = arith.constant 0 : i32
      %gather3A_787 = arith.constant 0 : i32
      %gather3A_788 = tpu.memref_slice %arg6[%gather3A_785, %gather3A_786, %gather3A_787] : memref<16x32x128xf32, #tpu.memory_space<vmem>> -> memref<1x32x128xf32, #tpu.memory_space<vmem>>
      %gather3A_789 = tpu.memref_squeeze %gather3A_788 : memref<1x32x128xf32, #tpu.memory_space<vmem>> -> memref<32x128xf32, #tpu.memory_space<vmem>>
      %gather3A_790 = tpu.vector_load_idx %gather3A_789[%add3A_5, %broadcast_in_dim3A_757] : memref<32x128xf32, #tpu.memory_space<vmem>>[vector<16xi32>, vector<16xi32>], vector<16xf32>,
      %convert_element_type3A_791 = arith.extui %lt3A_386 : i1 to i32
      %cond3A_792 = arith.constant 0 : i32
      %cond3A_793 = arith.cmpi ne, %convert_element_type3A_791, %cond3A_792 : i32
      scf.if %cond3A_793 {
        %slice3A_1117 = vector.extract_strided_slice %get3A_385 {offsets = [8], sizes = [1], strides = [1]} : vector<16xi32> to vector<1xi32>
        %squeeze3A_1118 = vector.extract %slice3A_1117[0] : i32 from vector<1xi32>
        %shift_right_arithmetic3A_1119 = arith.constant 7 : i32
        %shift_right_arithmetic3A_1120 = arith.shrsi %squeeze3A_1118, %shift_right_arithmetic3A_1119 : i32
        %mul3A_1121 = arith.constant 128 : i32
        %mul3A_1122 = arith.muli %shift_right_arithmetic3A_1120, %mul3A_1121 : i32
        %multiple_of3A_1123 = tpu.assume_multiple %mul3A_1122, 128 : i32
        %dma_start3A_1124 = arith.constant 8 : i32
        %dma_start3A_1125 = arith.constant 8 : i32
        %dma_start3A_1126 = arith.constant 0 : i32
        %dma_start3A_1127 = arith.constant 0 : i32
        %dma_start3A_1128 = tpu.memref_slice %arg6[%dma_start3A_1124, %dma_start3A_1126, %dma_start3A_1127] : memref<16x32x128xf32, #tpu.memory_space<vmem>> -> memref<1x32x128xf32, #tpu.memory_space<vmem>>
        %dma_start3A_1129 = tpu.memref_squeeze %dma_start3A_1128 : memref<1x32x128xf32, #tpu.memory_space<vmem>> -> memref<32x128xf32, #tpu.memory_space<vmem>>
        %dma_start3A_1130 = arith.constant 0 : i32
        %dma_start3A_1131 = tpu.memref_slice %arg2[%dma_start3A_1130, %multiple_of3A_1123] : memref<32x1000000xf32, #tpu.memory_space<hbm>> -> memref<32x128xf32, #tpu.memory_space<hbm>>
        %dma_start3A_1132 = tpu.memref_slice %arg8[%dma_start3A_1125] : memref<16x!tpu.dma_semaphore, #tpu.memory_space<semaphore_mem>> -> memref<1x!tpu.dma_semaphore, #tpu.memory_space<semaphore_mem>>
        %dma_start3A_1133 = tpu.memref_squeeze %dma_start3A_1132 : memref<1x!tpu.dma_semaphore, #tpu.memory_space<semaphore_mem>> -> memref<!tpu.dma_semaphore, #tpu.memory_space<semaphore_mem>>
        %dma_start3A_1134 = arith.constant 0 : i32
        %dma_start3A_1135 = arith.constant 0 : i32
        %dma_start3A_1136 = tpu.memref_slice %arg6[%dma_start3A_1124, %dma_start3A_1134, %dma_start3A_1135] : memref<16x32x128xf32, #tpu.memory_space<vmem>> -> memref<1x32x128xf32, #tpu.memory_space<vmem>>
        %dma_start3A_1137 = tpu.memref_squeeze %dma_start3A_1136 : memref<1x32x128xf32, #tpu.memory_space<vmem>> -> memref<32x128xf32, #tpu.memory_space<vmem>>
        %dma_start3A_1138 = arith.constant 0 : i32
        %dma_start3A_1139 = tpu.memref_slice %arg2[%dma_start3A_1138, %multiple_of3A_1123] : memref<32x1000000xf32, #tpu.memory_space<hbm>> -> memref<32x128xf32, #tpu.memory_space<hbm>>
        tpu.enqueue_dma source(%dma_start3A_1139 : memref<32x128xf32, #tpu.memory_space<hbm>>) target(%dma_start3A_1137 : memref<32x128xf32, #tpu.memory_space<vmem>>) target_semaphore(%dma_start3A_1133 : memref<!tpu.dma_semaphore, #tpu.memory_space<semaphore_mem>>)
      } else {
      }
      %broadcast_in_dim3A_794 = vector.broadcast %add3A_752 : i32 to vector<16xi32>
      tpu.vector_store_idx %arg7[%iota3A, %broadcast_in_dim3A_794], %gather3A_784 : memref<32x512xf32, #tpu.memory_space<vmem>>[vector<16xi32>, vector<16xi32>], vector<16xf32>,
      tpu.vector_store_idx %arg7[%add3A_5, %broadcast_in_dim3A_794], %gather3A_790 : memref<32x512xf32, #tpu.memory_space<vmem>>[vector<16xi32>, vector<16xi32>], vector<16xf32>,
      %mul3A_795 = arith.constant 16 : i32
      %mul3A_796 = arith.muli %scan3A_374, %mul3A_795 : i32
      %add3A_797 = arith.constant 9 : i32
      %add3A_798 = arith.addi %mul3A_796, %add3A_797 : i32
      %slice3A_799 = vector.extract_strided_slice %get3A_378 {offsets = [9], sizes = [1], strides = [1]} : vector<16xi32> to vector<1xi32>
      %squeeze3A_800 = vector.extract %slice3A_799[0] : i32 from vector<1xi32>
      %and3A_801 = arith.constant 127 : i32
      %and3A_802 = arith.andi %squeeze3A_800, %and3A_801 : i32
      %broadcast_in_dim3A_803 = vector.broadcast %and3A_802 : i32 to vector<16xi32>
      %shift_right_arithmetic3A_804 = arith.constant 7 : i32
      %shift_right_arithmetic3A_805 = arith.shrsi %squeeze3A_800, %shift_right_arithmetic3A_804 : i32
      %mul3A_806 = arith.constant 128 : i32
      %mul3A_807 = arith.muli %shift_right_arithmetic3A_805, %mul3A_806 : i32
      %multiple_of3A_808 = tpu.assume_multiple %mul3A_807, 128 : i32
      %dma_wait3A_809 = arith.constant 9 : i32
      %dma_wait3A_810 = arith.constant 9 : i32
      %dma_wait3A_811 = arith.constant 0 : i32
      %dma_wait3A_812 = arith.constant 0 : i32
      %dma_wait3A_813 = tpu.memref_slice %arg6[%dma_wait3A_809, %dma_wait3A_811, %dma_wait3A_812] : memref<16x32x128xf32, #tpu.memory_space<vmem>> -> memref<1x32x128xf32, #tpu.memory_space<vmem>>
      %dma_wait3A_814 = tpu.memref_squeeze %dma_wait3A_813 : memref<1x32x128xf32, #tpu.memory_space<vmem>> -> memref<32x128xf32, #tpu.memory_space<vmem>>
      %dma_wait3A_815 = arith.constant 0 : i32
      %dma_wait3A_816 = tpu.memref_slice %arg2[%dma_wait3A_815, %multiple_of3A_808] : memref<32x1000000xf32, #tpu.memory_space<hbm>> -> memref<32x128xf32, #tpu.memory_space<hbm>>
      %dma_wait3A_817 = tpu.memref_slice %arg8[%dma_wait3A_810] : memref<16x!tpu.dma_semaphore, #tpu.memory_space<semaphore_mem>> -> memref<1x!tpu.dma_semaphore, #tpu.memory_space<semaphore_mem>>
      %dma_wait3A_818 = tpu.memref_squeeze %dma_wait3A_817 : memref<1x!tpu.dma_semaphore, #tpu.memory_space<semaphore_mem>> -> memref<!tpu.dma_semaphore, #tpu.memory_space<semaphore_mem>>
      %dma_wait3A_819 = arith.constant 0 : i32
      %dma_wait3A_820 = arith.constant 0 : i32
      %dma_wait3A_821 = tpu.memref_slice %arg6[%dma_wait3A_809, %dma_wait3A_819, %dma_wait3A_820] : memref<16x32x128xf32, #tpu.memory_space<vmem>> -> memref<1x32x128xf32, #tpu.memory_space<vmem>>
      %dma_wait3A_822 = tpu.memref_squeeze %dma_wait3A_821 : memref<1x32x128xf32, #tpu.memory_space<vmem>> -> memref<32x128xf32, #tpu.memory_space<vmem>>
      %dma_wait3A_823 = arith.constant 0 : i32
      %dma_wait3A_824 = tpu.memref_slice %arg2[%dma_wait3A_823, %multiple_of3A_808] : memref<32x1000000xf32, #tpu.memory_space<hbm>> -> memref<32x128xf32, #tpu.memory_space<hbm>>
      tpu.wait_dma2 semaphore(%dma_wait3A_818 : memref<!tpu.dma_semaphore, #tpu.memory_space<semaphore_mem>>) src(%dma_wait3A_824 : memref<32x128xf32, #tpu.memory_space<hbm>>) dst(%dma_wait3A_822 : memref<32x128xf32, #tpu.memory_space<vmem>>)
      %gather3A_825 = arith.constant 9 : i32
      %gather3A_826 = arith.constant 0 : i32
      %gather3A_827 = arith.constant 0 : i32
      %gather3A_828 = tpu.memref_slice %arg6[%gather3A_825, %gather3A_826, %gather3A_827] : memref<16x32x128xf32, #tpu.memory_space<vmem>> -> memref<1x32x128xf32, #tpu.memory_space<vmem>>
      %gather3A_829 = tpu.memref_squeeze %gather3A_828 : memref<1x32x128xf32, #tpu.memory_space<vmem>> -> memref<32x128xf32, #tpu.memory_space<vmem>>
      %gather3A_830 = tpu.vector_load_idx %gather3A_829[%iota3A, %broadcast_in_dim3A_803] : memref<32x128xf32, #tpu.memory_space<vmem>>[vector<16xi32>, vector<16xi32>], vector<16xf32>,
      %gather3A_831 = arith.constant 9 : i32
      %gather3A_832 = arith.constant 0 : i32
      %gather3A_833 = arith.constant 0 : i32
      %gather3A_834 = tpu.memref_slice %arg6[%gather3A_831, %gather3A_832, %gather3A_833] : memref<16x32x128xf32, #tpu.memory_space<vmem>> -> memref<1x32x128xf32, #tpu.memory_space<vmem>>
      %gather3A_835 = tpu.memref_squeeze %gather3A_834 : memref<1x32x128xf32, #tpu.memory_space<vmem>> -> memref<32x128xf32, #tpu.memory_space<vmem>>
      %gather3A_836 = tpu.vector_load_idx %gather3A_835[%add3A_5, %broadcast_in_dim3A_803] : memref<32x128xf32, #tpu.memory_space<vmem>>[vector<16xi32>, vector<16xi32>], vector<16xf32>,
      %convert_element_type3A_837 = arith.extui %lt3A_386 : i1 to i32
      %cond3A_838 = arith.constant 0 : i32
      %cond3A_839 = arith.cmpi ne, %convert_element_type3A_837, %cond3A_838 : i32
      scf.if %cond3A_839 {
        %slice3A_1117 = vector.extract_strided_slice %get3A_385 {offsets = [9], sizes = [1], strides = [1]} : vector<16xi32> to vector<1xi32>
        %squeeze3A_1118 = vector.extract %slice3A_1117[0] : i32 from vector<1xi32>
        %shift_right_arithmetic3A_1119 = arith.constant 7 : i32
        %shift_right_arithmetic3A_1120 = arith.shrsi %squeeze3A_1118, %shift_right_arithmetic3A_1119 : i32
        %mul3A_1121 = arith.constant 128 : i32
        %mul3A_1122 = arith.muli %shift_right_arithmetic3A_1120, %mul3A_1121 : i32
        %multiple_of3A_1123 = tpu.assume_multiple %mul3A_1122, 128 : i32
        %dma_start3A_1124 = arith.constant 9 : i32
        %dma_start3A_1125 = arith.constant 9 : i32
        %dma_start3A_1126 = arith.constant 0 : i32
        %dma_start3A_1127 = arith.constant 0 : i32
        %dma_start3A_1128 = tpu.memref_slice %arg6[%dma_start3A_1124, %dma_start3A_1126, %dma_start3A_1127] : memref<16x32x128xf32, #tpu.memory_space<vmem>> -> memref<1x32x128xf32, #tpu.memory_space<vmem>>
        %dma_start3A_1129 = tpu.memref_squeeze %dma_start3A_1128 : memref<1x32x128xf32, #tpu.memory_space<vmem>> -> memref<32x128xf32, #tpu.memory_space<vmem>>
        %dma_start3A_1130 = arith.constant 0 : i32
        %dma_start3A_1131 = tpu.memref_slice %arg2[%dma_start3A_1130, %multiple_of3A_1123] : memref<32x1000000xf32, #tpu.memory_space<hbm>> -> memref<32x128xf32, #tpu.memory_space<hbm>>
        %dma_start3A_1132 = tpu.memref_slice %arg8[%dma_start3A_1125] : memref<16x!tpu.dma_semaphore, #tpu.memory_space<semaphore_mem>> -> memref<1x!tpu.dma_semaphore, #tpu.memory_space<semaphore_mem>>
        %dma_start3A_1133 = tpu.memref_squeeze %dma_start3A_1132 : memref<1x!tpu.dma_semaphore, #tpu.memory_space<semaphore_mem>> -> memref<!tpu.dma_semaphore, #tpu.memory_space<semaphore_mem>>
        %dma_start3A_1134 = arith.constant 0 : i32
        %dma_start3A_1135 = arith.constant 0 : i32
        %dma_start3A_1136 = tpu.memref_slice %arg6[%dma_start3A_1124, %dma_start3A_1134, %dma_start3A_1135] : memref<16x32x128xf32, #tpu.memory_space<vmem>> -> memref<1x32x128xf32, #tpu.memory_space<vmem>>
        %dma_start3A_1137 = tpu.memref_squeeze %dma_start3A_1136 : memref<1x32x128xf32, #tpu.memory_space<vmem>> -> memref<32x128xf32, #tpu.memory_space<vmem>>
        %dma_start3A_1138 = arith.constant 0 : i32
        %dma_start3A_1139 = tpu.memref_slice %arg2[%dma_start3A_1138, %multiple_of3A_1123] : memref<32x1000000xf32, #tpu.memory_space<hbm>> -> memref<32x128xf32, #tpu.memory_space<hbm>>
        tpu.enqueue_dma source(%dma_start3A_1139 : memref<32x128xf32, #tpu.memory_space<hbm>>) target(%dma_start3A_1137 : memref<32x128xf32, #tpu.memory_space<vmem>>) target_semaphore(%dma_start3A_1133 : memref<!tpu.dma_semaphore, #tpu.memory_space<semaphore_mem>>)
      } else {
      }
      %broadcast_in_dim3A_840 = vector.broadcast %add3A_798 : i32 to vector<16xi32>
      tpu.vector_store_idx %arg7[%iota3A, %broadcast_in_dim3A_840], %gather3A_830 : memref<32x512xf32, #tpu.memory_space<vmem>>[vector<16xi32>, vector<16xi32>], vector<16xf32>,
      tpu.vector_store_idx %arg7[%add3A_5, %broadcast_in_dim3A_840], %gather3A_836 : memref<32x512xf32, #tpu.memory_space<vmem>>[vector<16xi32>, vector<16xi32>], vector<16xf32>,
      %mul3A_841 = arith.constant 16 : i32
      %mul3A_842 = arith.muli %scan3A_374, %mul3A_841 : i32
      %add3A_843 = arith.constant 10 : i32
      %add3A_844 = arith.addi %mul3A_842, %add3A_843 : i32
      %slice3A_845 = vector.extract_strided_slice %get3A_378 {offsets = [10], sizes = [1], strides = [1]} : vector<16xi32> to vector<1xi32>
      %squeeze3A_846 = vector.extract %slice3A_845[0] : i32 from vector<1xi32>
      %and3A_847 = arith.constant 127 : i32
      %and3A_848 = arith.andi %squeeze3A_846, %and3A_847 : i32
      %broadcast_in_dim3A_849 = vector.broadcast %and3A_848 : i32 to vector<16xi32>
      %shift_right_arithmetic3A_850 = arith.constant 7 : i32
      %shift_right_arithmetic3A_851 = arith.shrsi %squeeze3A_846, %shift_right_arithmetic3A_850 : i32
      %mul3A_852 = arith.constant 128 : i32
      %mul3A_853 = arith.muli %shift_right_arithmetic3A_851, %mul3A_852 : i32
      %multiple_of3A_854 = tpu.assume_multiple %mul3A_853, 128 : i32
      %dma_wait3A_855 = arith.constant 10 : i32
      %dma_wait3A_856 = arith.constant 10 : i32
      %dma_wait3A_857 = arith.constant 0 : i32
      %dma_wait3A_858 = arith.constant 0 : i32
      %dma_wait3A_859 = tpu.memref_slice %arg6[%dma_wait3A_855, %dma_wait3A_857, %dma_wait3A_858] : memref<16x32x128xf32, #tpu.memory_space<vmem>> -> memref<1x32x128xf32, #tpu.memory_space<vmem>>
      %dma_wait3A_860 = tpu.memref_squeeze %dma_wait3A_859 : memref<1x32x128xf32, #tpu.memory_space<vmem>> -> memref<32x128xf32, #tpu.memory_space<vmem>>
      %dma_wait3A_861 = arith.constant 0 : i32
      %dma_wait3A_862 = tpu.memref_slice %arg2[%dma_wait3A_861, %multiple_of3A_854] : memref<32x1000000xf32, #tpu.memory_space<hbm>> -> memref<32x128xf32, #tpu.memory_space<hbm>>
      %dma_wait3A_863 = tpu.memref_slice %arg8[%dma_wait3A_856] : memref<16x!tpu.dma_semaphore, #tpu.memory_space<semaphore_mem>> -> memref<1x!tpu.dma_semaphore, #tpu.memory_space<semaphore_mem>>
      %dma_wait3A_864 = tpu.memref_squeeze %dma_wait3A_863 : memref<1x!tpu.dma_semaphore, #tpu.memory_space<semaphore_mem>> -> memref<!tpu.dma_semaphore, #tpu.memory_space<semaphore_mem>>
      %dma_wait3A_865 = arith.constant 0 : i32
      %dma_wait3A_866 = arith.constant 0 : i32
      %dma_wait3A_867 = tpu.memref_slice %arg6[%dma_wait3A_855, %dma_wait3A_865, %dma_wait3A_866] : memref<16x32x128xf32, #tpu.memory_space<vmem>> -> memref<1x32x128xf32, #tpu.memory_space<vmem>>
      %dma_wait3A_868 = tpu.memref_squeeze %dma_wait3A_867 : memref<1x32x128xf32, #tpu.memory_space<vmem>> -> memref<32x128xf32, #tpu.memory_space<vmem>>
      %dma_wait3A_869 = arith.constant 0 : i32
      %dma_wait3A_870 = tpu.memref_slice %arg2[%dma_wait3A_869, %multiple_of3A_854] : memref<32x1000000xf32, #tpu.memory_space<hbm>> -> memref<32x128xf32, #tpu.memory_space<hbm>>
      tpu.wait_dma2 semaphore(%dma_wait3A_864 : memref<!tpu.dma_semaphore, #tpu.memory_space<semaphore_mem>>) src(%dma_wait3A_870 : memref<32x128xf32, #tpu.memory_space<hbm>>) dst(%dma_wait3A_868 : memref<32x128xf32, #tpu.memory_space<vmem>>)
      %gather3A_871 = arith.constant 10 : i32
      %gather3A_872 = arith.constant 0 : i32
      %gather3A_873 = arith.constant 0 : i32
      %gather3A_874 = tpu.memref_slice %arg6[%gather3A_871, %gather3A_872, %gather3A_873] : memref<16x32x128xf32, #tpu.memory_space<vmem>> -> memref<1x32x128xf32, #tpu.memory_space<vmem>>
      %gather3A_875 = tpu.memref_squeeze %gather3A_874 : memref<1x32x128xf32, #tpu.memory_space<vmem>> -> memref<32x128xf32, #tpu.memory_space<vmem>>
      %gather3A_876 = tpu.vector_load_idx %gather3A_875[%iota3A, %broadcast_in_dim3A_849] : memref<32x128xf32, #tpu.memory_space<vmem>>[vector<16xi32>, vector<16xi32>], vector<16xf32>,
      %gather3A_877 = arith.constant 10 : i32
      %gather3A_878 = arith.constant 0 : i32
      %gather3A_879 = arith.constant 0 : i32
      %gather3A_880 = tpu.memref_slice %arg6[%gather3A_877, %gather3A_878, %gather3A_879] : memref<16x32x128xf32, #tpu.memory_space<vmem>> -> memref<1x32x128xf32, #tpu.memory_space<vmem>>
      %gather3A_881 = tpu.memref_squeeze %gather3A_880 : memref<1x32x128xf32, #tpu.memory_space<vmem>> -> memref<32x128xf32, #tpu.memory_space<vmem>>
      %gather3A_882 = tpu.vector_load_idx %gather3A_881[%add3A_5, %broadcast_in_dim3A_849] : memref<32x128xf32, #tpu.memory_space<vmem>>[vector<16xi32>, vector<16xi32>], vector<16xf32>,
      %convert_element_type3A_883 = arith.extui %lt3A_386 : i1 to i32
      %cond3A_884 = arith.constant 0 : i32
      %cond3A_885 = arith.cmpi ne, %convert_element_type3A_883, %cond3A_884 : i32
      scf.if %cond3A_885 {
        %slice3A_1117 = vector.extract_strided_slice %get3A_385 {offsets = [10], sizes = [1], strides = [1]} : vector<16xi32> to vector<1xi32>
        %squeeze3A_1118 = vector.extract %slice3A_1117[0] : i32 from vector<1xi32>
        %shift_right_arithmetic3A_1119 = arith.constant 7 : i32
        %shift_right_arithmetic3A_1120 = arith.shrsi %squeeze3A_1118, %shift_right_arithmetic3A_1119 : i32
        %mul3A_1121 = arith.constant 128 : i32
        %mul3A_1122 = arith.muli %shift_right_arithmetic3A_1120, %mul3A_1121 : i32
        %multiple_of3A_1123 = tpu.assume_multiple %mul3A_1122, 128 : i32
        %dma_start3A_1124 = arith.constant 10 : i32
        %dma_start3A_1125 = arith.constant 10 : i32
        %dma_start3A_1126 = arith.constant 0 : i32
        %dma_start3A_1127 = arith.constant 0 : i32
        %dma_start3A_1128 = tpu.memref_slice %arg6[%dma_start3A_1124, %dma_start3A_1126, %dma_start3A_1127] : memref<16x32x128xf32, #tpu.memory_space<vmem>> -> memref<1x32x128xf32, #tpu.memory_space<vmem>>
        %dma_start3A_1129 = tpu.memref_squeeze %dma_start3A_1128 : memref<1x32x128xf32, #tpu.memory_space<vmem>> -> memref<32x128xf32, #tpu.memory_space<vmem>>
        %dma_start3A_1130 = arith.constant 0 : i32
        %dma_start3A_1131 = tpu.memref_slice %arg2[%dma_start3A_1130, %multiple_of3A_1123] : memref<32x1000000xf32, #tpu.memory_space<hbm>> -> memref<32x128xf32, #tpu.memory_space<hbm>>
        %dma_start3A_1132 = tpu.memref_slice %arg8[%dma_start3A_1125] : memref<16x!tpu.dma_semaphore, #tpu.memory_space<semaphore_mem>> -> memref<1x!tpu.dma_semaphore, #tpu.memory_space<semaphore_mem>>
        %dma_start3A_1133 = tpu.memref_squeeze %dma_start3A_1132 : memref<1x!tpu.dma_semaphore, #tpu.memory_space<semaphore_mem>> -> memref<!tpu.dma_semaphore, #tpu.memory_space<semaphore_mem>>
        %dma_start3A_1134 = arith.constant 0 : i32
        %dma_start3A_1135 = arith.constant 0 : i32
        %dma_start3A_1136 = tpu.memref_slice %arg6[%dma_start3A_1124, %dma_start3A_1134, %dma_start3A_1135] : memref<16x32x128xf32, #tpu.memory_space<vmem>> -> memref<1x32x128xf32, #tpu.memory_space<vmem>>
        %dma_start3A_1137 = tpu.memref_squeeze %dma_start3A_1136 : memref<1x32x128xf32, #tpu.memory_space<vmem>> -> memref<32x128xf32, #tpu.memory_space<vmem>>
        %dma_start3A_1138 = arith.constant 0 : i32
        %dma_start3A_1139 = tpu.memref_slice %arg2[%dma_start3A_1138, %multiple_of3A_1123] : memref<32x1000000xf32, #tpu.memory_space<hbm>> -> memref<32x128xf32, #tpu.memory_space<hbm>>
        tpu.enqueue_dma source(%dma_start3A_1139 : memref<32x128xf32, #tpu.memory_space<hbm>>) target(%dma_start3A_1137 : memref<32x128xf32, #tpu.memory_space<vmem>>) target_semaphore(%dma_start3A_1133 : memref<!tpu.dma_semaphore, #tpu.memory_space<semaphore_mem>>)
      } else {
      }
      %broadcast_in_dim3A_886 = vector.broadcast %add3A_844 : i32 to vector<16xi32>
      tpu.vector_store_idx %arg7[%iota3A, %broadcast_in_dim3A_886], %gather3A_876 : memref<32x512xf32, #tpu.memory_space<vmem>>[vector<16xi32>, vector<16xi32>], vector<16xf32>,
      tpu.vector_store_idx %arg7[%add3A_5, %broadcast_in_dim3A_886], %gather3A_882 : memref<32x512xf32, #tpu.memory_space<vmem>>[vector<16xi32>, vector<16xi32>], vector<16xf32>,
      %mul3A_887 = arith.constant 16 : i32
      %mul3A_888 = arith.muli %scan3A_374, %mul3A_887 : i32
      %add3A_889 = arith.constant 11 : i32
      %add3A_890 = arith.addi %mul3A_888, %add3A_889 : i32
      %slice3A_891 = vector.extract_strided_slice %get3A_378 {offsets = [11], sizes = [1], strides = [1]} : vector<16xi32> to vector<1xi32>
      %squeeze3A_892 = vector.extract %slice3A_891[0] : i32 from vector<1xi32>
      %and3A_893 = arith.constant 127 : i32
      %and3A_894 = arith.andi %squeeze3A_892, %and3A_893 : i32
      %broadcast_in_dim3A_895 = vector.broadcast %and3A_894 : i32 to vector<16xi32>
      %shift_right_arithmetic3A_896 = arith.constant 7 : i32
      %shift_right_arithmetic3A_897 = arith.shrsi %squeeze3A_892, %shift_right_arithmetic3A_896 : i32
      %mul3A_898 = arith.constant 128 : i32
      %mul3A_899 = arith.muli %shift_right_arithmetic3A_897, %mul3A_898 : i32
      %multiple_of3A_900 = tpu.assume_multiple %mul3A_899, 128 : i32
      %dma_wait3A_901 = arith.constant 11 : i32
      %dma_wait3A_902 = arith.constant 11 : i32
      %dma_wait3A_903 = arith.constant 0 : i32
      %dma_wait3A_904 = arith.constant 0 : i32
      %dma_wait3A_905 = tpu.memref_slice %arg6[%dma_wait3A_901, %dma_wait3A_903, %dma_wait3A_904] : memref<16x32x128xf32, #tpu.memory_space<vmem>> -> memref<1x32x128xf32, #tpu.memory_space<vmem>>
      %dma_wait3A_906 = tpu.memref_squeeze %dma_wait3A_905 : memref<1x32x128xf32, #tpu.memory_space<vmem>> -> memref<32x128xf32, #tpu.memory_space<vmem>>
      %dma_wait3A_907 = arith.constant 0 : i32
      %dma_wait3A_908 = tpu.memref_slice %arg2[%dma_wait3A_907, %multiple_of3A_900] : memref<32x1000000xf32, #tpu.memory_space<hbm>> -> memref<32x128xf32, #tpu.memory_space<hbm>>
      %dma_wait3A_909 = tpu.memref_slice %arg8[%dma_wait3A_902] : memref<16x!tpu.dma_semaphore, #tpu.memory_space<semaphore_mem>> -> memref<1x!tpu.dma_semaphore, #tpu.memory_space<semaphore_mem>>
      %dma_wait3A_910 = tpu.memref_squeeze %dma_wait3A_909 : memref<1x!tpu.dma_semaphore, #tpu.memory_space<semaphore_mem>> -> memref<!tpu.dma_semaphore, #tpu.memory_space<semaphore_mem>>
      %dma_wait3A_911 = arith.constant 0 : i32
      %dma_wait3A_912 = arith.constant 0 : i32
      %dma_wait3A_913 = tpu.memref_slice %arg6[%dma_wait3A_901, %dma_wait3A_911, %dma_wait3A_912] : memref<16x32x128xf32, #tpu.memory_space<vmem>> -> memref<1x32x128xf32, #tpu.memory_space<vmem>>
      %dma_wait3A_914 = tpu.memref_squeeze %dma_wait3A_913 : memref<1x32x128xf32, #tpu.memory_space<vmem>> -> memref<32x128xf32, #tpu.memory_space<vmem>>
      %dma_wait3A_915 = arith.constant 0 : i32
      %dma_wait3A_916 = tpu.memref_slice %arg2[%dma_wait3A_915, %multiple_of3A_900] : memref<32x1000000xf32, #tpu.memory_space<hbm>> -> memref<32x128xf32, #tpu.memory_space<hbm>>
      tpu.wait_dma2 semaphore(%dma_wait3A_910 : memref<!tpu.dma_semaphore, #tpu.memory_space<semaphore_mem>>) src(%dma_wait3A_916 : memref<32x128xf32, #tpu.memory_space<hbm>>) dst(%dma_wait3A_914 : memref<32x128xf32, #tpu.memory_space<vmem>>)
      %gather3A_917 = arith.constant 11 : i32
      %gather3A_918 = arith.constant 0 : i32
      %gather3A_919 = arith.constant 0 : i32
      %gather3A_920 = tpu.memref_slice %arg6[%gather3A_917, %gather3A_918, %gather3A_919] : memref<16x32x128xf32, #tpu.memory_space<vmem>> -> memref<1x32x128xf32, #tpu.memory_space<vmem>>
      %gather3A_921 = tpu.memref_squeeze %gather3A_920 : memref<1x32x128xf32, #tpu.memory_space<vmem>> -> memref<32x128xf32, #tpu.memory_space<vmem>>
      %gather3A_922 = tpu.vector_load_idx %gather3A_921[%iota3A, %broadcast_in_dim3A_895] : memref<32x128xf32, #tpu.memory_space<vmem>>[vector<16xi32>, vector<16xi32>], vector<16xf32>,
      %gather3A_923 = arith.constant 11 : i32
      %gather3A_924 = arith.constant 0 : i32
      %gather3A_925 = arith.constant 0 : i32
      %gather3A_926 = tpu.memref_slice %arg6[%gather3A_923, %gather3A_924, %gather3A_925] : memref<16x32x128xf32, #tpu.memory_space<vmem>> -> memref<1x32x128xf32, #tpu.memory_space<vmem>>
      %gather3A_927 = tpu.memref_squeeze %gather3A_926 : memref<1x32x128xf32, #tpu.memory_space<vmem>> -> memref<32x128xf32, #tpu.memory_space<vmem>>
      %gather3A_928 = tpu.vector_load_idx %gather3A_927[%add3A_5, %broadcast_in_dim3A_895] : memref<32x128xf32, #tpu.memory_space<vmem>>[vector<16xi32>, vector<16xi32>], vector<16xf32>,
      %convert_element_type3A_929 = arith.extui %lt3A_386 : i1 to i32
      %cond3A_930 = arith.constant 0 : i32
      %cond3A_931 = arith.cmpi ne, %convert_element_type3A_929, %cond3A_930 : i32
      scf.if %cond3A_931 {
        %slice3A_1117 = vector.extract_strided_slice %get3A_385 {offsets = [11], sizes = [1], strides = [1]} : vector<16xi32> to vector<1xi32>
        %squeeze3A_1118 = vector.extract %slice3A_1117[0] : i32 from vector<1xi32>
        %shift_right_arithmetic3A_1119 = arith.constant 7 : i32
        %shift_right_arithmetic3A_1120 = arith.shrsi %squeeze3A_1118, %shift_right_arithmetic3A_1119 : i32
        %mul3A_1121 = arith.constant 128 : i32
        %mul3A_1122 = arith.muli %shift_right_arithmetic3A_1120, %mul3A_1121 : i32
        %multiple_of3A_1123 = tpu.assume_multiple %mul3A_1122, 128 : i32
        %dma_start3A_1124 = arith.constant 11 : i32
        %dma_start3A_1125 = arith.constant 11 : i32
        %dma_start3A_1126 = arith.constant 0 : i32
        %dma_start3A_1127 = arith.constant 0 : i32
        %dma_start3A_1128 = tpu.memref_slice %arg6[%dma_start3A_1124, %dma_start3A_1126, %dma_start3A_1127] : memref<16x32x128xf32, #tpu.memory_space<vmem>> -> memref<1x32x128xf32, #tpu.memory_space<vmem>>
        %dma_start3A_1129 = tpu.memref_squeeze %dma_start3A_1128 : memref<1x32x128xf32, #tpu.memory_space<vmem>> -> memref<32x128xf32, #tpu.memory_space<vmem>>
        %dma_start3A_1130 = arith.constant 0 : i32
        %dma_start3A_1131 = tpu.memref_slice %arg2[%dma_start3A_1130, %multiple_of3A_1123] : memref<32x1000000xf32, #tpu.memory_space<hbm>> -> memref<32x128xf32, #tpu.memory_space<hbm>>
        %dma_start3A_1132 = tpu.memref_slice %arg8[%dma_start3A_1125] : memref<16x!tpu.dma_semaphore, #tpu.memory_space<semaphore_mem>> -> memref<1x!tpu.dma_semaphore, #tpu.memory_space<semaphore_mem>>
        %dma_start3A_1133 = tpu.memref_squeeze %dma_start3A_1132 : memref<1x!tpu.dma_semaphore, #tpu.memory_space<semaphore_mem>> -> memref<!tpu.dma_semaphore, #tpu.memory_space<semaphore_mem>>
        %dma_start3A_1134 = arith.constant 0 : i32
        %dma_start3A_1135 = arith.constant 0 : i32
        %dma_start3A_1136 = tpu.memref_slice %arg6[%dma_start3A_1124, %dma_start3A_1134, %dma_start3A_1135] : memref<16x32x128xf32, #tpu.memory_space<vmem>> -> memref<1x32x128xf32, #tpu.memory_space<vmem>>
        %dma_start3A_1137 = tpu.memref_squeeze %dma_start3A_1136 : memref<1x32x128xf32, #tpu.memory_space<vmem>> -> memref<32x128xf32, #tpu.memory_space<vmem>>
        %dma_start3A_1138 = arith.constant 0 : i32
        %dma_start3A_1139 = tpu.memref_slice %arg2[%dma_start3A_1138, %multiple_of3A_1123] : memref<32x1000000xf32, #tpu.memory_space<hbm>> -> memref<32x128xf32, #tpu.memory_space<hbm>>
        tpu.enqueue_dma source(%dma_start3A_1139 : memref<32x128xf32, #tpu.memory_space<hbm>>) target(%dma_start3A_1137 : memref<32x128xf32, #tpu.memory_space<vmem>>) target_semaphore(%dma_start3A_1133 : memref<!tpu.dma_semaphore, #tpu.memory_space<semaphore_mem>>)
      } else {
      }
      %broadcast_in_dim3A_932 = vector.broadcast %add3A_890 : i32 to vector<16xi32>
      tpu.vector_store_idx %arg7[%iota3A, %broadcast_in_dim3A_932], %gather3A_922 : memref<32x512xf32, #tpu.memory_space<vmem>>[vector<16xi32>, vector<16xi32>], vector<16xf32>,
      tpu.vector_store_idx %arg7[%add3A_5, %broadcast_in_dim3A_932], %gather3A_928 : memref<32x512xf32, #tpu.memory_space<vmem>>[vector<16xi32>, vector<16xi32>], vector<16xf32>,
      %mul3A_933 = arith.constant 16 : i32
      %mul3A_934 = arith.muli %scan3A_374, %mul3A_933 : i32
      %add3A_935 = arith.constant 12 : i32
      %add3A_936 = arith.addi %mul3A_934, %add3A_935 : i32
      %slice3A_937 = vector.extract_strided_slice %get3A_378 {offsets = [12], sizes = [1], strides = [1]} : vector<16xi32> to vector<1xi32>
      %squeeze3A_938 = vector.extract %slice3A_937[0] : i32 from vector<1xi32>
      %and3A_939 = arith.constant 127 : i32
      %and3A_940 = arith.andi %squeeze3A_938, %and3A_939 : i32
      %broadcast_in_dim3A_941 = vector.broadcast %and3A_940 : i32 to vector<16xi32>
      %shift_right_arithmetic3A_942 = arith.constant 7 : i32
      %shift_right_arithmetic3A_943 = arith.shrsi %squeeze3A_938, %shift_right_arithmetic3A_942 : i32
      %mul3A_944 = arith.constant 128 : i32
      %mul3A_945 = arith.muli %shift_right_arithmetic3A_943, %mul3A_944 : i32
      %multiple_of3A_946 = tpu.assume_multiple %mul3A_945, 128 : i32
      %dma_wait3A_947 = arith.constant 12 : i32
      %dma_wait3A_948 = arith.constant 12 : i32
      %dma_wait3A_949 = arith.constant 0 : i32
      %dma_wait3A_950 = arith.constant 0 : i32
      %dma_wait3A_951 = tpu.memref_slice %arg6[%dma_wait3A_947, %dma_wait3A_949, %dma_wait3A_950] : memref<16x32x128xf32, #tpu.memory_space<vmem>> -> memref<1x32x128xf32, #tpu.memory_space<vmem>>
      %dma_wait3A_952 = tpu.memref_squeeze %dma_wait3A_951 : memref<1x32x128xf32, #tpu.memory_space<vmem>> -> memref<32x128xf32, #tpu.memory_space<vmem>>
      %dma_wait3A_953 = arith.constant 0 : i32
      %dma_wait3A_954 = tpu.memref_slice %arg2[%dma_wait3A_953, %multiple_of3A_946] : memref<32x1000000xf32, #tpu.memory_space<hbm>> -> memref<32x128xf32, #tpu.memory_space<hbm>>
      %dma_wait3A_955 = tpu.memref_slice %arg8[%dma_wait3A_948] : memref<16x!tpu.dma_semaphore, #tpu.memory_space<semaphore_mem>> -> memref<1x!tpu.dma_semaphore, #tpu.memory_space<semaphore_mem>>
      %dma_wait3A_956 = tpu.memref_squeeze %dma_wait3A_955 : memref<1x!tpu.dma_semaphore, #tpu.memory_space<semaphore_mem>> -> memref<!tpu.dma_semaphore, #tpu.memory_space<semaphore_mem>>
      %dma_wait3A_957 = arith.constant 0 : i32
      %dma_wait3A_958 = arith.constant 0 : i32
      %dma_wait3A_959 = tpu.memref_slice %arg6[%dma_wait3A_947, %dma_wait3A_957, %dma_wait3A_958] : memref<16x32x128xf32, #tpu.memory_space<vmem>> -> memref<1x32x128xf32, #tpu.memory_space<vmem>>
      %dma_wait3A_960 = tpu.memref_squeeze %dma_wait3A_959 : memref<1x32x128xf32, #tpu.memory_space<vmem>> -> memref<32x128xf32, #tpu.memory_space<vmem>>
      %dma_wait3A_961 = arith.constant 0 : i32
      %dma_wait3A_962 = tpu.memref_slice %arg2[%dma_wait3A_961, %multiple_of3A_946] : memref<32x1000000xf32, #tpu.memory_space<hbm>> -> memref<32x128xf32, #tpu.memory_space<hbm>>
      tpu.wait_dma2 semaphore(%dma_wait3A_956 : memref<!tpu.dma_semaphore, #tpu.memory_space<semaphore_mem>>) src(%dma_wait3A_962 : memref<32x128xf32, #tpu.memory_space<hbm>>) dst(%dma_wait3A_960 : memref<32x128xf32, #tpu.memory_space<vmem>>)
      %gather3A_963 = arith.constant 12 : i32
      %gather3A_964 = arith.constant 0 : i32
      %gather3A_965 = arith.constant 0 : i32
      %gather3A_966 = tpu.memref_slice %arg6[%gather3A_963, %gather3A_964, %gather3A_965] : memref<16x32x128xf32, #tpu.memory_space<vmem>> -> memref<1x32x128xf32, #tpu.memory_space<vmem>>
      %gather3A_967 = tpu.memref_squeeze %gather3A_966 : memref<1x32x128xf32, #tpu.memory_space<vmem>> -> memref<32x128xf32, #tpu.memory_space<vmem>>
      %gather3A_968 = tpu.vector_load_idx %gather3A_967[%iota3A, %broadcast_in_dim3A_941] : memref<32x128xf32, #tpu.memory_space<vmem>>[vector<16xi32>, vector<16xi32>], vector<16xf32>,
      %gather3A_969 = arith.constant 12 : i32
      %gather3A_970 = arith.constant 0 : i32
      %gather3A_971 = arith.constant 0 : i32
      %gather3A_972 = tpu.memref_slice %arg6[%gather3A_969, %gather3A_970, %gather3A_971] : memref<16x32x128xf32, #tpu.memory_space<vmem>> -> memref<1x32x128xf32, #tpu.memory_space<vmem>>
      %gather3A_973 = tpu.memref_squeeze %gather3A_972 : memref<1x32x128xf32, #tpu.memory_space<vmem>> -> memref<32x128xf32, #tpu.memory_space<vmem>>
      %gather3A_974 = tpu.vector_load_idx %gather3A_973[%add3A_5, %broadcast_in_dim3A_941] : memref<32x128xf32, #tpu.memory_space<vmem>>[vector<16xi32>, vector<16xi32>], vector<16xf32>,
      %convert_element_type3A_975 = arith.extui %lt3A_386 : i1 to i32
      %cond3A_976 = arith.constant 0 : i32
      %cond3A_977 = arith.cmpi ne, %convert_element_type3A_975, %cond3A_976 : i32
      scf.if %cond3A_977 {
        %slice3A_1117 = vector.extract_strided_slice %get3A_385 {offsets = [12], sizes = [1], strides = [1]} : vector<16xi32> to vector<1xi32>
        %squeeze3A_1118 = vector.extract %slice3A_1117[0] : i32 from vector<1xi32>
        %shift_right_arithmetic3A_1119 = arith.constant 7 : i32
        %shift_right_arithmetic3A_1120 = arith.shrsi %squeeze3A_1118, %shift_right_arithmetic3A_1119 : i32
        %mul3A_1121 = arith.constant 128 : i32
        %mul3A_1122 = arith.muli %shift_right_arithmetic3A_1120, %mul3A_1121 : i32
        %multiple_of3A_1123 = tpu.assume_multiple %mul3A_1122, 128 : i32
        %dma_start3A_1124 = arith.constant 12 : i32
        %dma_start3A_1125 = arith.constant 12 : i32
        %dma_start3A_1126 = arith.constant 0 : i32
        %dma_start3A_1127 = arith.constant 0 : i32
        %dma_start3A_1128 = tpu.memref_slice %arg6[%dma_start3A_1124, %dma_start3A_1126, %dma_start3A_1127] : memref<16x32x128xf32, #tpu.memory_space<vmem>> -> memref<1x32x128xf32, #tpu.memory_space<vmem>>
        %dma_start3A_1129 = tpu.memref_squeeze %dma_start3A_1128 : memref<1x32x128xf32, #tpu.memory_space<vmem>> -> memref<32x128xf32, #tpu.memory_space<vmem>>
        %dma_start3A_1130 = arith.constant 0 : i32
        %dma_start3A_1131 = tpu.memref_slice %arg2[%dma_start3A_1130, %multiple_of3A_1123] : memref<32x1000000xf32, #tpu.memory_space<hbm>> -> memref<32x128xf32, #tpu.memory_space<hbm>>
        %dma_start3A_1132 = tpu.memref_slice %arg8[%dma_start3A_1125] : memref<16x!tpu.dma_semaphore, #tpu.memory_space<semaphore_mem>> -> memref<1x!tpu.dma_semaphore, #tpu.memory_space<semaphore_mem>>
        %dma_start3A_1133 = tpu.memref_squeeze %dma_start3A_1132 : memref<1x!tpu.dma_semaphore, #tpu.memory_space<semaphore_mem>> -> memref<!tpu.dma_semaphore, #tpu.memory_space<semaphore_mem>>
        %dma_start3A_1134 = arith.constant 0 : i32
        %dma_start3A_1135 = arith.constant 0 : i32
        %dma_start3A_1136 = tpu.memref_slice %arg6[%dma_start3A_1124, %dma_start3A_1134, %dma_start3A_1135] : memref<16x32x128xf32, #tpu.memory_space<vmem>> -> memref<1x32x128xf32, #tpu.memory_space<vmem>>
        %dma_start3A_1137 = tpu.memref_squeeze %dma_start3A_1136 : memref<1x32x128xf32, #tpu.memory_space<vmem>> -> memref<32x128xf32, #tpu.memory_space<vmem>>
        %dma_start3A_1138 = arith.constant 0 : i32
        %dma_start3A_1139 = tpu.memref_slice %arg2[%dma_start3A_1138, %multiple_of3A_1123] : memref<32x1000000xf32, #tpu.memory_space<hbm>> -> memref<32x128xf32, #tpu.memory_space<hbm>>
        tpu.enqueue_dma source(%dma_start3A_1139 : memref<32x128xf32, #tpu.memory_space<hbm>>) target(%dma_start3A_1137 : memref<32x128xf32, #tpu.memory_space<vmem>>) target_semaphore(%dma_start3A_1133 : memref<!tpu.dma_semaphore, #tpu.memory_space<semaphore_mem>>)
      } else {
      }
      %broadcast_in_dim3A_978 = vector.broadcast %add3A_936 : i32 to vector<16xi32>
      tpu.vector_store_idx %arg7[%iota3A, %broadcast_in_dim3A_978], %gather3A_968 : memref<32x512xf32, #tpu.memory_space<vmem>>[vector<16xi32>, vector<16xi32>], vector<16xf32>,
      tpu.vector_store_idx %arg7[%add3A_5, %broadcast_in_dim3A_978], %gather3A_974 : memref<32x512xf32, #tpu.memory_space<vmem>>[vector<16xi32>, vector<16xi32>], vector<16xf32>,
      %mul3A_979 = arith.constant 16 : i32
      %mul3A_980 = arith.muli %scan3A_374, %mul3A_979 : i32
      %add3A_981 = arith.constant 13 : i32
      %add3A_982 = arith.addi %mul3A_980, %add3A_981 : i32
      %slice3A_983 = vector.extract_strided_slice %get3A_378 {offsets = [13], sizes = [1], strides = [1]} : vector<16xi32> to vector<1xi32>
      %squeeze3A_984 = vector.extract %slice3A_983[0] : i32 from vector<1xi32>
      %and3A_985 = arith.constant 127 : i32
      %and3A_986 = arith.andi %squeeze3A_984, %and3A_985 : i32
      %broadcast_in_dim3A_987 = vector.broadcast %and3A_986 : i32 to vector<16xi32>
      %shift_right_arithmetic3A_988 = arith.constant 7 : i32
      %shift_right_arithmetic3A_989 = arith.shrsi %squeeze3A_984, %shift_right_arithmetic3A_988 : i32
      %mul3A_990 = arith.constant 128 : i32
      %mul3A_991 = arith.muli %shift_right_arithmetic3A_989, %mul3A_990 : i32
      %multiple_of3A_992 = tpu.assume_multiple %mul3A_991, 128 : i32
      %dma_wait3A_993 = arith.constant 13 : i32
      %dma_wait3A_994 = arith.constant 13 : i32
      %dma_wait3A_995 = arith.constant 0 : i32
      %dma_wait3A_996 = arith.constant 0 : i32
      %dma_wait3A_997 = tpu.memref_slice %arg6[%dma_wait3A_993, %dma_wait3A_995, %dma_wait3A_996] : memref<16x32x128xf32, #tpu.memory_space<vmem>> -> memref<1x32x128xf32, #tpu.memory_space<vmem>>
      %dma_wait3A_998 = tpu.memref_squeeze %dma_wait3A_997 : memref<1x32x128xf32, #tpu.memory_space<vmem>> -> memref<32x128xf32, #tpu.memory_space<vmem>>
      %dma_wait3A_999 = arith.constant 0 : i32
      %dma_wait3A_1000 = tpu.memref_slice %arg2[%dma_wait3A_999, %multiple_of3A_992] : memref<32x1000000xf32, #tpu.memory_space<hbm>> -> memref<32x128xf32, #tpu.memory_space<hbm>>
      %dma_wait3A_1001 = tpu.memref_slice %arg8[%dma_wait3A_994] : memref<16x!tpu.dma_semaphore, #tpu.memory_space<semaphore_mem>> -> memref<1x!tpu.dma_semaphore, #tpu.memory_space<semaphore_mem>>
      %dma_wait3A_1002 = tpu.memref_squeeze %dma_wait3A_1001 : memref<1x!tpu.dma_semaphore, #tpu.memory_space<semaphore_mem>> -> memref<!tpu.dma_semaphore, #tpu.memory_space<semaphore_mem>>
      %dma_wait3A_1003 = arith.constant 0 : i32
      %dma_wait3A_1004 = arith.constant 0 : i32
      %dma_wait3A_1005 = tpu.memref_slice %arg6[%dma_wait3A_993, %dma_wait3A_1003, %dma_wait3A_1004] : memref<16x32x128xf32, #tpu.memory_space<vmem>> -> memref<1x32x128xf32, #tpu.memory_space<vmem>>
      %dma_wait3A_1006 = tpu.memref_squeeze %dma_wait3A_1005 : memref<1x32x128xf32, #tpu.memory_space<vmem>> -> memref<32x128xf32, #tpu.memory_space<vmem>>
      %dma_wait3A_1007 = arith.constant 0 : i32
      %dma_wait3A_1008 = tpu.memref_slice %arg2[%dma_wait3A_1007, %multiple_of3A_992] : memref<32x1000000xf32, #tpu.memory_space<hbm>> -> memref<32x128xf32, #tpu.memory_space<hbm>>
      tpu.wait_dma2 semaphore(%dma_wait3A_1002 : memref<!tpu.dma_semaphore, #tpu.memory_space<semaphore_mem>>) src(%dma_wait3A_1008 : memref<32x128xf32, #tpu.memory_space<hbm>>) dst(%dma_wait3A_1006 : memref<32x128xf32, #tpu.memory_space<vmem>>)
      %gather3A_1009 = arith.constant 13 : i32
      %gather3A_1010 = arith.constant 0 : i32
      %gather3A_1011 = arith.constant 0 : i32
      %gather3A_1012 = tpu.memref_slice %arg6[%gather3A_1009, %gather3A_1010, %gather3A_1011] : memref<16x32x128xf32, #tpu.memory_space<vmem>> -> memref<1x32x128xf32, #tpu.memory_space<vmem>>
      %gather3A_1013 = tpu.memref_squeeze %gather3A_1012 : memref<1x32x128xf32, #tpu.memory_space<vmem>> -> memref<32x128xf32, #tpu.memory_space<vmem>>
      %gather3A_1014 = tpu.vector_load_idx %gather3A_1013[%iota3A, %broadcast_in_dim3A_987] : memref<32x128xf32, #tpu.memory_space<vmem>>[vector<16xi32>, vector<16xi32>], vector<16xf32>,
      %gather3A_1015 = arith.constant 13 : i32
      %gather3A_1016 = arith.constant 0 : i32
      %gather3A_1017 = arith.constant 0 : i32
      %gather3A_1018 = tpu.memref_slice %arg6[%gather3A_1015, %gather3A_1016, %gather3A_1017] : memref<16x32x128xf32, #tpu.memory_space<vmem>> -> memref<1x32x128xf32, #tpu.memory_space<vmem>>
      %gather3A_1019 = tpu.memref_squeeze %gather3A_1018 : memref<1x32x128xf32, #tpu.memory_space<vmem>> -> memref<32x128xf32, #tpu.memory_space<vmem>>
      %gather3A_1020 = tpu.vector_load_idx %gather3A_1019[%add3A_5, %broadcast_in_dim3A_987] : memref<32x128xf32, #tpu.memory_space<vmem>>[vector<16xi32>, vector<16xi32>], vector<16xf32>,
      %convert_element_type3A_1021 = arith.extui %lt3A_386 : i1 to i32
      %cond3A_1022 = arith.constant 0 : i32
      %cond3A_1023 = arith.cmpi ne, %convert_element_type3A_1021, %cond3A_1022 : i32
      scf.if %cond3A_1023 {
        %slice3A_1117 = vector.extract_strided_slice %get3A_385 {offsets = [13], sizes = [1], strides = [1]} : vector<16xi32> to vector<1xi32>
        %squeeze3A_1118 = vector.extract %slice3A_1117[0] : i32 from vector<1xi32>
        %shift_right_arithmetic3A_1119 = arith.constant 7 : i32
        %shift_right_arithmetic3A_1120 = arith.shrsi %squeeze3A_1118, %shift_right_arithmetic3A_1119 : i32
        %mul3A_1121 = arith.constant 128 : i32
        %mul3A_1122 = arith.muli %shift_right_arithmetic3A_1120, %mul3A_1121 : i32
        %multiple_of3A_1123 = tpu.assume_multiple %mul3A_1122, 128 : i32
        %dma_start3A_1124 = arith.constant 13 : i32
        %dma_start3A_1125 = arith.constant 13 : i32
        %dma_start3A_1126 = arith.constant 0 : i32
        %dma_start3A_1127 = arith.constant 0 : i32
        %dma_start3A_1128 = tpu.memref_slice %arg6[%dma_start3A_1124, %dma_start3A_1126, %dma_start3A_1127] : memref<16x32x128xf32, #tpu.memory_space<vmem>> -> memref<1x32x128xf32, #tpu.memory_space<vmem>>
        %dma_start3A_1129 = tpu.memref_squeeze %dma_start3A_1128 : memref<1x32x128xf32, #tpu.memory_space<vmem>> -> memref<32x128xf32, #tpu.memory_space<vmem>>
        %dma_start3A_1130 = arith.constant 0 : i32
        %dma_start3A_1131 = tpu.memref_slice %arg2[%dma_start3A_1130, %multiple_of3A_1123] : memref<32x1000000xf32, #tpu.memory_space<hbm>> -> memref<32x128xf32, #tpu.memory_space<hbm>>
        %dma_start3A_1132 = tpu.memref_slice %arg8[%dma_start3A_1125] : memref<16x!tpu.dma_semaphore, #tpu.memory_space<semaphore_mem>> -> memref<1x!tpu.dma_semaphore, #tpu.memory_space<semaphore_mem>>
        %dma_start3A_1133 = tpu.memref_squeeze %dma_start3A_1132 : memref<1x!tpu.dma_semaphore, #tpu.memory_space<semaphore_mem>> -> memref<!tpu.dma_semaphore, #tpu.memory_space<semaphore_mem>>
        %dma_start3A_1134 = arith.constant 0 : i32
        %dma_start3A_1135 = arith.constant 0 : i32
        %dma_start3A_1136 = tpu.memref_slice %arg6[%dma_start3A_1124, %dma_start3A_1134, %dma_start3A_1135] : memref<16x32x128xf32, #tpu.memory_space<vmem>> -> memref<1x32x128xf32, #tpu.memory_space<vmem>>
        %dma_start3A_1137 = tpu.memref_squeeze %dma_start3A_1136 : memref<1x32x128xf32, #tpu.memory_space<vmem>> -> memref<32x128xf32, #tpu.memory_space<vmem>>
        %dma_start3A_1138 = arith.constant 0 : i32
        %dma_start3A_1139 = tpu.memref_slice %arg2[%dma_start3A_1138, %multiple_of3A_1123] : memref<32x1000000xf32, #tpu.memory_space<hbm>> -> memref<32x128xf32, #tpu.memory_space<hbm>>
        tpu.enqueue_dma source(%dma_start3A_1139 : memref<32x128xf32, #tpu.memory_space<hbm>>) target(%dma_start3A_1137 : memref<32x128xf32, #tpu.memory_space<vmem>>) target_semaphore(%dma_start3A_1133 : memref<!tpu.dma_semaphore, #tpu.memory_space<semaphore_mem>>)
      } else {
      }
      %broadcast_in_dim3A_1024 = vector.broadcast %add3A_982 : i32 to vector<16xi32>
      tpu.vector_store_idx %arg7[%iota3A, %broadcast_in_dim3A_1024], %gather3A_1014 : memref<32x512xf32, #tpu.memory_space<vmem>>[vector<16xi32>, vector<16xi32>], vector<16xf32>,
      tpu.vector_store_idx %arg7[%add3A_5, %broadcast_in_dim3A_1024], %gather3A_1020 : memref<32x512xf32, #tpu.memory_space<vmem>>[vector<16xi32>, vector<16xi32>], vector<16xf32>,
      %mul3A_1025 = arith.constant 16 : i32
      %mul3A_1026 = arith.muli %scan3A_374, %mul3A_1025 : i32
      %add3A_1027 = arith.constant 14 : i32
      %add3A_1028 = arith.addi %mul3A_1026, %add3A_1027 : i32
      %slice3A_1029 = vector.extract_strided_slice %get3A_378 {offsets = [14], sizes = [1], strides = [1]} : vector<16xi32> to vector<1xi32>
      %squeeze3A_1030 = vector.extract %slice3A_1029[0] : i32 from vector<1xi32>
      %and3A_1031 = arith.constant 127 : i32
      %and3A_1032 = arith.andi %squeeze3A_1030, %and3A_1031 : i32
      %broadcast_in_dim3A_1033 = vector.broadcast %and3A_1032 : i32 to vector<16xi32>
      %shift_right_arithmetic3A_1034 = arith.constant 7 : i32
      %shift_right_arithmetic3A_1035 = arith.shrsi %squeeze3A_1030, %shift_right_arithmetic3A_1034 : i32
      %mul3A_1036 = arith.constant 128 : i32
      %mul3A_1037 = arith.muli %shift_right_arithmetic3A_1035, %mul3A_1036 : i32
      %multiple_of3A_1038 = tpu.assume_multiple %mul3A_1037, 128 : i32
      %dma_wait3A_1039 = arith.constant 14 : i32
      %dma_wait3A_1040 = arith.constant 14 : i32
      %dma_wait3A_1041 = arith.constant 0 : i32
      %dma_wait3A_1042 = arith.constant 0 : i32
      %dma_wait3A_1043 = tpu.memref_slice %arg6[%dma_wait3A_1039, %dma_wait3A_1041, %dma_wait3A_1042] : memref<16x32x128xf32, #tpu.memory_space<vmem>> -> memref<1x32x128xf32, #tpu.memory_space<vmem>>
      %dma_wait3A_1044 = tpu.memref_squeeze %dma_wait3A_1043 : memref<1x32x128xf32, #tpu.memory_space<vmem>> -> memref<32x128xf32, #tpu.memory_space<vmem>>
      %dma_wait3A_1045 = arith.constant 0 : i32
      %dma_wait3A_1046 = tpu.memref_slice %arg2[%dma_wait3A_1045, %multiple_of3A_1038] : memref<32x1000000xf32, #tpu.memory_space<hbm>> -> memref<32x128xf32, #tpu.memory_space<hbm>>
      %dma_wait3A_1047 = tpu.memref_slice %arg8[%dma_wait3A_1040] : memref<16x!tpu.dma_semaphore, #tpu.memory_space<semaphore_mem>> -> memref<1x!tpu.dma_semaphore, #tpu.memory_space<semaphore_mem>>
      %dma_wait3A_1048 = tpu.memref_squeeze %dma_wait3A_1047 : memref<1x!tpu.dma_semaphore, #tpu.memory_space<semaphore_mem>> -> memref<!tpu.dma_semaphore, #tpu.memory_space<semaphore_mem>>
      %dma_wait3A_1049 = arith.constant 0 : i32
      %dma_wait3A_1050 = arith.constant 0 : i32
      %dma_wait3A_1051 = tpu.memref_slice %arg6[%dma_wait3A_1039, %dma_wait3A_1049, %dma_wait3A_1050] : memref<16x32x128xf32, #tpu.memory_space<vmem>> -> memref<1x32x128xf32, #tpu.memory_space<vmem>>
      %dma_wait3A_1052 = tpu.memref_squeeze %dma_wait3A_1051 : memref<1x32x128xf32, #tpu.memory_space<vmem>> -> memref<32x128xf32, #tpu.memory_space<vmem>>
      %dma_wait3A_1053 = arith.constant 0 : i32
      %dma_wait3A_1054 = tpu.memref_slice %arg2[%dma_wait3A_1053, %multiple_of3A_1038] : memref<32x1000000xf32, #tpu.memory_space<hbm>> -> memref<32x128xf32, #tpu.memory_space<hbm>>
      tpu.wait_dma2 semaphore(%dma_wait3A_1048 : memref<!tpu.dma_semaphore, #tpu.memory_space<semaphore_mem>>) src(%dma_wait3A_1054 : memref<32x128xf32, #tpu.memory_space<hbm>>) dst(%dma_wait3A_1052 : memref<32x128xf32, #tpu.memory_space<vmem>>)
      %gather3A_1055 = arith.constant 14 : i32
      %gather3A_1056 = arith.constant 0 : i32
      %gather3A_1057 = arith.constant 0 : i32
      %gather3A_1058 = tpu.memref_slice %arg6[%gather3A_1055, %gather3A_1056, %gather3A_1057] : memref<16x32x128xf32, #tpu.memory_space<vmem>> -> memref<1x32x128xf32, #tpu.memory_space<vmem>>
      %gather3A_1059 = tpu.memref_squeeze %gather3A_1058 : memref<1x32x128xf32, #tpu.memory_space<vmem>> -> memref<32x128xf32, #tpu.memory_space<vmem>>
      %gather3A_1060 = tpu.vector_load_idx %gather3A_1059[%iota3A, %broadcast_in_dim3A_1033] : memref<32x128xf32, #tpu.memory_space<vmem>>[vector<16xi32>, vector<16xi32>], vector<16xf32>,
      %gather3A_1061 = arith.constant 14 : i32
      %gather3A_1062 = arith.constant 0 : i32
      %gather3A_1063 = arith.constant 0 : i32
      %gather3A_1064 = tpu.memref_slice %arg6[%gather3A_1061, %gather3A_1062, %gather3A_1063] : memref<16x32x128xf32, #tpu.memory_space<vmem>> -> memref<1x32x128xf32, #tpu.memory_space<vmem>>
      %gather3A_1065 = tpu.memref_squeeze %gather3A_1064 : memref<1x32x128xf32, #tpu.memory_space<vmem>> -> memref<32x128xf32, #tpu.memory_space<vmem>>
      %gather3A_1066 = tpu.vector_load_idx %gather3A_1065[%add3A_5, %broadcast_in_dim3A_1033] : memref<32x128xf32, #tpu.memory_space<vmem>>[vector<16xi32>, vector<16xi32>], vector<16xf32>,
      %convert_element_type3A_1067 = arith.extui %lt3A_386 : i1 to i32
      %cond3A_1068 = arith.constant 0 : i32
      %cond3A_1069 = arith.cmpi ne, %convert_element_type3A_1067, %cond3A_1068 : i32
      scf.if %cond3A_1069 {
        %slice3A_1117 = vector.extract_strided_slice %get3A_385 {offsets = [14], sizes = [1], strides = [1]} : vector<16xi32> to vector<1xi32>
        %squeeze3A_1118 = vector.extract %slice3A_1117[0] : i32 from vector<1xi32>
        %shift_right_arithmetic3A_1119 = arith.constant 7 : i32
        %shift_right_arithmetic3A_1120 = arith.shrsi %squeeze3A_1118, %shift_right_arithmetic3A_1119 : i32
        %mul3A_1121 = arith.constant 128 : i32
        %mul3A_1122 = arith.muli %shift_right_arithmetic3A_1120, %mul3A_1121 : i32
        %multiple_of3A_1123 = tpu.assume_multiple %mul3A_1122, 128 : i32
        %dma_start3A_1124 = arith.constant 14 : i32
        %dma_start3A_1125 = arith.constant 14 : i32
        %dma_start3A_1126 = arith.constant 0 : i32
        %dma_start3A_1127 = arith.constant 0 : i32
        %dma_start3A_1128 = tpu.memref_slice %arg6[%dma_start3A_1124, %dma_start3A_1126, %dma_start3A_1127] : memref<16x32x128xf32, #tpu.memory_space<vmem>> -> memref<1x32x128xf32, #tpu.memory_space<vmem>>
        %dma_start3A_1129 = tpu.memref_squeeze %dma_start3A_1128 : memref<1x32x128xf32, #tpu.memory_space<vmem>> -> memref<32x128xf32, #tpu.memory_space<vmem>>
        %dma_start3A_1130 = arith.constant 0 : i32
        %dma_start3A_1131 = tpu.memref_slice %arg2[%dma_start3A_1130, %multiple_of3A_1123] : memref<32x1000000xf32, #tpu.memory_space<hbm>> -> memref<32x128xf32, #tpu.memory_space<hbm>>
        %dma_start3A_1132 = tpu.memref_slice %arg8[%dma_start3A_1125] : memref<16x!tpu.dma_semaphore, #tpu.memory_space<semaphore_mem>> -> memref<1x!tpu.dma_semaphore, #tpu.memory_space<semaphore_mem>>
        %dma_start3A_1133 = tpu.memref_squeeze %dma_start3A_1132 : memref<1x!tpu.dma_semaphore, #tpu.memory_space<semaphore_mem>> -> memref<!tpu.dma_semaphore, #tpu.memory_space<semaphore_mem>>
        %dma_start3A_1134 = arith.constant 0 : i32
        %dma_start3A_1135 = arith.constant 0 : i32
        %dma_start3A_1136 = tpu.memref_slice %arg6[%dma_start3A_1124, %dma_start3A_1134, %dma_start3A_1135] : memref<16x32x128xf32, #tpu.memory_space<vmem>> -> memref<1x32x128xf32, #tpu.memory_space<vmem>>
        %dma_start3A_1137 = tpu.memref_squeeze %dma_start3A_1136 : memref<1x32x128xf32, #tpu.memory_space<vmem>> -> memref<32x128xf32, #tpu.memory_space<vmem>>
        %dma_start3A_1138 = arith.constant 0 : i32
        %dma_start3A_1139 = tpu.memref_slice %arg2[%dma_start3A_1138, %multiple_of3A_1123] : memref<32x1000000xf32, #tpu.memory_space<hbm>> -> memref<32x128xf32, #tpu.memory_space<hbm>>
        tpu.enqueue_dma source(%dma_start3A_1139 : memref<32x128xf32, #tpu.memory_space<hbm>>) target(%dma_start3A_1137 : memref<32x128xf32, #tpu.memory_space<vmem>>) target_semaphore(%dma_start3A_1133 : memref<!tpu.dma_semaphore, #tpu.memory_space<semaphore_mem>>)
      } else {
      }
      %broadcast_in_dim3A_1070 = vector.broadcast %add3A_1028 : i32 to vector<16xi32>
      tpu.vector_store_idx %arg7[%iota3A, %broadcast_in_dim3A_1070], %gather3A_1060 : memref<32x512xf32, #tpu.memory_space<vmem>>[vector<16xi32>, vector<16xi32>], vector<16xf32>,
      tpu.vector_store_idx %arg7[%add3A_5, %broadcast_in_dim3A_1070], %gather3A_1066 : memref<32x512xf32, #tpu.memory_space<vmem>>[vector<16xi32>, vector<16xi32>], vector<16xf32>,
      %mul3A_1071 = arith.constant 16 : i32
      %mul3A_1072 = arith.muli %scan3A_374, %mul3A_1071 : i32
      %add3A_1073 = arith.constant 15 : i32
      %add3A_1074 = arith.addi %mul3A_1072, %add3A_1073 : i32
      %slice3A_1075 = vector.extract_strided_slice %get3A_378 {offsets = [15], sizes = [1], strides = [1]} : vector<16xi32> to vector<1xi32>
      %squeeze3A_1076 = vector.extract %slice3A_1075[0] : i32 from vector<1xi32>
      %and3A_1077 = arith.constant 127 : i32
      %and3A_1078 = arith.andi %squeeze3A_1076, %and3A_1077 : i32
      %broadcast_in_dim3A_1079 = vector.broadcast %and3A_1078 : i32 to vector<16xi32>
      %shift_right_arithmetic3A_1080 = arith.constant 7 : i32
      %shift_right_arithmetic3A_1081 = arith.shrsi %squeeze3A_1076, %shift_right_arithmetic3A_1080 : i32
      %mul3A_1082 = arith.constant 128 : i32
      %mul3A_1083 = arith.muli %shift_right_arithmetic3A_1081, %mul3A_1082 : i32
      %multiple_of3A_1084 = tpu.assume_multiple %mul3A_1083, 128 : i32
      %dma_wait3A_1085 = arith.constant 15 : i32
      %dma_wait3A_1086 = arith.constant 15 : i32
      %dma_wait3A_1087 = arith.constant 0 : i32
      %dma_wait3A_1088 = arith.constant 0 : i32
      %dma_wait3A_1089 = tpu.memref_slice %arg6[%dma_wait3A_1085, %dma_wait3A_1087, %dma_wait3A_1088] : memref<16x32x128xf32, #tpu.memory_space<vmem>> -> memref<1x32x128xf32, #tpu.memory_space<vmem>>
      %dma_wait3A_1090 = tpu.memref_squeeze %dma_wait3A_1089 : memref<1x32x128xf32, #tpu.memory_space<vmem>> -> memref<32x128xf32, #tpu.memory_space<vmem>>
      %dma_wait3A_1091 = arith.constant 0 : i32
      %dma_wait3A_1092 = tpu.memref_slice %arg2[%dma_wait3A_1091, %multiple_of3A_1084] : memref<32x1000000xf32, #tpu.memory_space<hbm>> -> memref<32x128xf32, #tpu.memory_space<hbm>>
      %dma_wait3A_1093 = tpu.memref_slice %arg8[%dma_wait3A_1086] : memref<16x!tpu.dma_semaphore, #tpu.memory_space<semaphore_mem>> -> memref<1x!tpu.dma_semaphore, #tpu.memory_space<semaphore_mem>>
      %dma_wait3A_1094 = tpu.memref_squeeze %dma_wait3A_1093 : memref<1x!tpu.dma_semaphore, #tpu.memory_space<semaphore_mem>> -> memref<!tpu.dma_semaphore, #tpu.memory_space<semaphore_mem>>
      %dma_wait3A_1095 = arith.constant 0 : i32
      %dma_wait3A_1096 = arith.constant 0 : i32
      %dma_wait3A_1097 = tpu.memref_slice %arg6[%dma_wait3A_1085, %dma_wait3A_1095, %dma_wait3A_1096] : memref<16x32x128xf32, #tpu.memory_space<vmem>> -> memref<1x32x128xf32, #tpu.memory_space<vmem>>
      %dma_wait3A_1098 = tpu.memref_squeeze %dma_wait3A_1097 : memref<1x32x128xf32, #tpu.memory_space<vmem>> -> memref<32x128xf32, #tpu.memory_space<vmem>>
      %dma_wait3A_1099 = arith.constant 0 : i32
      %dma_wait3A_1100 = tpu.memref_slice %arg2[%dma_wait3A_1099, %multiple_of3A_1084] : memref<32x1000000xf32, #tpu.memory_space<hbm>> -> memref<32x128xf32, #tpu.memory_space<hbm>>
      tpu.wait_dma2 semaphore(%dma_wait3A_1094 : memref<!tpu.dma_semaphore, #tpu.memory_space<semaphore_mem>>) src(%dma_wait3A_1100 : memref<32x128xf32, #tpu.memory_space<hbm>>) dst(%dma_wait3A_1098 : memref<32x128xf32, #tpu.memory_space<vmem>>)
      %gather3A_1101 = arith.constant 15 : i32
      %gather3A_1102 = arith.constant 0 : i32
      %gather3A_1103 = arith.constant 0 : i32
      %gather3A_1104 = tpu.memref_slice %arg6[%gather3A_1101, %gather3A_1102, %gather3A_1103] : memref<16x32x128xf32, #tpu.memory_space<vmem>> -> memref<1x32x128xf32, #tpu.memory_space<vmem>>
      %gather3A_1105 = tpu.memref_squeeze %gather3A_1104 : memref<1x32x128xf32, #tpu.memory_space<vmem>> -> memref<32x128xf32, #tpu.memory_space<vmem>>
      %gather3A_1106 = tpu.vector_load_idx %gather3A_1105[%iota3A, %broadcast_in_dim3A_1079] : memref<32x128xf32, #tpu.memory_space<vmem>>[vector<16xi32>, vector<16xi32>], vector<16xf32>,
      %gather3A_1107 = arith.constant 15 : i32
      %gather3A_1108 = arith.constant 0 : i32
      %gather3A_1109 = arith.constant 0 : i32
      %gather3A_1110 = tpu.memref_slice %arg6[%gather3A_1107, %gather3A_1108, %gather3A_1109] : memref<16x32x128xf32, #tpu.memory_space<vmem>> -> memref<1x32x128xf32, #tpu.memory_space<vmem>>
      %gather3A_1111 = tpu.memref_squeeze %gather3A_1110 : memref<1x32x128xf32, #tpu.memory_space<vmem>> -> memref<32x128xf32, #tpu.memory_space<vmem>>
      %gather3A_1112 = tpu.vector_load_idx %gather3A_1111[%add3A_5, %broadcast_in_dim3A_1079] : memref<32x128xf32, #tpu.memory_space<vmem>>[vector<16xi32>, vector<16xi32>], vector<16xf32>,
      %convert_element_type3A_1113 = arith.extui %lt3A_386 : i1 to i32
      %cond3A_1114 = arith.constant 0 : i32
      %cond3A_1115 = arith.cmpi ne, %convert_element_type3A_1113, %cond3A_1114 : i32
      scf.if %cond3A_1115 {
        %slice3A_1117 = vector.extract_strided_slice %get3A_385 {offsets = [15], sizes = [1], strides = [1]} : vector<16xi32> to vector<1xi32>
        %squeeze3A_1118 = vector.extract %slice3A_1117[0] : i32 from vector<1xi32>
        %shift_right_arithmetic3A_1119 = arith.constant 7 : i32
        %shift_right_arithmetic3A_1120 = arith.shrsi %squeeze3A_1118, %shift_right_arithmetic3A_1119 : i32
        %mul3A_1121 = arith.constant 128 : i32
        %mul3A_1122 = arith.muli %shift_right_arithmetic3A_1120, %mul3A_1121 : i32
        %multiple_of3A_1123 = tpu.assume_multiple %mul3A_1122, 128 : i32
        %dma_start3A_1124 = arith.constant 15 : i32
        %dma_start3A_1125 = arith.constant 15 : i32
        %dma_start3A_1126 = arith.constant 0 : i32
        %dma_start3A_1127 = arith.constant 0 : i32
        %dma_start3A_1128 = tpu.memref_slice %arg6[%dma_start3A_1124, %dma_start3A_1126, %dma_start3A_1127] : memref<16x32x128xf32, #tpu.memory_space<vmem>> -> memref<1x32x128xf32, #tpu.memory_space<vmem>>
        %dma_start3A_1129 = tpu.memref_squeeze %dma_start3A_1128 : memref<1x32x128xf32, #tpu.memory_space<vmem>> -> memref<32x128xf32, #tpu.memory_space<vmem>>
        %dma_start3A_1130 = arith.constant 0 : i32
        %dma_start3A_1131 = tpu.memref_slice %arg2[%dma_start3A_1130, %multiple_of3A_1123] : memref<32x1000000xf32, #tpu.memory_space<hbm>> -> memref<32x128xf32, #tpu.memory_space<hbm>>
        %dma_start3A_1132 = tpu.memref_slice %arg8[%dma_start3A_1125] : memref<16x!tpu.dma_semaphore, #tpu.memory_space<semaphore_mem>> -> memref<1x!tpu.dma_semaphore, #tpu.memory_space<semaphore_mem>>
        %dma_start3A_1133 = tpu.memref_squeeze %dma_start3A_1132 : memref<1x!tpu.dma_semaphore, #tpu.memory_space<semaphore_mem>> -> memref<!tpu.dma_semaphore, #tpu.memory_space<semaphore_mem>>
        %dma_start3A_1134 = arith.constant 0 : i32
        %dma_start3A_1135 = arith.constant 0 : i32
        %dma_start3A_1136 = tpu.memref_slice %arg6[%dma_start3A_1124, %dma_start3A_1134, %dma_start3A_1135] : memref<16x32x128xf32, #tpu.memory_space<vmem>> -> memref<1x32x128xf32, #tpu.memory_space<vmem>>
        %dma_start3A_1137 = tpu.memref_squeeze %dma_start3A_1136 : memref<1x32x128xf32, #tpu.memory_space<vmem>> -> memref<32x128xf32, #tpu.memory_space<vmem>>
        %dma_start3A_1138 = arith.constant 0 : i32
        %dma_start3A_1139 = tpu.memref_slice %arg2[%dma_start3A_1138, %multiple_of3A_1123] : memref<32x1000000xf32, #tpu.memory_space<hbm>> -> memref<32x128xf32, #tpu.memory_space<hbm>>
        tpu.enqueue_dma source(%dma_start3A_1139 : memref<32x128xf32, #tpu.memory_space<hbm>>) target(%dma_start3A_1137 : memref<32x128xf32, #tpu.memory_space<vmem>>) target_semaphore(%dma_start3A_1133 : memref<!tpu.dma_semaphore, #tpu.memory_space<semaphore_mem>>)
      } else {
      }
      %broadcast_in_dim3A_1116 = vector.broadcast %add3A_1074 : i32 to vector<16xi32>
      tpu.vector_store_idx %arg7[%iota3A, %broadcast_in_dim3A_1116], %gather3A_1106 : memref<32x512xf32, #tpu.memory_space<vmem>>[vector<16xi32>, vector<16xi32>], vector<16xf32>,
      tpu.vector_store_idx %arg7[%add3A_5, %broadcast_in_dim3A_1116], %gather3A_1112 : memref<32x512xf32, #tpu.memory_space<vmem>>[vector<16xi32>, vector<16xi32>], vector<16xf32>,
    }
    %scan3A_373 = arith.constant 32 : i32
    "tpu.region"() ({
      %run_scoped3A = tpu.sem_alloc : memref<!tpu.dma_semaphore, #tpu.memory_space<semaphore_mem>>
      %dma_start3A_374 = arith.constant 0 : i32
      %dma_start3A_375 = tpu.memref_slice %arg4[%dma_start3A_374, %mul3A_2] : memref<32x16384xf32, #tpu.memory_space<hbm>> -> memref<32x512xf32, #tpu.memory_space<hbm>>
      %dma_start3A_376 = arith.constant 0 : i32
      %dma_start3A_377 = tpu.memref_slice %arg4[%dma_start3A_376, %mul3A_2] : memref<32x16384xf32, #tpu.memory_space<hbm>> -> memref<32x512xf32, #tpu.memory_space<hbm>>
      tpu.enqueue_dma source(%arg7 : memref<32x512xf32, #tpu.memory_space<vmem>>) target(%dma_start3A_377 : memref<32x512xf32, #tpu.memory_space<hbm>>) target_semaphore(%run_scoped3A : memref<!tpu.dma_semaphore, #tpu.memory_space<semaphore_mem>>)
      %dma_wait3A = arith.constant 0 : i32
      %dma_wait3A_378 = tpu.memref_slice %arg4[%dma_wait3A, %mul3A_2] : memref<32x16384xf32, #tpu.memory_space<hbm>> -> memref<32x512xf32, #tpu.memory_space<hbm>>
      %dma_wait3A_379 = arith.constant 0 : i32
      %dma_wait3A_380 = tpu.memref_slice %arg4[%dma_wait3A_379, %mul3A_2] : memref<32x16384xf32, #tpu.memory_space<hbm>> -> memref<32x512xf32, #tpu.memory_space<hbm>>
      tpu.wait_dma2 semaphore(%run_scoped3A : memref<!tpu.dma_semaphore, #tpu.memory_space<semaphore_mem>>) src(%arg7 : memref<32x512xf32, #tpu.memory_space<vmem>>) dst(%dma_wait3A_380 : memref<32x512xf32, #tpu.memory_space<hbm>>)
      tpu.yield
    }) : () -> ()
    return
  }
}

</mosaic_0001>

<sc_bundles>
// kernel: kernel.3.cloned.1.call-start
scs
__scs_entry_jumppad:
0x0: {  	(pc) =	sbr.rel $0x88, $3  }
0x1: {  	(tag) =	ssettag $0x0;
	lr =	simm.s32 $0x1  }
0x2: {  	[smem:$0x3F9F] =	sst lr;
	_ =	strace $0xD0000000  }
0x3: {  	_ = 	snop  }
0x4: {  	_ = 	snop  }
0x5: {  	_ = 	snop  }
0x6: {  	_ = 	snop  }
0x7: {  	_ = 	snop  }
__scs_overlays_trampoline_lowered:
0x8: {  	[smem:$0x3FAE] =	sst s0  }
0x9: {  	[smem:$0x3FAF] =	sst s1  }
0xa: {  	[smem:$0x3FB0] =	sst s2  }
0xb: {  	[smem:$0x3FB1] =	sst s3  }
0xc: {  	[smem:$0x3FB2] =	sst s4  }
0xd: {  	[smem:$0x3FB3] =	sst s5  }
0xe: {  	[smem:$0x3FB4] =	sst s6  }
0xf: {  	[smem:$0x3FB5] =	sst s7  }
0x10: {  	[smem:$0x3FB6] =	sst s8  }
0x11: {  	[smem:$0x3FB7] =	sst s9;
	s0 =	simm.s32 @!p0 $0x0  }
0x12: {  	s1 =	sld [smem:$0x3F9D];
	s0 =	simm.s32 @p0 $0x1  }
0x13: {  	[smem:$0x3FB8] =	sst s0;
	s0 =	simm.s32 @!p1 $0x0  }
0x14: {  	s2 =	sld [smem:$0x3F9C];
	s0 =	simm.s32 @p1 $0x1  }
0x15: {  	[smem:$0x3FB9] =	sst s0;
	s0 =	simm.s32 @!p2 $0x0  }
0x16: {  	s3 =	sld [smem:$0x3FDB];
	s0 =	simm.s32 @p2 $0x1  }
0x17: {  	s4 =	simm.s32 $0x1BF5;
	[smem:$0x3FBB] =	sst s0  }
0x18: {  	s0 =	sld [smem:$0x3F9E];
	_ =	swait.ge [sflag:s4], $0x0  }
0x19: {  	s7 =	sld [smem:$0x3F9F]  }
0x1a: {  	s8 =	sadd.s32 $0xFFFFE003, lr  }
0x1b: {  	s9 =	sadd.s32 $0xFFFFFEF7, lr;
	s5 =	simm.s32 $0xFFFFFFFF;
	p2 =	slt.u32 s8, $0xFFFFF086  }
0x1c: {  	p1 =	slt.u32 s9, $0xF7A;
	s5 =	simm.s32 @!p2 $0x0  }
0x1d: {  	s5 =	simm.s32 @p1 $0x1;
	p0 =	seq.s32 s7, s2  }
0x1e: {  	s7 =	smul.u32 @!p0 $0xF7A, s2;
	p2 =	seq.s32 @!p0 s5, $0x0  }
0x1f: {  	s9 =	smul.u32 $0xF7A, s1;
	s8 =	simm.s32 @!p0 $0x1BF5;
	p2 =	por !p2, p0  }
0x20: {  	[sflag:s8] =	ssyncset.s32 @!p0 $0xFFFFF086;
	s6 =	sadd.s32 @!p0 s3, s7;
	s7 =	simm.s32 @!p0 $0x108  }
0x21: {  	s3 =	sadd.s32 s3, s9;
	s6 =	sadd.s32 @!p0 $0x88, s6;
	s7 =	simm.s32 @p2 $0x1082  }
0x22: {  	[simem:s7], [sflag:s8] =	dma.local @!p0 [hbm:s6], $0xF7A  }
0x23: {  	s9 =	sor.u32 $0xD0000000, s2;
	s6 =	simm.s32 $0x108;
	_ =	swait.ge @!p0 [sflag:s8], $0x0  }
0x24: {  	s3 =	sadd.s32 $0x88, s3;
	s6 =	simm.s32 @!p1 $0x1082;
	[sflag:s4] =	ssyncset.s32 $0xFFFFF086  }
0x25: {  	[simem:s6], [sflag:s4] =	dma.local [hbm:s3], $0xF7A  }
0x26: {  	[smem:$0x3F9F] =	sst s1;
	(tag) =	ssettag s2;
	_ =	strace s9  }
0x27: {  	s1 =	sld [smem:$0x3FAF]  }
0x28: {  	s2 =	sld [smem:$0x3FB0]  }
0x29: {  	s4 =	sld [smem:$0x3FB2]  }
0x2a: {  	p0 =	seq.s32 s5, $0x0;
	s5 =	sld [smem:$0x3FB3]  }
0x2b: {  	s6 =	sld [smem:$0x3FB4]  }
0x2c: {  	s7 =	sld [smem:$0x3FB5]  }
0x2d: {  	s3 =	simm.s32 $0x108;
	s8 =	sld [smem:$0x3FB6]  }
0x2e: {  	s3 =	simm.s32 @!p0 $0x1082;
	s9 =	sld [smem:$0x3FB7]  }
0x2f: {  	lr =	sadd.s32 s0, s3;
	s0 =	sld [smem:$0x3FAE]  }
0x30: {  	s3 =	sld [smem:$0x3FB1]  }
0x31: {  	[smem:$0x3FBA] =	sst s10  }
0x32: {  	s10 =	sld [smem:$0x3FB8];
	_ =	sdelay $0x3  }
0x33: {  	p0 =	seq.s32 s10, $0x1;
	s10 =	sld [smem:$0x3FBA];
	_ =	sdelay $0x3  }
0x34: {  	[smem:$0x3FBA] =	sst s10  }
0x35: {  	s10 =	sld [smem:$0x3FB9];
	_ =	sdelay $0x3  }
0x36: {  	p1 =	seq.s32 s10, $0x1;
	s10 =	sld [smem:$0x3FBA];
	_ =	sdelay $0x3  }
0x37: {  	[smem:$0x3FBA] =	sst s10  }
0x38: {  	s10 =	sld [smem:$0x3FBB]  }
0x39: {  	_ = 	snop;
	(pc) =	sbr.ind lr, $3  }
0x3a: {  	_ = 	snop  }
0x3b: {  	_ = 	snop  }
0x3c: {  	p2 =	seq.s32 s10, $0x1;
	s10 =	sld [smem:$0x3FBA]  }
0x3d: {  	_ =	shalt  }
0x3e: {  	_ =	shalt  }
0x3f: {  	_ =	shalt  }
0x40: {  	_ =	shalt  }
0x41: {  	_ =	shalt  }
0x42: {  	_ =	shalt  }
0x43: {  	_ =	shalt  }
0x44: {  	_ =	shalt  }
0x45: {  	_ =	shalt  }
0x46: {  	_ =	shalt  }
0x47: {  	_ =	shalt  }
0x48: {  	_ =	shalt  }
0x49: {  	_ =	shalt  }
0x4a: {  	_ =	shalt  }
0x4b: {  	_ =	shalt  }
0x4c: {  	_ =	shalt  }
0x4d: {  	_ =	shalt  }
0x4e: {  	_ =	shalt  }
0x4f: {  	_ =	shalt  }
0x50: {  	_ =	shalt  }
0x51: {  	_ =	shalt  }
0x52: {  	_ =	shalt  }
0x53: {  	_ =	shalt  }
0x54: {  	_ =	shalt  }
0x55: {  	_ =	shalt  }
0x56: {  	_ =	shalt  }
0x57: {  	_ =	shalt  }
0x58: {  	_ =	shalt  }
0x59: {  	_ =	shalt  }
0x5a: {  	_ =	shalt  }
0x5b: {  	_ =	shalt  }
0x5c: {  	_ =	shalt  }
0x5d: {  	_ =	shalt  }
0x5e: {  	_ =	shalt  }
0x5f: {  	_ =	shalt  }
0x60: {  	_ =	shalt  }
0x61: {  	_ =	shalt  }
0x62: {  	_ =	shalt  }
0x63: {  	_ =	shalt  }
0x64: {  	_ =	shalt  }
0x65: {  	_ =	shalt  }
0x66: {  	_ =	shalt  }
0x67: {  	_ =	shalt  }
0x68: {  	_ =	shalt  }
0x69: {  	_ =	shalt  }
0x6a: {  	_ =	shalt  }
0x6b: {  	_ =	shalt  }
0x6c: {  	_ =	shalt  }
0x6d: {  	_ =	shalt  }
0x6e: {  	_ =	shalt  }
0x6f: {  	_ =	shalt  }
0x70: {  	_ =	shalt  }
0x71: {  	_ =	shalt  }
0x72: {  	_ =	shalt  }
0x73: {  	_ =	shalt  }
0x74: {  	_ =	shalt  }
0x75: {  	_ =	shalt  }
0x76: {  	_ =	shalt  }
0x77: {  	_ =	shalt  }
0x78: {  	_ =	shalt  }
0x79: {  	_ =	shalt  }
0x7a: {  	_ =	shalt  }
0x7b: {  	_ =	shalt  }
0x7c: {  	_ =	shalt  }
0x7d: {  	_ =	shalt  }
0x7e: {  	_ =	shalt  }
0x7f: {  	_ =	shalt  }
0x80: {  	_ =	shalt  }
0x81: {  	_ =	shalt  }
0x82: {  	_ =	shalt  }
0x83: {  	_ =	shalt  }
0x84: {  	_ =	shalt  }
0x85: {  	_ =	shalt  }
0x86: {  	_ =	shalt  }
0x87: {  	_ =	shalt  }
.Lfunc_end0:
.L_simem_size_0:
called_computation_lowered:
.L_overlay_start_0:
0x88: {  	s2 =	sld [smem:$0x3FD9]  }
0x89: {  	s3 =	sld [smem:$0x3FFE];
	_ =	sdelay $0x1  }
0x8a: {  	s1 =	srdreg.scid  }
0x8b: {  	s0 =	sand.u32 $0x1, s1  }
0x8c: {  	s18 =	sshll.u32 s0, $0xA;
	s2 =	sadd.s32 s3, s2  }
0x8d: {  	s2 =	sadd.s32 s2, s18  }
0x8e: {  	[smem:$0x3FC6] =	sst s2  }
0x8f: {  	_ = 	snop  }
0x90: {  	s2 =	sld [smem:$0x3FC9]  }
0x91: {  	s19 =	sld [smem:$0x3FC8]  }
0x92: {  	s4 =	sld [smem:$0x3FD0];
	(tm) =	ssettm $0x1  }
0x93: {  	s5 =	sld [smem:$0x3FFB];
	_ =	sdelay $0x3  }
0x94: {  	_ =	strace s5  }
0x95: {  	s5 =	sld [smem:$0x3FFC];
	_ =	sdelay $0x3  }
0x96: {  	_ =	strace s5  }
0x97: {  	s5 =	sld [smem:$0x3FFD];
	_ =	sdelay $0x3  }
0x98: {  	_ =	strace s5  }
0x99: {  	_ =	strace $0x8FFFFFFF  }
0x9a: {  	s20 =	sld [smem:$0x3FDB];
	_ =	sdelay $0x1  }
0x9b: {  	s6 =	simm.s32 $_scs_section_size  }
0x9c: {  	s7 =	simm.s32 $_size__tile_overlayer_lowered;
	s8 =	simm.s32 $_tile_overlayer_lowered  }
0x9d: {  	s23 =	simm.s32 $0x1BFF;
	s22 =	sshll.u32 s8, $0x1;
	s5 =	sadd.s32 s6, s20  }
0x9e: {  	s9 =	simm.s32 $0x0;
	s21 =	sshll.u32 s7, $0x1;
	s7 =	sadd.s32 s22, s5  }
0x9f: {  	[timem:s9], [sflag:s23] =	dma.local [hbm:s7], s21  }
0xa0: {  	_ =	swait.ge [sflag:s23], s21  }
0xa1: {  	s6 =	ssub.s32 $0x0, s21;
	[sflag:s23] =	ssyncset.done $0x0  }
0xa2: {  	[sflag:s23] =	ssyncadd.s32 s6;
	_ =	sdelay $0x1  }
0xa3: {  	s24 =	simm.s32 $0x1B8B  }
0xa4: {  	_ =	swait.ge [sflag:s24], $0x1  }
0xa5: {  	[sflag:s24] =	ssyncset.done $0x0  }
0xa6: {  	s25 =	simm.s32 $0x1B8E;
	[sflag:s24] =	ssyncadd.s32 $0xFFFFFFFF  }
0xa7: {  	s26 =	simm.s32 $execute0_lowered;
	[smem:$0x3FD2] =	sst s25  }
0xa8: {  	s6 =	sshll.u32 s26, $0x1;
	_ =	strace $0x80000046;
	[dreg:$0x1] =	wrdreg $0xFFFFFFFF  }
0xa9: {  	s28 =	simm.s32 $_size_execute0_lowered;
	s5 =	sadd.s32 s5, s6;
	[dreg:$0x0] =	wrdreg $0x0  }
0xaa: {  	s6 =	sshll.u32 s28, $0x1;
	[dreg:$0x2] =	wrdreg s5  }
0xab: {  	[dreg:$0x3] =	wrdreg s6  }
0xac: {  	[dreg:$0x4] =	wrdreg $0xC0  }
0xad: {  	_ =	task [dreg:s9], $0x5FFFF  }
0xae: {  	[dreg:$0x1] =	wrdreg $0xFFFFFFFF  }
0xaf: {  	[dreg:$0x0] =	wrdreg $0x60  }
0xb0: {  	[dreg:$0x2] =	wrdreg s2  }
0xb1: {  	[dreg:$0x3] =	wrdreg s19  }
0xb2: {  	[dreg:$0x4] =	wrdreg s4  }
0xb3: {  	[dreg:$0x5] =	wrdreg $0x9  }
0xb4: {  	_ =	task.clear_ibuf [dreg:s9], $0x6FFFF;
	_ =	strace $0x90000046  }
0xb5: {  	s29 =	simm.s32 $0x9;
	_ =	strace $0x80000048  }
0xb6: {  	_ =	swait.ge [sflag:s29], $0x1  }
0xb7: {  	[sflag:s29] =	ssyncadd.s32 $0xFFFFFFFF  }
0xb8: {  	_ =	strace $0x90000048  }
0xb9: {  	_ =	sfence  }
0xba: {  	s30 =	sld [smem:$0x0];
	_ =	sdelay $0x2  }
0xbb: {  	s31 =	sshll.u32 s1, $0xD;
	s1 =	sshrl.u32 s1, $0x2  }
0xbc: {  	s3 =	sand.u32 $0x4000, s31;
	s1 =	sadd.s32 s1, s30  }
0xbd: {  	s0 =	sor.u32 s3, s0;
	s1 =	sshll.u32 s1, $0x11  }
0xbe: {  	s0 =	sor.u32 s1, s0  }
0xbf: {  	s0 =	sadd.s32 $0x8F2B, s0  }
0xc0: {  	[sflag:s0] =	ssyncadd.remote.s32 $0x1  }
0xc1: {  	_ =	sfence.sel $0xFFFF  }
0xc2: {  	[dreg:$0x0] =	wrdreg $0xFFFFFFFF;
	(pc) =	sbr.abs _section_cstart, $3  }
0xc3: {  	[dreg:$0x1] =	wrdreg $0xFFFFFFFF  }
0xc4: {  	_ =	task.clear_ibuf [dreg:s9], $0x2FFFF;
	_ =	strace $0x9FFFFFFF  }
0xc5: {  	(tm) =	ssettm $0x7FFFFFFF  }
tec
execute0_lowered:
.L_overlay_start_1:
0x0: {  	(tag) =	ssettag $0x1  }
0x1: {  	s19 =	rddreg [dreg:$0x0];
	v0 =	vlaneseq.u32;
	v1 =	vimm.s32 $0x1380  }
0x2: {  	s0 =	rddreg [dreg:$0x1];
	vm0 =	vcmask $0x300;
	v2 =	vimm.s32 $0x3380;
	vm1 =	vcmask $0x704  }
0x3: {  	s1 =	rddreg [dreg:$0x2];
	vm15 =	vcmask $0xB08;
	v1 =	vsel vm0, $0x0, v1;
	v2 =	vsel vm0, $0x2000, v2  }
0x4: {  	s2 =	srdreg.scid;
	s5 =	simm.s32 $0x0;
	s4 =	stileid.u32;
	vm4 =	vcmask $0xF0C;
	v1 =	vsel vm1, $0x80, v1;
	v2 =	vsel vm1, $0x2080, v2  }
0x5: {  	s30 =	simm.s32 $0x200;
	s8 =	simm.s32 $0x1200;
	s15 =	simm.s32 $0x2200;
	vm5 =	vcmask $0x1310;
	v1 =	vsel vm15, $0x100, v1;
	v2 =	vsel vm15, $0x2100, v2  }
0x6: {  	s31 =	simm.s32 $0x4200;
	vm6 =	vcmask $0x1714;
	s6 =	simm.s32 $0x7200;
	s7 =	simm.s32 $0x8200;
	v1 =	vsel vm4, $0x180, v1;
	v2 =	vsel vm4, $0x2180, v2  }
0x7: {  	vm7 =	vcmask $0x1B18;
	s9 =	simm.s32 $0x9200;
	s10 =	simm.s32 $0xA200;
	s11 =	simm.s32 $0xB200;
	v1 =	vsel vm5, $0x200, v1;
	v2 =	vsel vm5, $0x2200, v2  }
0x8: {  	vm8 =	vcmask $0x1F1C;
	s12 =	simm.s32 $0xC200;
	s14 =	simm.s32 $0xD200;
	s21 =	simm.s32 $0xE200;
	v1 =	vsel vm6, $0x280, v1;
	v2 =	vsel vm6, $0x2280, v2  }
0x9: {  	vm9 =	vcmask $0x2320;
	s18 =	simm.s32 $0xF200;
	s13 =	simm.s32 $0x1;
	s28 =	simm.s32 $0x10200;
	v1 =	vsel vm7, $0x300, v1;
	v2 =	vsel vm7, $0x2300, v2  }
0xa: {  	vm10 =	vcmask $0x2724;
	s16 =	simm.s32 $0x2;
	s29 =	simm.s32 $0x3;
	s20 =	simm.s32 $0x10;
	v1 =	vsel vm8, $0x380, v1;
	v2 =	vsel vm8, $0x2380, v2  }
0xb: {  	vm11 =	vcmask $0x2B28;
	s2 =	sand.u32 $0x1, s2;
	s4 =	sshll.u32 s4, $0xA;
	[smem:$0x7FF] =	sst s5;
	v1 =	vsel vm9, $0x1000, v1;
	v2 =	vsel vm9, $0x3000, v2  }
0xc: {  	vm12 =	vcmask $0x2F2C;
	s5 =	simm.s32 $0x6200;
	s3 =	ssub.s32 $0x2, s2;
	s2 =	sshll.u32 s2, $0x9;
	v1 =	vsel vm10, $0x1080, v1;
	v2 =	vsel vm10, $0x3080, v2  }
0xd: {  	vm13 =	vcmask $0x3330;
	_ =	strace $0x80000047;
	s24 =	sshrl.u32 s3, $0x1;
	s2 =	sor.u32 s2, s4;
	v1 =	vsel vm11, $0x1100, v1;
	v2 =	vsel vm11, $0x3100, v2  }
0xe: {  	vm14 =	vcmask $0x3734;
	s3 =	ssub.s32 s3, s24;
	s4 =	sshrl.u32 s2, $0x3;
	s25 =	sadd.s32 s1, s2;
	v1 =	vsel vm12, $0x1180, v1;
	v2 =	vsel vm12, $0x3180, v2  }
0xf: {  	v0 =	vmul.u32 $0x80, v0;
	s2 =	simm.s32 $0x11;
	s0 =	sadd.s32 s0, s4;
	[dreg:$0x8] =	wrdreg s25;
	v1 =	vsel vm13, $0x1200, v1;
	v2 =	vsel vm13, $0x3200, v2  }
0x10: {  	vm15 =	vcmask $0x3B38;
	s1 =	simm.s32 $0x0;
	s26 =	smax.u32 s3, $0x1;
	[dreg:$0x7] =	wrdreg s0;
	v3 =	vsel vm14, $0x1280, v1;
	v4 =	vsel vm14, $0x3280, v2  }
0x11: {  	s4 =	simm.s32 $0x5200;
	[dreg:$0x9] =	wrdreg s26;
	s26 =	simm.s32 $0x3200;
	v1 =	vor.u32 $0x800, v0;
	v2 =	vsel vm15, $0x1300, v3;
	v3 =	vsel vm15, $0x3300, v4  }
.LBB2_1:
0x12: {  	[dreg:$0xa] =	wrdreg s1  }
0x13: {  	s1 =	simm.s32 $0x0;
	s0 =	rddreg [dreg:$0x7]  }
0x14: {  	[tilespmem:s1], [sflag:$0x11] =	stream.linear.gather [hbm4b:s0+s1], $0x200, $0x38;
	[tilespmem:$0x14200] =	vst v63  }
0x15: {  	_ =	swait.ge [sflag:s2], $0x200  }
0x16: {  	[sflag:s2] =	ssyncset.done $0x0  }
0x17: {  	[sflag:s2] =	ssyncadd.s32 $0xFFFFFE00  }
0x18: {  	v4 =	vld [tilespmem:$0x0];
	_ =	sdelay $0x4  }
0x19: {  	(v2sf) =	vpush v4, $0x0;
	_ =	sdelay $0x1  }
0x1a: {  	(v2sf) =	vpush v4, $0x1;
	_ =	sdelay $0x2  }
0x1b: {  	(v2sf) =	vpush v4, $0x2;
	_ =	sdelay $0x2  }
0x1c: {  	(v2sf) =	vpush v4, $0x3;
	_ =	sdelay $0x2  }
0x1d: {  	(v2sf) =	vpush v4, $0x4;
	_ =	sdelay $0x2  }
0x1e: {  	(v2sf) =	vpush v4, $0x5  }
0x1f: {  	s3 =	spop (v2sf)  }
0x20: {  	s2 =	simm.s32 $0x400;
	s0 =	sand.u32 $0xFFFFF80, s3  }
0x21: {  	s3 =	simm.s32 $0x7A1400;
	s17 =	spop (v2sf);
	s0 =	sadd.s32 s19, s0  }
0x22: {  	[tilespmem:s30], [sflag:$0x1] =	stream.strided.gather [hbm4b:s0+s2], $0x1000, s3, s2, $0x38;
	[tilespmem:$0x14200] =	vst v63  }
0x23: {  	(v2sf) =	vpush v4, $0x6;
	s0 =	sand.u32 $0xFFFFF80, s17  }
0x24: {  	s22 =	spop (v2sf);
	s0 =	sadd.s32 s19, s0  }
0x25: {  	(v2sf) =	vpush v4, $0x7;
	[tilespmem:s8], [sflag:$0x2] =	stream.strided.gather [hbm4b:s0+s2], $0x1000, s3, s2, $0x38;
	[tilespmem:$0x14200] =	vst v63  }
0x26: {  	s0 =	sand.u32 $0xFFFFF80, s22  }
0x27: {  	s23 =	spop (v2sf);
	s0 =	sadd.s32 s19, s0  }
0x28: {  	(v2sf) =	vpush v4, $0x8;
	[tilespmem:s15], [sflag:$0x3] =	stream.strided.gather [hbm4b:s0+s2], $0x1000, s3, s2, $0x38;
	[tilespmem:$0x14200] =	vst v63  }
0x29: {  	s0 =	sand.u32 $0xFFFFF80, s23  }
0x2a: {  	s24 =	spop (v2sf);
	s0 =	sadd.s32 s19, s0  }
0x2b: {  	(v2sf) =	vpush v4, $0x9;
	[tilespmem:s26], [sflag:$0x4] =	stream.strided.gather [hbm4b:s0+s2], $0x1000, s3, s2, $0x38;
	[tilespmem:$0x14200] =	vst v63  }
0x2c: {  	s0 =	sand.u32 $0xFFFFF80, s24  }
0x2d: {  	s25 =	spop (v2sf);
	s0 =	sadd.s32 s19, s0  }
0x2e: {  	(v2sf) =	vpush v4, $0xA;
	[tilespmem:s31], [sflag:$0x5] =	stream.strided.gather [hbm4b:s0+s2], $0x1000, s3, s2, $0x38;
	[tilespmem:$0x14200] =	vst v63  }
0x2f: {  	s0 =	sand.u32 $0xFFFFF80, s25  }
0x30: {  	s0 =	sadd.s32 s19, s0  }
0x31: {  	(v2sf) =	vpush v4, $0xB;
	[tilespmem:s4], [sflag:$0x6] =	stream.strided.gather [hbm4b:s0+s2], $0x1000, s3, s2, $0x38;
	[tilespmem:$0x14200] =	vst v63  }
0x32: {  	s4 =	spop (v2sf)  }
0x33: {  	s0 =	sand.u32 $0xFFFFF80, s4  }
0x34: {  	(v2sf) =	vpush v4, $0xC;
	s17 =	spop (v2sf);
	s0 =	sadd.s32 s19, s0  }
0x35: {  	[tilespmem:s5], [sflag:$0x7] =	stream.strided.gather [hbm4b:s0+s2], $0x1000, s3, s2, $0x38;
	[tilespmem:$0x14200] =	vst v63  }
0x36: {  	s0 =	sand.u32 $0xFFFFF80, s17  }
0x37: {  	(v2sf) =	vpush v4, $0xD;
	s22 =	spop (v2sf);
	s0 =	sadd.s32 s19, s0  }
0x38: {  	[tilespmem:s6], [sflag:$0x8] =	stream.strided.gather [hbm4b:s0+s2], $0x1000, s3, s2, $0x38;
	[tilespmem:$0x14200] =	vst v63  }
0x39: {  	s0 =	sand.u32 $0xFFFFF80, s22  }
0x3a: {  	(v2sf) =	vpush v4, $0xE;
	s23 =	spop (v2sf);
	s0 =	sadd.s32 s19, s0  }
0x3b: {  	[tilespmem:s7], [sflag:$0x9] =	stream.strided.gather [hbm4b:s0+s2], $0x1000, s3, s2, $0x38;
	[tilespmem:$0x14200] =	vst v63  }
0x3c: {  	s0 =	sand.u32 $0xFFFFF80, s23  }
0x3d: {  	(v2sf) =	vpush v4, $0xF;
	s24 =	spop (v2sf);
	s0 =	sadd.s32 s19, s0  }
0x3e: {  	[tilespmem:s9], [sflag:$0xA] =	stream.strided.gather [hbm4b:s0+s2], $0x1000, s3, s2, $0x38;
	[tilespmem:$0x14200] =	vst v63  }
0x3f: {  	s0 =	sand.u32 $0xFFFFF80, s24  }
0x40: {  	s25 =	spop (v2sf);
	s0 =	sadd.s32 s19, s0  }
0x41: {  	[tilespmem:s10], [sflag:$0xB] =	stream.strided.gather [hbm4b:s0+s2], $0x1000, s3, s2, $0x38;
	[tilespmem:$0x14200] =	vst v63  }
0x42: {  	s0 =	sand.u32 $0xFFFFF80, s25  }
0x43: {  	s4 =	spop (v2sf);
	s0 =	sadd.s32 s19, s0  }
0x44: {  	[tilespmem:s11], [sflag:$0xC] =	stream.strided.gather [hbm4b:s0+s2], $0x1000, s3, s2, $0x38;
	[tilespmem:$0x14200] =	vst v63  }
0x45: {  	s0 =	sand.u32 $0xFFFFF80, s4  }
0x46: {  	s5 =	spop (v2sf);
	s0 =	sadd.s32 s19, s0  }
0x47: {  	[tilespmem:s12], [sflag:$0xD] =	stream.strided.gather [hbm4b:s0+s2], $0x1000, s3, s2, $0x38;
	[tilespmem:$0x14200] =	vst v63  }
0x48: {  	s0 =	sand.u32 $0xFFFFF80, s5  }
0x49: {  	s6 =	spop (v2sf);
	s0 =	sadd.s32 s19, s0  }
0x4a: {  	[tilespmem:s14], [sflag:$0xE] =	stream.strided.gather [hbm4b:s0+s2], $0x1000, s3, s2, $0x38;
	[tilespmem:$0x14200] =	vst v63  }
0x4b: {  	s0 =	sand.u32 $0xFFFFF80, s6  }
0x4c: {  	s7 =	spop (v2sf);
	s0 =	sadd.s32 s19, s0  }
0x4d: {  	[tilespmem:s21], [sflag:$0xF] =	stream.strided.gather [hbm4b:s0+s2], $0x1000, s3, s2, $0x38;
	[tilespmem:$0x14200] =	vst v63  }
0x4e: {  	s0 =	sand.u32 $0xFFFFF80, s7  }
0x4f: {  	s0 =	sadd.s32 s19, s0  }
0x50: {  	[tilespmem:s18], [sflag:$0x10] =	stream.strided.gather [hbm4b:s0+s2], $0x1000, s3, s2, $0x38;
	[tilespmem:$0x14200] =	vst v63  }
0x51: {  	v4 =	vld [tilespmem:s1+$0x0];
	_ =	sdelay $0x4  }
0x52: {  	(v2sf) =	vpush v4, $0x0  }
0x53: {  	(v2sf) =	vpush v4, $0x2  }
0x54: {  	(v2sf) =	vpush v4, $0x1  }
0x55: {  	s9 =	smin.u32 s20, $0x1F0  }
0x56: {  	v5 =	vld [tilespmem:s9+$0x0];
	(v2sf) =	vpush v4, $0x3  }
0x57: {  	(v2sf) =	vpush v4, $0x4  }
0x58: {  	(v2sf) =	vpush v4, $0x5  }
0x59: {  	(v2sf) =	vpush v4, $0x6  }
0x5a: {  	p0 =	por $0x0, $0x0;
	(v2sf) =	vpush v4, $0x7  }
0x5b: {  	(v2sf) =	vpush @!p0 v5, $0x1  }
0x5c: {  	(v2sf) =	vpush @!p0 v5, $0x0;
	_ =	sdelay $0x1  }
0x5d: {  	(v2sf) =	vpush @!p0 v5, $0x2;
	_ =	sdelay $0x1  }
0x5e: {  	(v2sf) =	vpush @!p0 v5, $0x3  }
0x5f: {  	(v2sf) =	vpush @!p0 v5, $0x4;
	s10 =	spop (v2sf)  }
0x60: {  	(v2sf) =	vpush @!p0 v5, $0x5;
	s11 =	spop (v2sf)  }
0x61: {  	(v2sf) =	vpush @!p0 v5, $0x6;
	s25 =	spop (v2sf)  }
0x62: {  	s6 =	sand.u32 $0x7F, s10;
	_ =	swait.ge [sflag:s13], $0x1000  }
0x63: {  	s7 =	simm.s32 $0x0;
	v6 =	vor.u32 s6, v0;
	s0 =	spop (v2sf);
	(v2sf) =	vpush @!p0 v5, $0x7  }
0x64: {  	v8 =	vmov s7;
	v7 =	vor.u32 s6, v1;
	s2 =	spop (v2sf)  }
0x65: {  	v9 =	vshll.u32 v8, $0x3;
	(v2sf) =	vpush @!p0 v5, $0x8;
	s22 =	spop (v2sf)  }
0x66: {  	v8 =	vand.u32 $0x70, v8;
	v9 =	vand.u32 $0xC00, v9;
	[sflag:s13] =	ssyncset.done $0x0;
	s20 =	spop (v2sf)  }
0x67: {  	v8 =	vor.u32 v8, v9;
	[sflag:s13] =	ssyncadd.s32 $0xFFFFF000;
	(v2sf) =	vpush v4, $0x8;
	s17 =	spop (v2sf)  }
0x68: {  	v9 =	vor.u32 v2, v8;
	v6 =	vld.idx.msk [tilespmem:v6+s30+$0x0], $0xffff;
	(v2sf) =	vpush @!p0 v5, $0x9;
	s5 =	spop @!p0 (v2sf)  }
0x69: {  	v8 =	vor.u32 v3, v8;
	v7 =	vld.idx.msk [tilespmem:v7+s30+$0x0], $0xffff;
	(v2sf) =	vpush v4, $0x9;
	s4 =	spop @!p0 (v2sf)  }
0x6a: {  	s14 =	simm.s32 @!p0 $0x400;
	s6 =	simm.s32 @!p0 $0x200;
	(v2sf) =	vpush @!p0 v5, $0xA;
	s4 =	sand.u32 @!p0 $0xFFFFF80, s4  }
0x6b: {  	s13 =	simm.s32 @!p0 $0x7A1400;
	s7 =	spop @!p0 (v2sf);
	s4 =	sadd.s32 @!p0 s19, s4  }
0x6c: {  	(v2sf) =	vpush v4, $0xA;
	[tilespmem:s6], [sflag:$0x1] =	stream.strided.gather @!p0 [hbm4b:s4+s14], $0x1000, s13, s14, $0x38;
	[tilespmem:$0x14200] =	vst v63  }
0x6d: {  	s3 =	sand.u32 $0x7F, s25;
	(v2sf) =	vpush @!p0 v5, $0xB;
	s4 =	spop @!p0 (v2sf);
	[tilespmem:v9+s28+$0x0] =	vst.idx.msk $0xffff, v6  }
0x6e: {  	s9 =	simm.s32 $0x1;
	(v2sf) =	vpush v4, $0xB;
	v6 =	vor.u32 s3, v0;
	s25 =	spop @!p0 (v2sf);
	[tilespmem:v8+s28+$0x0] =	vst.idx.msk $0xffff, v7  }
0x6f: {  	v7 =	vor.u32 s3, v1;
	v8 =	vmov s9;
	_ =	swait.ge [sflag:s16], $0x1000  }
0x70: {  	v63 =	vshll.u32 v8, $0x3;
	s24 =	spop @!p0 (v2sf);
	(v2sf) =	vpush @!p0 v5, $0xC  }
0x71: {  	v8 =	vand.u32 $0x71, v8;
	[sflag:s16] =	ssyncset.done $0x0;
	v9 =	vand.u32 $0xC00, v63;
	s23 =	spop @!p0 (v2sf);
	(v2sf) =	vpush v4, $0xC  }
0x72: {  	[sflag:s16] =	ssyncadd.s32 $0xFFFFF000;
	v8 =	vor.u32 v8, v9;
	s12 =	spop @!p0 (v2sf);
	(v2sf) =	vpush @!p0 v5, $0xD  }
0x73: {  	s3 =	sand.u32 @!p0 $0xFFFFF80, s5;
	v6 =	vld.idx.msk [tilespmem:v6+s8+$0x0], $0xffff;
	v9 =	vor.u32 v2, v8;
	(v2sf) =	vpush v4, $0xD  }
0x74: {  	s5 =	simm.s32 @!p0 $0x1200;
	s3 =	sadd.s32 @!p0 s19, s3;
	v8 =	vor.u32 v3, v8;
	v7 =	vld.idx.msk [tilespmem:v7+s8+$0x0], $0xffff;
	s18 =	spop @!p0 (v2sf);
	(v2sf) =	vpush @!p0 v5, $0xE  }
0x75: {  	[tilespmem:s5], [sflag:$0x2] =	stream.strided.gather @!p0 [hbm4b:s3+s14], $0x1000, s13, s14, $0x38;
	[tilespmem:$0x14200] =	vst v63  }
0x76: {  	s21 =	spop (v2sf)  }
0x77: {  	s10 =	sand.u32 $0x7F, s11;
	(v2sf) =	vpush v4, $0xE;
	s16 =	spop @!p0 (v2sf)  }
0x78: {  	s11 =	simm.s32 $0x2;
	s1 =	spop (v2sf);
	(v2sf) =	vpush @!p0 v5, $0xF;
	[tilespmem:v9+s28+$0x0] =	vst.idx.msk $0xffff, v6;
	v6 =	vor.u32 s10, v0  }
0x79: {  	v5 =	vor.u32 s10, v1;
	s9 =	spop @!p0 (v2sf);
	(v2sf) =	vpush v4, $0xF;
	v4 =	vmov s11;
	[tilespmem:v8+s28+$0x0] =	vst.idx.msk $0xffff, v7  }
0x7a: {  	v7 =	vshll.u32 v4, $0x3;
	_ =	swait.ge [sflag:s29], $0x1000  }
0x7b: {  	v4 =	vand.u32 $0x72, v4;
	v7 =	vand.u32 $0xC00, v7;
	[sflag:s29] =	ssyncset.done $0x0;
	s11 =	spop (v2sf)  }
0x7c: {  	s3 =	sand.u32 @!p0 $0xFFFFF80, s7;
	v4 =	vor.u32 v4, v7;
	[sflag:s29] =	ssyncadd.s32 $0xFFFFF000;
	s8 =	spop @!p0 (v2sf)  }
0x7d: {  	s5 =	simm.s32 @!p0 $0x2200;
	s3 =	sadd.s32 @!p0 s19, s3;
	v7 =	vor.u32 v2, v4;
	v6 =	vld.idx.msk [tilespmem:v6+s15+$0x0], $0xffff;
	s10 =	spop (v2sf)  }
0x7e: {  	v4 =	vor.u32 v3, v4;
	v5 =	vld.idx.msk [tilespmem:v5+s15+$0x0], $0xffff;
	[tilespmem:s5], [sflag:$0x3] =	stream.strided.gather @!p0 [hbm4b:s3+s14], $0x1000, s13, s14, $0x38  }
0x7f: {  	s6 =	spop @!p0 (v2sf)  }
0x80: {  	s15 =	spop (v2sf)  }
0x81: {  	s0 =	sand.u32 $0x7F, s0;
	s3 =	spop @!p0 (v2sf)  }
0x82: {  	s5 =	simm.s32 $0x3;
	[tilespmem:v7+s28+$0x0] =	vst.idx.msk $0xffff, v6;
	v6 =	vor.u32 s0, v0;
	s7 =	spop (v2sf)  }
0x83: {  	[tilespmem:v4+s28+$0x0] =	vst.idx.msk $0xffff, v5;
	v4 =	vor.u32 s0, v1;
	v5 =	vmov s5;
	s5 =	simm.s32 $0x4;
	s0 =	spop @!p0 (v2sf)  }
0x84: {  	v7 =	vshll.u32 v5, $0x3;
	_ =	swait.ge [sflag:s5], $0x1000  }
0x85: {  	v5 =	vand.u32 $0x73, v5;
	v7 =	vand.u32 $0xC00, v7;
	[sflag:s5] =	ssyncset.done $0x0  }
0x86: {  	v5 =	vor.u32 v5, v7;
	[sflag:s5] =	ssyncadd.s32 $0xFFFFF000  }
0x87: {  	v7 =	vor.u32 v2, v5;
	v6 =	vld.idx.msk [tilespmem:v6+s26+$0x0], $0xffff  }
0x88: {  	v5 =	vor.u32 v3, v5;
	v4 =	vld.idx.msk [tilespmem:v4+s26+$0x0], $0xffff  }
0x89: {  	s26 =	sand.u32 $0x7F, s2;
	s2 =	sand.u32 @!p0 $0xFFFFF80, s4  }
0x8a: {  	s5 =	spop (v2sf);
	s4 =	simm.s32 @!p0 $0x3200;
	s2 =	sadd.s32 @!p0 s19, s2  }
0x8b: {  	[tilespmem:s4], [sflag:$0x4] =	stream.strided.gather @!p0 [hbm4b:s2+s14], $0x1000, s13, s14, $0x38;
	[tilespmem:$0x14200] =	vst v63  }
0x8c: {  	s29 =	simm.s32 $0x4;
	s2 =	spop @!p0 (v2sf);
	[tilespmem:v7+s28+$0x0] =	vst.idx.msk $0xffff, v6;
	v6 =	vor.u32 s26, v0  }
0x8d: {  	s4 =	spop (v2sf);
	v7 =	vor.u32 s26, v1;
	s26 =	simm.s32 $0x5;
	[tilespmem:v5+s28+$0x0] =	vst.idx.msk $0xffff, v4;
	v4 =	vmov s29  }
0x8e: {  	_ =	swait.ge [sflag:s26], $0x1000;
	v5 =	vshll.u32 v4, $0x3  }
0x8f: {  	v4 =	vand.u32 $0x74, v4;
	[sflag:s26] =	ssyncset.done $0x0;
	v5 =	vand.u32 $0xC00, v5  }
0x90: {  	[sflag:s26] =	ssyncadd.s32 $0xFFFFF000;
	v4 =	vor.u32 v4, v5  }
0x91: {  	v5 =	vld.idx.msk [tilespmem:v6+s31+$0x0], $0xffff;
	v6 =	vor.u32 v2, v4  }
0x92: {  	v7 =	vld.idx.msk [tilespmem:v7+s31+$0x0], $0xffff;
	v4 =	vor.u32 v3, v4  }
0x93: {  	s25 =	sand.u32 @!p0 $0xFFFFF80, s25  }
0x94: {  	s22 =	sand.u32 $0x7F, s22;
	s25 =	sadd.s32 @!p0 s19, s25;
	s26 =	simm.s32 @!p0 $0x4200  }
0x95: {  	[tilespmem:s26], [sflag:$0x5] =	stream.strided.gather @!p0 [hbm4b:s25+s14], $0x1000, s13, s14, $0x38;
	[tilespmem:$0x14200] =	vst v63  }
0x96: {  	s31 =	simm.s32 $0x5;
	[tilespmem:v6+s28+$0x0] =	vst.idx.msk $0xffff, v5;
	v5 =	vor.u32 s22, v0  }
0x97: {  	s25 =	simm.s32 $0x6;
	v6 =	vor.u32 s22, v1;
	[tilespmem:v4+s28+$0x0] =	vst.idx.msk $0xffff, v7;
	v4 =	vmov s31  }
0x98: {  	_ =	swait.ge [sflag:s25], $0x1000;
	v7 =	vshll.u32 v4, $0x3  }
0x99: {  	v4 =	vand.u32 $0x75, v4;
	[sflag:s25] =	ssyncset.done $0x0;
	v7 =	vand.u32 $0xC00, v7  }
0x9a: {  	s26 =	simm.s32 $0x5200;
	[sflag:s25] =	ssyncadd.s32 $0xFFFFF000;
	v4 =	vor.u32 v4, v7  }
0x9b: {  	v5 =	vld.idx.msk [tilespmem:v5+s26+$0x0], $0xffff;
	v7 =	vor.u32 v2, v4  }
0x9c: {  	v6 =	vld.idx.msk [tilespmem:v6+s26+$0x0], $0xffff;
	v4 =	vor.u32 v3, v4  }
0x9d: {  	s22 =	sand.u32 @!p0 $0xFFFFF80, s24  }
0x9e: {  	s20 =	sand.u32 $0x7F, s20;
	s24 =	simm.s32 @!p0 $0x5200;
	s22 =	sadd.s32 @!p0 s19, s22  }
0x9f: {  	[tilespmem:s24], [sflag:$0x6] =	stream.strided.gather @!p0 [hbm4b:s22+s14], $0x1000, s13, s14, $0x38;
	[tilespmem:$0x14200] =	vst v63  }
0xa0: {  	s31 =	simm.s32 $0x6;
	[tilespmem:v7+s28+$0x0] =	vst.idx.msk $0xffff, v5;
	v5 =	vor.u32 s20, v0  }
0xa1: {  	s22 =	simm.s32 $0x7;
	v7 =	vor.u32 s20, v1;
	[tilespmem:v4+s28+$0x0] =	vst.idx.msk $0xffff, v6;
	v4 =	vmov s31  }
0xa2: {  	_ =	swait.ge [sflag:s22], $0x1000;
	v6 =	vshll.u32 v4, $0x3  }
0xa3: {  	v4 =	vand.u32 $0x76, v4;
	[sflag:s22] =	ssyncset.done $0x0;
	v6 =	vand.u32 $0xC00, v6  }
0xa4: {  	s24 =	simm.s32 $0x6200;
	[sflag:s22] =	ssyncadd.s32 $0xFFFFF000;
	v4 =	vor.u32 v4, v6  }
0xa5: {  	v5 =	vld.idx.msk [tilespmem:v5+s24+$0x0], $0xffff;
	v6 =	vor.u32 v2, v4  }
0xa6: {  	v7 =	vld.idx.msk [tilespmem:v7+s24+$0x0], $0xffff;
	v4 =	vor.u32 v3, v4  }
0xa7: {  	s20 =	sand.u32 @!p0 $0xFFFFF80, s23  }
0xa8: {  	s17 =	sand.u32 $0x7F, s17;
	s20 =	sadd.s32 @!p0 s19, s20;
	s22 =	simm.s32 @!p0 $0x6200  }
0xa9: {  	[tilespmem:s22], [sflag:$0x7] =	stream.strided.gather @!p0 [hbm4b:s20+s14], $0x1000, s13, s14, $0x38;
	[tilespmem:$0x14200] =	vst v63  }
0xaa: {  	s25 =	simm.s32 $0x7;
	[tilespmem:v6+s28+$0x0] =	vst.idx.msk $0xffff, v5;
	v5 =	vor.u32 s17, v0  }
0xab: {  	s26 =	simm.s32 $0x8;
	v6 =	vor.u32 s17, v1;
	[tilespmem:v4+s28+$0x0] =	vst.idx.msk $0xffff, v7;
	v4 =	vmov s25  }
0xac: {  	_ =	swait.ge [sflag:s26], $0x1000;
	v7 =	vshll.u32 v4, $0x3  }
0xad: {  	v4 =	vand.u32 $0x77, v4;
	[sflag:s26] =	ssyncset.done $0x0;
	v7 =	vand.u32 $0xC00, v7  }
0xae: {  	s31 =	simm.s32 $0x7200;
	[sflag:s26] =	ssyncadd.s32 $0xFFFFF000;
	v4 =	vor.u32 v4, v7  }
0xaf: {  	v5 =	vld.idx.msk [tilespmem:v5+s31+$0x0], $0xffff;
	v7 =	vor.u32 v2, v4  }
0xb0: {  	s12 =	sand.u32 @!p0 $0xFFFFF80, s12;
	v6 =	vld.idx.msk [tilespmem:v6+s31+$0x0], $0xffff;
	v4 =	vor.u32 v3, v4  }
0xb1: {  	s12 =	sadd.s32 @!p0 s19, s12;
	s17 =	simm.s32 @!p0 $0x7200  }
0xb2: {  	[tilespmem:s17], [sflag:$0x8] =	stream.strided.gather @!p0 [hbm4b:s12+s14], $0x1000, s13, s14, $0x38;
	[tilespmem:$0x14200] =	vst v63  }
0xb3: {  	s17 =	sand.u32 $0x7F, s21  }
0xb4: {  	s21 =	simm.s32 $0x8;
	[tilespmem:v7+s28+$0x0] =	vst.idx.msk $0xffff, v5;
	v5 =	vor.u32 s17, v0  }
0xb5: {  	s22 =	simm.s32 $0x9;
	v7 =	vor.u32 s17, v1;
	[tilespmem:v4+s28+$0x0] =	vst.idx.msk $0xffff, v6;
	v4 =	vmov s21  }
0xb6: {  	_ =	swait.ge [sflag:s22], $0x1000;
	v6 =	vshll.u32 v4, $0x3  }
0xb7: {  	v4 =	vand.u32 $0x78, v4;
	[sflag:s22] =	ssyncset.done $0x0;
	v6 =	vand.u32 $0xC00, v6  }
0xb8: {  	s24 =	simm.s32 $0x8200;
	[sflag:s22] =	ssyncadd.s32 $0xFFFFF000;
	v4 =	vor.u32 v4, v6  }
0xb9: {  	v5 =	vld.idx.msk [tilespmem:v5+s24+$0x0], $0xffff;
	v6 =	vor.u32 v2, v4  }
0xba: {  	v7 =	vld.idx.msk [tilespmem:v7+s24+$0x0], $0xffff;
	v4 =	vor.u32 v3, v4  }
0xbb: {  	s12 =	sand.u32 @!p0 $0xFFFFF80, s18  }
0xbc: {  	s1 =	sand.u32 $0x7F, s1;
	s12 =	sadd.s32 @!p0 s19, s12;
	s17 =	simm.s32 @!p0 $0x8200  }
0xbd: {  	[tilespmem:s17], [sflag:$0x9] =	stream.strided.gather @!p0 [hbm4b:s12+s14], $0x1000, s13, s14, $0x38;
	[tilespmem:$0x14200] =	vst v63  }
0xbe: {  	s25 =	simm.s32 $0x9;
	[tilespmem:v6+s28+$0x0] =	vst.idx.msk $0xffff, v5;
	v5 =	vor.u32 s1, v0  }
0xbf: {  	s26 =	simm.s32 $0xA;
	v6 =	vor.u32 s1, v1;
	[tilespmem:v4+s28+$0x0] =	vst.idx.msk $0xffff, v7;
	v4 =	vmov s25  }
0xc0: {  	_ =	swait.ge [sflag:s26], $0x1000;
	v7 =	vshll.u32 v4, $0x3  }
0xc1: {  	v4 =	vand.u32 $0x79, v4;
	[sflag:s26] =	ssyncset.done $0x0;
	v7 =	vand.u32 $0xC00, v7  }
0xc2: {  	s31 =	simm.s32 $0x9200;
	[sflag:s26] =	ssyncadd.s32 $0xFFFFF000;
	v4 =	vor.u32 v4, v7  }
0xc3: {  	v5 =	vld.idx.msk [tilespmem:v5+s31+$0x0], $0xffff;
	v7 =	vor.u32 v2, v4  }
0xc4: {  	v6 =	vld.idx.msk [tilespmem:v6+s31+$0x0], $0xffff;
	v4 =	vor.u32 v3, v4  }
0xc5: {  	s1 =	sand.u32 @!p0 $0xFFFFF80, s16  }
0xc6: {  	s12 =	simm.s32 @!p0 $0x9200;
	s17 =	sand.u32 $0x7F, s11;
	s1 =	sadd.s32 @!p0 s19, s1  }
0xc7: {  	[tilespmem:s12], [sflag:$0xA] =	stream.strided.gather @!p0 [hbm4b:s1+s14], $0x1000, s13, s14, $0x38;
	[tilespmem:$0x14200] =	vst v63  }
0xc8: {  	s21 =	simm.s32 $0xA;
	[tilespmem:v7+s28+$0x0] =	vst.idx.msk $0xffff, v5;
	v5 =	vor.u32 s17, v0  }
0xc9: {  	s24 =	simm.s32 $0xB;
	v7 =	vor.u32 s17, v1;
	[tilespmem:v4+s28+$0x0] =	vst.idx.msk $0xffff, v6;
	v4 =	vmov s21  }
0xca: {  	_ =	swait.ge [sflag:s24], $0x1000;
	v6 =	vshll.u32 v4, $0x3  }
0xcb: {  	v4 =	vand.u32 $0x7A, v4;
	[sflag:s24] =	ssyncset.done $0x0;
	v6 =	vand.u32 $0xC00, v6  }
0xcc: {  	s22 =	simm.s32 $0xA200;
	[sflag:s24] =	ssyncadd.s32 $0xFFFFF000;
	v4 =	vor.u32 v4, v6  }
0xcd: {  	v5 =	vld.idx.msk [tilespmem:v5+s22+$0x0], $0xffff;
	v6 =	vor.u32 v2, v4  }
0xce: {  	v7 =	vld.idx.msk [tilespmem:v7+s22+$0x0], $0xffff;
	v4 =	vor.u32 v3, v4  }
0xcf: {  	s1 =	sand.u32 @!p0 $0xFFFFF80, s9  }
0xd0: {  	s26 =	sand.u32 $0x7F, s10;
	s9 =	simm.s32 @!p0 $0xA200;
	s1 =	sadd.s32 @!p0 s19, s1  }
0xd1: {  	[tilespmem:s9], [sflag:$0xB] =	stream.strided.gather @!p0 [hbm4b:s1+s14], $0x1000, s13, s14, $0x38;
	[tilespmem:$0x14200] =	vst v63  }
0xd2: {  	s31 =	simm.s32 $0xB;
	[tilespmem:v6+s28+$0x0] =	vst.idx.msk $0xffff, v5;
	v5 =	vor.u32 s26, v0  }
0xd3: {  	s9 =	simm.s32 $0xC;
	v6 =	vor.u32 s26, v1;
	[tilespmem:v4+s28+$0x0] =	vst.idx.msk $0xffff, v7;
	v4 =	vmov s31  }
0xd4: {  	_ =	swait.ge [sflag:s9], $0x1000;
	v7 =	vshll.u32 v4, $0x3  }
0xd5: {  	v4 =	vand.u32 $0x7B, v4;
	[sflag:s9] =	ssyncset.done $0x0;
	v7 =	vand.u32 $0xC00, v7  }
0xd6: {  	s25 =	simm.s32 $0xB200;
	[sflag:s9] =	ssyncadd.s32 $0xFFFFF000;
	v4 =	vor.u32 v4, v7  }
0xd7: {  	v5 =	vld.idx.msk [tilespmem:v5+s25+$0x0], $0xffff;
	v7 =	vor.u32 v2, v4  }
0xd8: {  	v6 =	vld.idx.msk [tilespmem:v6+s25+$0x0], $0xffff;
	v4 =	vor.u32 v3, v4  }
0xd9: {  	s1 =	sand.u32 @!p0 $0xFFFFF80, s8  }
0xda: {  	s10 =	sand.u32 $0x7F, s15;
	s8 =	simm.s32 @!p0 $0xB200;
	s1 =	sadd.s32 @!p0 s19, s1  }
0xdb: {  	[tilespmem:s8], [sflag:$0xC] =	stream.strided.gather @!p0 [hbm4b:s1+s14], $0x1000, s13, s14, $0x38;
	[tilespmem:$0x14200] =	vst v63  }
0xdc: {  	s11 =	simm.s32 $0xC;
	[tilespmem:v7+s28+$0x0] =	vst.idx.msk $0xffff, v5;
	v5 =	vor.u32 s10, v0  }
0xdd: {  	s15 =	simm.s32 $0xD;
	v7 =	vor.u32 s10, v1;
	[tilespmem:v4+s28+$0x0] =	vst.idx.msk $0xffff, v6;
	v4 =	vmov s11  }
0xde: {  	_ =	swait.ge [sflag:s15], $0x1000;
	v6 =	vshll.u32 v4, $0x3  }
0xdf: {  	v4 =	vand.u32 $0x7C, v4;
	[sflag:s15] =	ssyncset.done $0x0;
	v6 =	vand.u32 $0xC00, v6  }
0xe0: {  	s16 =	simm.s32 $0xC200;
	[sflag:s15] =	ssyncadd.s32 $0xFFFFF000;
	v4 =	vor.u32 v4, v6  }
0xe1: {  	v5 =	vld.idx.msk [tilespmem:v5+s16+$0x0], $0xffff;
	v6 =	vor.u32 v2, v4  }
0xe2: {  	s1 =	sand.u32 @!p0 $0xFFFFF80, s6;
	v7 =	vld.idx.msk [tilespmem:v7+s16+$0x0], $0xffff;
	v4 =	vor.u32 v3, v4  }
0xe3: {  	s6 =	simm.s32 @!p0 $0xC200;
	s1 =	sadd.s32 @!p0 s19, s1  }
0xe4: {  	[tilespmem:s6], [sflag:$0xD] =	stream.strided.gather @!p0 [hbm4b:s1+s14], $0x1000, s13, s14, $0x38;
	[tilespmem:$0x14200] =	vst v63  }
0xe5: {  	s16 =	sand.u32 $0x7F, s7  }
0xe6: {  	s17 =	simm.s32 $0xD;
	[tilespmem:v6+s28+$0x0] =	vst.idx.msk $0xffff, v5;
	v5 =	vor.u32 s16, v0  }
0xe7: {  	s21 =	simm.s32 $0xE;
	v6 =	vor.u32 s16, v1;
	[tilespmem:v4+s28+$0x0] =	vst.idx.msk $0xffff, v7;
	v4 =	vmov s17  }
0xe8: {  	_ =	swait.ge [sflag:s21], $0x1000;
	v7 =	vshll.u32 v4, $0x3  }
0xe9: {  	v4 =	vand.u32 $0x7D, v4;
	[sflag:s21] =	ssyncset.done $0x0;
	v7 =	vand.u32 $0xC00, v7  }
0xea: {  	s23 =	simm.s32 $0xD200;
	[sflag:s21] =	ssyncadd.s32 $0xFFFFF000;
	v4 =	vor.u32 v4, v7  }
0xeb: {  	v5 =	vld.idx.msk [tilespmem:v5+s23+$0x0], $0xffff;
	v7 =	vor.u32 v2, v4  }
0xec: {  	v6 =	vld.idx.msk [tilespmem:v6+s23+$0x0], $0xffff;
	v4 =	vor.u32 v3, v4  }
0xed: {  	s1 =	sand.u32 @!p0 $0xFFFFF80, s3  }
0xee: {  	s22 =	sand.u32 $0x7F, s5;
	s3 =	simm.s32 @!p0 $0xD200;
	s1 =	sadd.s32 @!p0 s19, s1  }
0xef: {  	[tilespmem:s3], [sflag:$0xE] =	stream.strided.gather @!p0 [hbm4b:s1+s14], $0x1000, s13, s14, $0x38;
	[tilespmem:$0x14200] =	vst v63  }
0xf0: {  	s23 =	simm.s32 $0xE;
	[tilespmem:v7+s28+$0x0] =	vst.idx.msk $0xffff, v5;
	v5 =	vor.u32 s22, v0  }
0xf1: {  	s24 =	simm.s32 $0xF;
	v7 =	vor.u32 s22, v1;
	[tilespmem:v4+s28+$0x0] =	vst.idx.msk $0xffff, v6;
	v4 =	vmov s23  }
0xf2: {  	_ =	swait.ge [sflag:s24], $0x1000;
	v6 =	vshll.u32 v4, $0x3  }
0xf3: {  	v4 =	vand.u32 $0x7E, v4;
	[sflag:s24] =	ssyncset.done $0x0;
	v6 =	vand.u32 $0xC00, v6  }
0xf4: {  	s20 =	simm.s32 $0xE200;
	[sflag:s24] =	ssyncadd.s32 $0xFFFFF000;
	v4 =	vor.u32 v4, v6  }
0xf5: {  	v5 =	vld.idx.msk [tilespmem:v5+s20+$0x0], $0xffff;
	v6 =	vor.u32 v2, v4  }
0xf6: {  	v7 =	vld.idx.msk [tilespmem:v7+s20+$0x0], $0xffff;
	v4 =	vor.u32 v3, v4  }
0xf7: {  	s0 =	sand.u32 @!p0 $0xFFFFF80, s0  }
0xf8: {  	s0 =	sadd.s32 @!p0 s19, s0;
	s26 =	sand.u32 $0x7F, s4;
	s1 =	simm.s32 @!p0 $0xE200  }
0xf9: {  	[tilespmem:s1], [sflag:$0xF] =	stream.strided.gather @!p0 [hbm4b:s0+s14], $0x1000, s13, s14, $0x38;
	[tilespmem:$0x14200] =	vst v63  }
0xfa: {  	[tilespmem:v6+s28+$0x0] =	vst.idx.msk $0xffff, v5;
	v5 =	vor.u32 s26, v0  }
0xfb: {  	s25 =	simm.s32 $0x10;
	[tilespmem:v4+s28+$0x0] =	vst.idx.msk $0xffff, v7;
	v4 =	vor.u32 s26, v1  }
0xfc: {  	s31 =	simm.s32 $0xF;
	_ =	swait.ge [sflag:s25], $0x1000  }
0xfd: {  	v6 =	vmov s31;
	[sflag:s25] =	ssyncset.done $0x0  }
0xfe: {  	s18 =	simm.s32 $0xF200;
	s1 =	sand.u32 @!p0 $0xFFFFF80, s2;
	v7 =	vshll.u32 v6, $0x3;
	[sflag:s25] =	ssyncadd.s32 $0xFFFFF000  }
0xff: {  	s0 =	sadd.s32 @!p0 s19, s1;
	s1 =	simm.s32 @!p0 $0xF200;
	v6 =	vand.u32 $0x7F, v6;
	v7 =	vand.u32 $0xC00, v7;
	v5 =	vld.idx.msk [tilespmem:v5+s18+$0x0], $0xffff  }
0x100: {  	v6 =	vor.u32 v6, v7;
	v4 =	vld.idx.msk [tilespmem:v4+s18+$0x0], $0xffff;
	[tilespmem:s1], [sflag:$0x10] =	stream.strided.gather @!p0 [hbm4b:s0+s14], $0x1000, s13, s14, $0x38  }
0x101: {  	s29 =	simm.s32 $0x0;
	v7 =	vor.u32 v2, v6;
	v6 =	vor.u32 v3, v6;
	s13 =	simm.s32 $0x20  }
.LBB2_2:
0x102: {  	_ =	sdelay $0x3  }
0x103: {  	[tilespmem:v7+s28+$0x0] =	vst.idx.msk $0xffff, v5  }
0x104: {  	s29 =	sadd.s32 $0x10, s29;
	[tilespmem:v6+s28+$0x0] =	vst.idx.msk $0xffff, v4  }
0x105: {  	v4 =	vld [tilespmem:s29+$0x0];
	_ =	sdelay $0x4  }
0x106: {  	(v2sf) =	vpush v4, $0x0  }
0x107: {  	(v2sf) =	vpush v4, $0x2  }
0x108: {  	s15 =	smov.u32 s13;
	(v2sf) =	vpush v4, $0x1  }
0x109: {  	s0 =	smin.u32 s15, $0x1F0  }
0x10a: {  	v5 =	vld [tilespmem:s0+$0x0];
	(v2sf) =	vpush v4, $0x3  }
0x10b: {  	(v2sf) =	vpush v4, $0x4  }
0x10c: {  	(v2sf) =	vpush v4, $0x5  }
0x10d: {  	(v2sf) =	vpush v4, $0x6  }
0x10e: {  	p1 =	seq.s32 s15, $0x200;
	(v2sf) =	vpush v4, $0x7  }
0x10f: {  	(v2sf) =	vpush @!p1 v5, $0x1  }
0x110: {  	(v2sf) =	vpush @!p1 v5, $0x0;
	_ =	sdelay $0x1  }
0x111: {  	(v2sf) =	vpush @!p1 v5, $0x2;
	_ =	sdelay $0x1  }
0x112: {  	(v2sf) =	vpush @!p1 v5, $0x3  }
0x113: {  	(v2sf) =	vpush @!p1 v5, $0x4;
	s25 =	spop (v2sf)  }
0x114: {  	s1 =	spop (v2sf);
	(v2sf) =	vpush @!p1 v5, $0x5  }
0x115: {  	s3 =	simm.s32 $0x1;
	s5 =	spop (v2sf);
	(v2sf) =	vpush @!p1 v5, $0x6  }
0x116: {  	s0 =	sand.u32 $0x7F, s25;
	_ =	swait.ge [sflag:s3], $0x1000  }
0x117: {  	s2 =	sadd.s32 $0xFFFFFFF0, s15;
	v6 =	vor.u32 s0, v0;
	s6 =	spop (v2sf);
	(v2sf) =	vpush @!p1 v5, $0x7  }
0x118: {  	v8 =	vmov s2;
	v7 =	vor.u32 s0, v1;
	s7 =	spop (v2sf)  }
0x119: {  	s14 =	simm.s32 $0x2;
	v9 =	vshll.u32 v8, $0x3;
	s8 =	spop (v2sf)  }
0x11a: {  	s21 =	simm.s32 $0x1200;
	v8 =	vand.u32 $0x70, v8;
	v9 =	vand.u32 $0xC00, v9;
	[sflag:s3] =	ssyncset.done $0x0;
	s9 =	spop (v2sf);
	(v2sf) =	vpush @!p1 v5, $0x8  }
0x11b: {  	s12 =	sadd.s32 $0xFFFFFFF1, s15;
	v8 =	vor.u32 v8, v9;
	[sflag:s3] =	ssyncadd.s32 $0xFFFFF000;
	s11 =	spop (v2sf);
	(v2sf) =	vpush v4, $0x8  }
0x11c: {  	s16 =	simm.s32 @!p1 $0x7A1400;
	s4 =	simm.s32 @!p1 $0x200;
	v9 =	vor.u32 v2, v8;
	v6 =	vld.idx.msk [tilespmem:v6+s30+$0x0], $0xffff;
	s2 =	spop @!p1 (v2sf);
	(v2sf) =	vpush @!p1 v5, $0x9  }
0x11d: {  	v8 =	vor.u32 v3, v8;
	s26 =	sand.u32 $0x7F, s1;
	s1 =	sand.u32 $0x7F, s5;
	v7 =	vld.idx.msk [tilespmem:v7+s30+$0x0], $0xffff;
	s5 =	spop @!p1 (v2sf);
	(v2sf) =	vpush v4, $0x9  }
0x11e: {  	s17 =	simm.s32 @!p1 $0x400;
	s18 =	sand.u32 $0x7F, s6;
	s5 =	sand.u32 @!p1 $0xFFFFF80, s5;
	(v2sf) =	vpush @!p1 v5, $0xA  }
0x11f: {  	s10 =	sand.u32 $0x7F, s7;
	s6 =	spop @!p1 (v2sf);
	s5 =	sadd.s32 @!p1 s19, s5  }
0x120: {  	(v2sf) =	vpush v4, $0xA;
	[tilespmem:s4], [sflag:$0x1] =	stream.strided.gather @!p1 [hbm4b:s5+s17], $0x1000, s16, s17, $0x38;
	[tilespmem:$0x14200] =	vst v63  }
0x121: {  	s7 =	sand.u32 $0x7F, s8;
	s5 =	sand.u32 @!p1 $0xFFFFF80, s6;
	s6 =	spop @!p1 (v2sf);
	(v2sf) =	vpush @!p1 v5, $0xB;
	[tilespmem:v9+s28+$0x0] =	vst.idx.msk $0xffff, v6  }
0x122: {  	s31 =	sand.u32 $0x7F, s11;
	s2 =	sand.u32 @!p1 $0xFFFFF80, s2;
	v6 =	vor.u32 s1, v0;
	s4 =	spop @!p1 (v2sf);
	(v2sf) =	vpush v4, $0xB;
	[tilespmem:v8+s28+$0x0] =	vst.idx.msk $0xffff, v7  }
0x123: {  	s20 =	sadd.s32 @!p1 s19, s5;
	v7 =	vor.u32 s1, v1;
	s4 =	sand.u32 @!p1 $0xFFFFF80, s4;
	_ =	swait.ge [sflag:s14], $0x1000  }
0x124: {  	v8 =	vmov s12;
	s12 =	sadd.s32 @!p1 s19, s4;
	[sflag:s14] =	ssyncset.done $0x0;
	s4 =	spop @!p1 (v2sf)  }
0x125: {  	v63 =	vshll.u32 v8, $0x3;
	[sflag:s14] =	ssyncadd.s32 $0xFFFFF000;
	s4 =	sand.u32 @!p1 $0xFFFFF80, s4;
	s5 =	spop @!p1 (v2sf);
	(v2sf) =	vpush @!p1 v5, $0xC  }
0x126: {  	v8 =	vand.u32 $0x71, v8;
	v9 =	vand.u32 $0xC00, v63;
	s11 =	sadd.s32 @!p1 s19, s4;
	s4 =	sand.u32 @!p1 $0xFFFFF80, s5;
	s5 =	spop @!p1 (v2sf);
	(v2sf) =	vpush v4, $0xC  }
0x127: {  	s2 =	sadd.s32 @!p1 s19, s2;
	s1 =	sand.u32 @!p1 $0xFFFFF80, s6;
	s6 =	simm.s32 @!p1 $0x1200;
	v8 =	vor.u32 v8, v9;
	v6 =	vld.idx.msk [tilespmem:v6+s21+$0x0], $0xffff;
	(v2sf) =	vpush @!p1 v5, $0xD  }
0x128: {  	v9 =	vor.u32 v2, v8;
	v7 =	vld.idx.msk [tilespmem:v7+s21+$0x0], $0xffff;
	[tilespmem:s6], [sflag:$0x2] =	stream.strided.gather @!p1 [hbm4b:s2+s17], $0x1000, s16, s17, $0x38;
	(v2sf) =	vpush v4, $0xD  }
0x129: {  	s3 =	sand.u32 $0x7F, s9;
	v8 =	vor.u32 v3, v8;
	s9 =	sadd.s32 @!p1 s19, s4;
	s2 =	spop @!p1 (v2sf);
	(v2sf) =	vpush @!p1 v5, $0xE  }
0x12a: {  	s4 =	sand.u32 @!p1 $0xFFFFF80, s5;
	s2 =	sand.u32 @!p1 $0xFFFFF80, s2;
	s22 =	spop (v2sf)  }
0x12b: {  	s8 =	sadd.s32 @!p1 s19, s4;
	s4 =	sadd.s32 @!p1 s19, s2;
	s2 =	spop @!p1 (v2sf)  }
0x12c: {  	(v2sf) =	vpush v4, $0xE;
	s2 =	sand.u32 @!p1 $0xFFFFF80, s2;
	s21 =	spop (v2sf)  }
0x12d: {  	s23 =	sadd.s32 $0xFFFFFFF2, s15;
	[tilespmem:v9+s28+$0x0] =	vst.idx.msk $0xffff, v6;
	v6 =	vor.u32 s26, v0;
	(v2sf) =	vpush @!p1 v5, $0xF;
	v5 =	vor.u32 s26, v1;
	s26 =	sadd.s32 @!p1 s19, s2;
	s2 =	spop @!p1 (v2sf)  }
0x12e: {  	s24 =	simm.s32 $0x3;
	[tilespmem:v8+s28+$0x0] =	vst.idx.msk $0xffff, v7;
	v7 =	vmov s23;
	s5 =	sand.u32 $0x7F, s21;
	(v2sf) =	vpush v4, $0xF;
	s21 =	sand.u32 @!p1 $0xFFFFF80, s2  }
0x12f: {  	v4 =	vshll.u32 v7, $0x3;
	_ =	swait.ge [sflag:s24], $0x1000;
	s14 =	sadd.s32 @!p1 s19, s21  }
0x130: {  	v7 =	vand.u32 $0x72, v7;
	v4 =	vand.u32 $0xC00, v4;
	s25 =	spop (v2sf);
	[sflag:s24] =	ssyncset.done $0x0;
	[dreg:$0x6] =	wrdreg s14  }
0x131: {  	v4 =	vor.u32 v7, v4;
	[sflag:s24] =	ssyncadd.s32 $0xFFFFF000;
	s21 =	spop @!p1 (v2sf);
	s14 =	simm.s32 $0x2200  }
0x132: {  	s6 =	sand.u32 $0x7F, s22;
	s23 =	simm.s32 @!p1 $0x2200;
	v7 =	vor.u32 v2, v4;
	v6 =	vld.idx.msk [tilespmem:v6+s14+$0x0], $0xffff;
	s22 =	spop (v2sf)  }
0x133: {  	v4 =	vor.u32 v3, v4;
	v5 =	vld.idx.msk [tilespmem:v5+s14+$0x0], $0xffff;
	[tilespmem:s23], [sflag:$0x3] =	stream.strided.gather @!p1 [hbm4b:s20+s17], $0x1000, s16, s17, $0x38  }
0x134: {  	s2 =	sand.u32 $0x7F, s25;
	s21 =	sand.u32 @!p1 $0xFFFFF80, s21;
	s20 =	spop @!p1 (v2sf)  }
0x135: {  	s0 =	sadd.s32 @!p1 s19, s21;
	s20 =	sand.u32 @!p1 $0xFFFFF80, s20;
	s23 =	spop (v2sf)  }
0x136: {  	s25 =	sand.u32 $0x7F, s23;
	s23 =	sadd.s32 @!p1 s19, s20;
	s20 =	spop @!p1 (v2sf)  }
0x137: {  	s24 =	sadd.s32 $0xFFFFFFF3, s15;
	[dreg:$0x5] =	wrdreg s0;
	[tilespmem:v7+s28+$0x0] =	vst.idx.msk $0xffff, v6;
	v6 =	vor.u32 s18, v0;
	s0 =	spop (v2sf)  }
0x138: {  	s14 =	simm.s32 $0x4;
	[tilespmem:v4+s28+$0x0] =	vst.idx.msk $0xffff, v5;
	v4 =	vor.u32 s18, v1;
	v5 =	vmov s24;
	s18 =	spop @!p1 (v2sf)  }
0x139: {  	v7 =	vshll.u32 v5, $0x3;
	_ =	swait.ge [sflag:s14], $0x1000  }
0x13a: {  	v5 =	vand.u32 $0x73, v5;
	v7 =	vand.u32 $0xC00, v7;
	[sflag:s14] =	ssyncset.done $0x0  }
0x13b: {  	s24 =	sand.u32 $0x7F, s0;
	s0 =	simm.s32 $0x3200;
	v5 =	vor.u32 v5, v7;
	[sflag:s14] =	ssyncadd.s32 $0xFFFFF000  }
0x13c: {  	v7 =	vor.u32 v2, v5;
	v6 =	vld.idx.msk [tilespmem:v6+s0+$0x0], $0xffff  }
0x13d: {  	s30 =	sand.u32 $0x7F, s22;
	s20 =	sand.u32 @!p1 $0xFFFFF80, s20;
	s22 =	spop (v2sf);
	v5 =	vor.u32 v3, v5;
	v4 =	vld.idx.msk [tilespmem:v4+s0+$0x0], $0xffff  }
0x13e: {  	s21 =	sadd.s32 @!p1 s19, s20;
	s20 =	spop @!p1 (v2sf)  }
0x13f: {  	s1 =	sadd.s32 @!p1 s19, s1;
	s14 =	sand.u32 @!p1 $0xFFFFF80, s20;
	s0 =	simm.s32 @!p1 $0x3200  }
0x140: {  	[tilespmem:s0], [sflag:$0x4] =	stream.strided.gather @!p1 [hbm4b:s1+s17], $0x1000, s16, s17, $0x38;
	[tilespmem:$0x14200] =	vst v63  }
0x141: {  	s14 =	sadd.s32 @!p1 s19, s14;
	s1 =	sadd.s32 $0xFFFFFFF4, s15;
	[tilespmem:v7+s28+$0x0] =	vst.idx.msk $0xffff, v6;
	v6 =	vor.u32 s10, v0  }
0x142: {  	s20 =	spop (v2sf);
	[dreg:$0x4] =	wrdreg s14;
	[tilespmem:v5+s28+$0x0] =	vst.idx.msk $0xffff, v4;
	v4 =	vor.u32 s10, v1;
	v5 =	vmov s1;
	s10 =	simm.s32 $0x5  }
0x143: {  	_ =	swait.ge [sflag:s10], $0x1000;
	v7 =	vshll.u32 v5, $0x3  }
0x144: {  	v5 =	vand.u32 $0x74, v5;
	[sflag:s10] =	ssyncset.done $0x0;
	v7 =	vand.u32 $0xC00, v7  }
0x145: {  	s14 =	simm.s32 $0x4200;
	[sflag:s10] =	ssyncadd.s32 $0xFFFFF000;
	v5 =	vor.u32 v5, v7  }
0x146: {  	v6 =	vld.idx.msk [tilespmem:v6+s14+$0x0], $0xffff;
	v7 =	vor.u32 v2, v5  }
0x147: {  	v5 =	vor.u32 v3, v5;
	v4 =	vld.idx.msk [tilespmem:v4+s14+$0x0], $0xffff;
	_ =	sdelay $0x1  }
0x148: {  	s0 =	simm.s32 @!p1 $0x4200  }
0x149: {  	[tilespmem:s0], [sflag:$0x5] =	stream.strided.gather @!p1 [hbm4b:s12+s17], $0x1000, s16, s17, $0x38;
	[tilespmem:$0x14200] =	vst v63  }
0x14a: {  	s1 =	sadd.s32 $0xFFFFFFF5, s15;
	[tilespmem:v7+s28+$0x0] =	vst.idx.msk $0xffff, v6;
	v6 =	vor.u32 s7, v0  }
0x14b: {  	s10 =	simm.s32 $0x6;
	[tilespmem:v5+s28+$0x0] =	vst.idx.msk $0xffff, v4;
	v4 =	vor.u32 s7, v1;
	v5 =	vmov s1  }
0x14c: {  	_ =	swait.ge [sflag:s10], $0x1000;
	v7 =	vshll.u32 v5, $0x3  }
0x14d: {  	v5 =	vand.u32 $0x75, v5;
	[sflag:s10] =	ssyncset.done $0x0;
	v7 =	vand.u32 $0xC00, v7  }
0x14e: {  	s14 =	simm.s32 $0x5200;
	[sflag:s10] =	ssyncadd.s32 $0xFFFFF000;
	v5 =	vor.u32 v5, v7  }
0x14f: {  	v6 =	vld.idx.msk [tilespmem:v6+s14+$0x0], $0xffff;
	v7 =	vor.u32 v2, v5  }
0x150: {  	v5 =	vor.u32 v3, v5;
	v4 =	vld.idx.msk [tilespmem:v4+s14+$0x0], $0xffff;
	_ =	sdelay $0x1  }
0x151: {  	s0 =	simm.s32 @!p1 $0x5200  }
0x152: {  	[tilespmem:s0], [sflag:$0x6] =	stream.strided.gather @!p1 [hbm4b:s11+s17], $0x1000, s16, s17, $0x38;
	[tilespmem:$0x14200] =	vst v63  }
0x153: {  	s1 =	sadd.s32 $0xFFFFFFF6, s15;
	[tilespmem:v7+s28+$0x0] =	vst.idx.msk $0xffff, v6;
	v6 =	vor.u32 s3, v0  }
0x154: {  	s7 =	simm.s32 $0x7;
	[tilespmem:v5+s28+$0x0] =	vst.idx.msk $0xffff, v4;
	v4 =	vor.u32 s3, v1;
	v5 =	vmov s1  }
0x155: {  	_ =	swait.ge [sflag:s7], $0x1000;
	v7 =	vshll.u32 v5, $0x3  }
0x156: {  	v5 =	vand.u32 $0x76, v5;
	[sflag:s7] =	ssyncset.done $0x0;
	v7 =	vand.u32 $0xC00, v7  }
0x157: {  	s14 =	simm.s32 $0x6200;
	[sflag:s7] =	ssyncadd.s32 $0xFFFFF000;
	v5 =	vor.u32 v5, v7  }
0x158: {  	v6 =	vld.idx.msk [tilespmem:v6+s14+$0x0], $0xffff;
	v7 =	vor.u32 v2, v5  }
0x159: {  	v5 =	vor.u32 v3, v5;
	v4 =	vld.idx.msk [tilespmem:v4+s14+$0x0], $0xffff;
	_ =	sdelay $0x1  }
0x15a: {  	s0 =	simm.s32 @!p1 $0x6200  }
0x15b: {  	[tilespmem:s0], [sflag:$0x7] =	stream.strided.gather @!p1 [hbm4b:s9+s17], $0x1000, s16, s17, $0x38;
	[tilespmem:$0x14200] =	vst v63  }
0x15c: {  	s1 =	sadd.s32 $0xFFFFFFF7, s15;
	[tilespmem:v7+s28+$0x0] =	vst.idx.msk $0xffff, v6;
	v6 =	vor.u32 s31, v0  }
0x15d: {  	s3 =	simm.s32 $0x8;
	[tilespmem:v5+s28+$0x0] =	vst.idx.msk $0xffff, v4;
	v4 =	vor.u32 s31, v1;
	v5 =	vmov s1  }
0x15e: {  	_ =	swait.ge [sflag:s3], $0x1000;
	v7 =	vshll.u32 v5, $0x3  }
0x15f: {  	v5 =	vand.u32 $0x77, v5;
	[sflag:s3] =	ssyncset.done $0x0;
	v7 =	vand.u32 $0xC00, v7  }
0x160: {  	s7 =	simm.s32 $0x7200;
	[sflag:s3] =	ssyncadd.s32 $0xFFFFF000;
	v5 =	vor.u32 v5, v7  }
0x161: {  	v6 =	vld.idx.msk [tilespmem:v6+s7+$0x0], $0xffff;
	v7 =	vor.u32 v2, v5  }
0x162: {  	v5 =	vor.u32 v3, v5;
	v4 =	vld.idx.msk [tilespmem:v4+s7+$0x0], $0xffff;
	_ =	sdelay $0x1  }
0x163: {  	s0 =	simm.s32 @!p1 $0x7200  }
0x164: {  	[tilespmem:s0], [sflag:$0x8] =	stream.strided.gather @!p1 [hbm4b:s8+s17], $0x1000, s16, s17, $0x38;
	[tilespmem:$0x14200] =	vst v63  }
0x165: {  	s9 =	sadd.s32 $0xFFFFFFF8, s15;
	[tilespmem:v7+s28+$0x0] =	vst.idx.msk $0xffff, v6;
	v6 =	vor.u32 s6, v0  }
0x166: {  	s14 =	simm.s32 $0x9;
	[tilespmem:v5+s28+$0x0] =	vst.idx.msk $0xffff, v4;
	v4 =	vor.u32 s6, v1;
	v5 =	vmov s9  }
0x167: {  	_ =	swait.ge [sflag:s14], $0x1000;
	v7 =	vshll.u32 v5, $0x3  }
0x168: {  	v5 =	vand.u32 $0x78, v5;
	[sflag:s14] =	ssyncset.done $0x0;
	v7 =	vand.u32 $0xC00, v7  }
0x169: {  	s31 =	simm.s32 $0x8200;
	[sflag:s14] =	ssyncadd.s32 $0xFFFFF000;
	v5 =	vor.u32 v5, v7  }
0x16a: {  	v6 =	vld.idx.msk [tilespmem:v6+s31+$0x0], $0xffff;
	v7 =	vor.u32 v2, v5  }
0x16b: {  	v5 =	vor.u32 v3, v5;
	v4 =	vld.idx.msk [tilespmem:v4+s31+$0x0], $0xffff;
	_ =	sdelay $0x1  }
0x16c: {  	s0 =	simm.s32 @!p1 $0x8200  }
0x16d: {  	[tilespmem:s0], [sflag:$0x9] =	stream.strided.gather @!p1 [hbm4b:s4+s17], $0x1000, s16, s17, $0x38;
	[tilespmem:$0x14200] =	vst v63  }
0x16e: {  	s1 =	sadd.s32 $0xFFFFFFF9, s15;
	[tilespmem:v7+s28+$0x0] =	vst.idx.msk $0xffff, v6;
	v6 =	vor.u32 s5, v0  }
0x16f: {  	s3 =	simm.s32 $0xA;
	[tilespmem:v5+s28+$0x0] =	vst.idx.msk $0xffff, v4;
	v4 =	vor.u32 s5, v1;
	v5 =	vmov s1  }
0x170: {  	_ =	swait.ge [sflag:s3], $0x1000;
	v7 =	vshll.u32 v5, $0x3  }
0x171: {  	v5 =	vand.u32 $0x79, v5;
	[sflag:s3] =	ssyncset.done $0x0;
	v7 =	vand.u32 $0xC00, v7  }
0x172: {  	s4 =	simm.s32 $0x9200;
	[sflag:s3] =	ssyncadd.s32 $0xFFFFF000;
	v5 =	vor.u32 v5, v7  }
0x173: {  	v6 =	vld.idx.msk [tilespmem:v6+s4+$0x0], $0xffff;
	v7 =	vor.u32 v2, v5  }
0x174: {  	v5 =	vor.u32 v3, v5;
	v4 =	vld.idx.msk [tilespmem:v4+s4+$0x0], $0xffff;
	_ =	sdelay $0x1  }
0x175: {  	s0 =	simm.s32 @!p1 $0x9200  }
0x176: {  	[tilespmem:s0], [sflag:$0xA] =	stream.strided.gather @!p1 [hbm4b:s26+s17], $0x1000, s16, s17, $0x38;
	[tilespmem:$0x14200] =	vst v63  }
0x177: {  	s5 =	sadd.s32 $0xFFFFFFFA, s15;
	[tilespmem:v7+s28+$0x0] =	vst.idx.msk $0xffff, v6;
	v6 =	vor.u32 s2, v0  }
0x178: {  	s6 =	simm.s32 $0xB;
	[tilespmem:v5+s28+$0x0] =	vst.idx.msk $0xffff, v4;
	v4 =	vor.u32 s2, v1;
	v5 =	vmov s5  }
0x179: {  	_ =	swait.ge [sflag:s6], $0x1000;
	v7 =	vshll.u32 v5, $0x3  }
0x17a: {  	v5 =	vand.u32 $0x7A, v5;
	[sflag:s6] =	ssyncset.done $0x0;
	v7 =	vand.u32 $0xC00, v7  }
0x17b: {  	s10 =	simm.s32 $0xA200;
	[sflag:s6] =	ssyncadd.s32 $0xFFFFF000;
	v5 =	vor.u32 v5, v7  }
0x17c: {  	v6 =	vld.idx.msk [tilespmem:v6+s10+$0x0], $0xffff;
	v7 =	vor.u32 v2, v5  }
0x17d: {  	v5 =	vor.u32 v3, v5;
	v4 =	vld.idx.msk [tilespmem:v4+s10+$0x0], $0xffff;
	_ =	sdelay $0x1  }
0x17e: {  	s0 =	simm.s32 @!p1 $0xA200;
	s1 =	rddreg [dreg:$0x6]  }
0x17f: {  	[tilespmem:s0], [sflag:$0xB] =	stream.strided.gather @!p1 [hbm4b:s1+s17], $0x1000, s16, s17, $0x38;
	[tilespmem:$0x14200] =	vst v63  }
0x180: {  	s7 =	sadd.s32 $0xFFFFFFFB, s15;
	[tilespmem:v7+s28+$0x0] =	vst.idx.msk $0xffff, v6;
	v6 =	vor.u32 s30, v0  }
0x181: {  	s8 =	simm.s32 $0xC;
	[tilespmem:v5+s28+$0x0] =	vst.idx.msk $0xffff, v4;
	v4 =	vor.u32 s30, v1;
	v5 =	vmov s7  }
0x182: {  	_ =	swait.ge [sflag:s8], $0x1000;
	v7 =	vshll.u32 v5, $0x3  }
0x183: {  	v5 =	vand.u32 $0x7B, v5;
	[sflag:s8] =	ssyncset.done $0x0;
	v7 =	vand.u32 $0xC00, v7  }
0x184: {  	s11 =	simm.s32 $0xB200;
	[sflag:s8] =	ssyncadd.s32 $0xFFFFF000;
	v5 =	vor.u32 v5, v7  }
0x185: {  	v6 =	vld.idx.msk [tilespmem:v6+s11+$0x0], $0xffff;
	v7 =	vor.u32 v2, v5  }
0x186: {  	v5 =	vor.u32 v3, v5;
	v4 =	vld.idx.msk [tilespmem:v4+s11+$0x0], $0xffff;
	_ =	sdelay $0x1  }
0x187: {  	s0 =	simm.s32 @!p1 $0xB200;
	s1 =	rddreg [dreg:$0x5]  }
0x188: {  	[tilespmem:s0], [sflag:$0xC] =	stream.strided.gather @!p1 [hbm4b:s1+s17], $0x1000, s16, s17, $0x38;
	[tilespmem:$0x14200] =	vst v63  }
0x189: {  	s9 =	sadd.s32 $0xFFFFFFFC, s15;
	[tilespmem:v7+s28+$0x0] =	vst.idx.msk $0xffff, v6;
	v6 =	vor.u32 s25, v0  }
0x18a: {  	s14 =	simm.s32 $0xD;
	[tilespmem:v5+s28+$0x0] =	vst.idx.msk $0xffff, v4;
	v4 =	vor.u32 s25, v1;
	v5 =	vmov s9  }
0x18b: {  	_ =	swait.ge [sflag:s14], $0x1000;
	v7 =	vshll.u32 v5, $0x3  }
0x18c: {  	v5 =	vand.u32 $0x7C, v5;
	[sflag:s14] =	ssyncset.done $0x0;
	v7 =	vand.u32 $0xC00, v7  }
0x18d: {  	s12 =	simm.s32 $0xC200;
	[sflag:s14] =	ssyncadd.s32 $0xFFFFF000;
	v5 =	vor.u32 v5, v7  }
0x18e: {  	v6 =	vld.idx.msk [tilespmem:v6+s12+$0x0], $0xffff;
	v7 =	vor.u32 v2, v5  }
0x18f: {  	v5 =	vor.u32 v3, v5;
	v4 =	vld.idx.msk [tilespmem:v4+s12+$0x0], $0xffff;
	_ =	sdelay $0x1  }
0x190: {  	s0 =	simm.s32 @!p1 $0xC200  }
0x191: {  	[tilespmem:s0], [sflag:$0xD] =	stream.strided.gather @!p1 [hbm4b:s23+s17], $0x1000, s16, s17, $0x38;
	[tilespmem:$0x14200] =	vst v63  }
0x192: {  	s23 =	sadd.s32 $0xFFFFFFFD, s15;
	[tilespmem:v7+s28+$0x0] =	vst.idx.msk $0xffff, v6;
	v6 =	vor.u32 s24, v0  }
0x193: {  	[tilespmem:v5+s28+$0x0] =	vst.idx.msk $0xffff, v4;
	v4 =	vor.u32 s24, v1;
	v5 =	vmov s23;
	s24 =	simm.s32 $0xE  }
0x194: {  	_ =	swait.ge [sflag:s24], $0x1000;
	v7 =	vshll.u32 v5, $0x3  }
0x195: {  	v5 =	vand.u32 $0x7D, v5;
	[sflag:s24] =	ssyncset.done $0x0;
	v7 =	vand.u32 $0xC00, v7  }
0x196: {  	s14 =	simm.s32 $0xD200;
	[sflag:s24] =	ssyncadd.s32 $0xFFFFF000;
	v5 =	vor.u32 v5, v7  }
0x197: {  	v6 =	vld.idx.msk [tilespmem:v6+s14+$0x0], $0xffff;
	v7 =	vor.u32 v2, v5  }
0x198: {  	v5 =	vor.u32 v3, v5;
	v4 =	vld.idx.msk [tilespmem:v4+s14+$0x0], $0xffff;
	_ =	sdelay $0x1  }
0x199: {  	s22 =	sand.u32 $0x7F, s22;
	s0 =	simm.s32 @!p1 $0xD200  }
0x19a: {  	[tilespmem:s0], [sflag:$0xE] =	stream.strided.gather @!p1 [hbm4b:s21+s17], $0x1000, s16, s17, $0x38;
	[tilespmem:$0x14200] =	vst v63  }
0x19b: {  	s25 =	sadd.s32 $0xFFFFFFFE, s15;
	[tilespmem:v7+s28+$0x0] =	vst.idx.msk $0xffff, v6;
	v6 =	vor.u32 s22, v0  }
0x19c: {  	s26 =	simm.s32 $0xF;
	[tilespmem:v5+s28+$0x0] =	vst.idx.msk $0xffff, v4;
	v4 =	vor.u32 s22, v1;
	v5 =	vmov s25  }
0x19d: {  	_ =	swait.ge [sflag:s26], $0x1000;
	v7 =	vshll.u32 v5, $0x3  }
0x19e: {  	v5 =	vand.u32 $0x7E, v5;
	[sflag:s26] =	ssyncset.done $0x0;
	v7 =	vand.u32 $0xC00, v7  }
0x19f: {  	s21 =	simm.s32 $0xE200;
	[sflag:s26] =	ssyncadd.s32 $0xFFFFF000;
	v5 =	vor.u32 v5, v7  }
0x1a0: {  	v6 =	vld.idx.msk [tilespmem:v6+s21+$0x0], $0xffff;
	v7 =	vor.u32 v2, v5  }
0x1a1: {  	v5 =	vor.u32 v3, v5;
	v4 =	vld.idx.msk [tilespmem:v4+s21+$0x0], $0xffff  }
0x1a2: {  	s18 =	sand.u32 @!p1 $0xFFFFF80, s18  }
0x1a3: {  	s18 =	sadd.s32 @!p1 s19, s18;
	s20 =	sand.u32 $0x7F, s20;
	s0 =	simm.s32 @!p1 $0xE200  }
0x1a4: {  	[tilespmem:s0], [sflag:$0xF] =	stream.strided.gather @!p1 [hbm4b:s18+s17], $0x1000, s16, s17, $0x38;
	[tilespmem:$0x14200] =	vst v63  }
0x1a5: {  	s13 =	sadd.s32 $0x10, s13;
	[tilespmem:v7+s28+$0x0] =	vst.idx.msk $0xffff, v6;
	v6 =	vor.u32 s20, v0  }
0x1a6: {  	p0 =	sne.s32 s13, $0x210;
	s31 =	sadd.s32 $0xFFFFFFFF, s15;
	[tilespmem:v5+s28+$0x0] =	vst.idx.msk $0xffff, v4;
	v4 =	vor.u32 s20, v1;
	s20 =	simm.s32 $0x10  }
.Ltmp0:
0x1a7: {  	v5 =	vmov s31;
	_ =	swait.ge [sflag:s20], $0x1000;
	(pc) =	sbr.rel @p0 .LBB2_2-.Ltmp0, $4  }
0x1a8: {  	v7 =	vshll.u32 v5, $0x3;
	[sflag:s20] =	ssyncset.done $0x0  }
0x1a9: {  	s18 =	simm.s32 $0xF200;
	v5 =	vand.u32 $0x7F, v5;
	v7 =	vand.u32 $0xC00, v7;
	[sflag:s20] =	ssyncadd.s32 $0xFFFFF000  }
0x1aa: {  	s30 =	simm.s32 $0x200;
	s0 =	simm.s32 @!p1 $0xF200;
	s1 =	rddreg [dreg:$0x4];
	v8 =	vor.u32 v5, v7;
	v5 =	vld.idx.msk [tilespmem:v6+s18+$0x0], $0xffff  }
0x1ab: {  	v7 =	vor.u32 v2, v8;
	v6 =	vor.u32 v3, v8;
	v4 =	vld.idx.msk [tilespmem:v4+s18+$0x0], $0xffff;
	[tilespmem:s0], [sflag:$0x10] =	stream.strided.gather @!p1 [hbm4b:s1+s17], $0x1000, s16, s17, $0x38  }
0x1ac: {  	_ =	sdelay $0x3  }
0x1ad: {  	[tilespmem:v7+s28+$0x0] =	vst.idx.msk $0xffff, v5  }
0x1ae: {  	s0 =	rddreg [dreg:$0x8];
	s1 =	simm.s32 $0x1000;
	s2 =	simm.s32 $0x20000;
	[tilespmem:v6+s28+$0x0] =	vst.idx.msk $0xffff, v4  }
0x1af: {  	[hbm4b:s0+s1] =	stream.strided.scatter [tilespmem:s28], [sflag:$0x11], $0x4000, s2, s1, $0x38;
	[tilespmem:$0x14200] =	vst v63  }
0x1b0: {  	s2 =	simm.s32 $0x11  }
0x1b1: {  	_ =	swait.ge [sflag:s2], $0x4000  }
0x1b2: {  	s25 =	rddreg [dreg:$0xa]  }
0x1b3: {  	s26 =	rddreg [dreg:$0x9];
	s1 =	sadd.s32 $0x1, s25  }
0x1b4: {  	p0 =	sne.s32 s1, s26  }
.Ltmp1:
0x1b5: {  	s8 =	simm.s32 $0x1200;
	s15 =	simm.s32 $0x2200;
	(pc) =	sbr.rel @p0 .LBB2_1-.Ltmp1, $4  }
0x1b6: {  	s31 =	simm.s32 $0x4200;
	s4 =	simm.s32 $0x5200;
	s5 =	simm.s32 $0x6200  }
0x1b7: {  	s6 =	simm.s32 $0x7200;
	s7 =	simm.s32 $0x8200;
	s9 =	simm.s32 $0x9200  }
0x1b8: {  	s13 =	simm.s32 $0x1;
	s16 =	simm.s32 $0x2;
	[sflag:s2] =	ssyncset.done $0x0  }
0x1b9: {  	s29 =	simm.s32 $0x3;
	[sflag:s2] =	ssyncadd.s32 $0xFFFFC000;
	s26 =	simm.s32 $0x3200  }
0x1ba: {  	_ =	sfence.sel $0x180000  }
0x1bb: {  	[bflag:$0x0] =	sbarrier.arrive $0xFFFF  }
0x1bc: {  	_ =	strace $0x90000047  }
0x1bd: {  	s0 =	stileid.u32;
	[bflag:$0x2] =	sbarrier.arrive $0xFFFF  }
0x1be: {  	p0 =	sne.s32 s0, $0x0;
	s0 =	rddreg [dreg:$0x3]  }
0x1bf: {  	s0 =	sadd.s32 @!p0 $0x100000, s0  }
0x1c0: {  	[sflag:s0] =	ssyncadd.tile.s32 @!p0 $0x1;
	_ =	shalt  }
.Lfunc_end2:
_tile_overlayer_lowered:
.L_overlay_start_2:
0x1c1: {  	(tag) =	ssettag $0x2  }
0x1c2: {  	s0 =	rddreg [dreg:$0x0];
	s2 =	stileid.u32  }
0x1c3: {  	s1 =	rddreg [dreg:$0x1];
	p0 =	sne.s32 s2, $0x0  }
0x1c4: {  	s3 =	rddreg [dreg:$0x2];
	[bflag:$0x3] =	sbarrier.arrive $0xFFFF;
	s2 =	simm.s32 @!p0 $0x1C11  }
0x1c5: {  	[timem:s3], [sflag:s2] =	dma.local @!p0 [hbm:s0], s1  }
0x1c6: {  	s0 =	simm.s32 @!p0 $0x11  }
0x1c7: {  	_ =	swait.ge @!p0 [sflag:s0], s1  }
0x1c8: {  	s1 =	ssub.s32 @!p0 $0x0, s1;
	[sflag:s0] =	ssyncset.done @!p0 $0x0  }
0x1c9: {  	[sflag:s0] =	ssyncadd.s32 @!p0 s1  }
0x1ca: {  	[bflag:$0x3] =	sbarrier.arrive $0xFFFF  }
0x1cb: {  	_ =	shalt  }

</sc_bundles>
